<compile_context>
chip_gen: v7x
topology: tpu7x:2x2x1
jax: 0.10.2.dev20260603
libtpu: 0.0.44.dev20260713+nightly
codegen_flags: <defaults>
</compile_context>

<pallas_src>
import functools

import jax
import jax.numpy as jnp
from jax import lax
from jax.experimental import pallas as pl
from jax.experimental.pallas import tpu as pltpu
from jax.experimental.pallas import tpu_sc as plsc

NUM_SAMPLES_ = 32
NBUF = 7
CHUNK_H = 64


def _subsample_slices(c, t, h, w, ns):
    mesh = plsc.VectorSubcoreMesh(core_axis_name="c", subcore_axis_name="s")
    info = plsc.get_sparse_core_info()
    nc = info.num_cores
    nw = nc * info.num_subcores

    half = CHUNK_H
    per_slice = h // half
    slices_per_worker = (c * ns) // nw
    n_chunks = slices_per_worker * per_slice

    @functools.partial(
        pl.kernel,
        mesh=mesh,
        out_type=jax.ShapeDtypeStruct((c * ns, h, w), jnp.float32),
        scratch_types=[
            pltpu.VMEM((NBUF, half, w), jnp.float32),
            pltpu.SemaphoreType.DMA((NBUF,)),
            pltpu.SemaphoreType.DMA((NBUF,)),
        ],
    )
    def k(x_hbm, out_hbm, bufs, sem_g, sem_s):
        wid = lax.axis_index("s") * nc + lax.axis_index("c")
        r0 = wid * slices_per_worker

        def chunk(q):
            kk, hh = divmod(q, per_slice)
            r = r0 + kk
            cc = r // ns
            j = r % ns
            s = cc * t + (j * (t - 1)) // (ns - 1)
            return r, s, hh * half

        gathers = {}
        stores = {}

        def start_gather(q):
            i = q % NBUF
            _, s, h0 = chunk(q)
            gathers[q] = pltpu.async_copy(
                x_hbm.at[s, pl.ds(h0, half)], bufs.at[i], sem_g.at[i]
            )

        def start_store(q):
            i = q % NBUF
            r, _, h0 = chunk(q)
            stores[q] = pltpu.async_copy(
                bufs.at[i], out_hbm.at[r, pl.ds(h0, half)], sem_s.at[i]
            )

        for q in range(n_chunks + NBUF - 1):
            if q < n_chunks:
                if q >= NBUF:
                    stores.pop(q - NBUF).wait()
                start_gather(q)
            if q >= NBUF - 1:
                qq = q - (NBUF - 1)
                gathers.pop(qq).wait()
                start_store(qq)
        for qq in sorted(stores):
            stores.pop(qq).wait()

    return k


def kernel(x):
    c, t, h, w = x.shape
    ns = NUM_SAMPLES_
    x3 = x.reshape(c * t, h, w)
    out3 = _subsample_slices(c, t, h, w, ns)(x3)
    return out3.reshape(c, ns, h, w)

# --- scband reference (transcript-rebuilt; emitter-appended) ---
"""Pipeline reference for scband-uniform-temporal-subsample-8924942041761 (READ-ONLY COPY).

The authoritative reference and input builder live on the scoring server;
editing this copy changes nothing except your own understanding.
"""

import jax, jax.numpy as jnp
import numpy as np

NUM_SAMPLES = 32

def setup_inputs(seed: int = 0) -> dict:
    key = jax.random.key(seed)
    x = jax.random.normal(key, (3, 128, 256, 256), dtype=jnp.float32)
    return {"x": x}

def reference(x: jnp.ndarray) -> jnp.ndarray:
    # Faithful port of pytorchvideo.transforms.functional.uniform_temporal_subsample
    # temporal_dim = 1 for (C, T, H, W) input (original default temporal_dim=-3)
    t = x.shape[1]
    indices = jnp.linspace(0.0, float(t - 1), NUM_SAMPLES)
    indices = jnp.clip(indices, 0.0, float(t - 1)).astype(jnp.int64)  # .long() truncates
    return jnp.take(x, indices, axis=1)

if __name__ == "__main__":
    import jax
    _d = setup_inputs()
    print(jax.jit(kernel)(*tuple(_d.values())))

</pallas_src>

<mosaic_0001>
#map = affine_map<(d0, d1) -> (0, 0, 0)>
module attributes {stable_mosaic.version = 14 : i64} {
  func.func @k(%arg0: i32, %arg1: i32, %arg2: memref<384x256x256xf32, #tpu.memory_space<hbm>>, %arg3: memref<96x256x256xf32, #tpu.memory_space<hbm>>, %arg4: memref<7x64x256xf32, #tpu.memory_space<vmem>>, %arg5: memref<7x!tpu.dma_semaphore, #tpu.memory_space<semaphore_mem>>, %arg6: memref<7x!tpu.dma_semaphore, #tpu.memory_space<semaphore_mem>>) attributes {dimension_semantics = [#tpu.dimension_semantics<core_parallel>, #tpu.dimension_semantics<subcore_parallel>], iteration_bounds = array<i64: 2, 16>, scalar_prefetch = 0 : i64, scratch_operands = 3 : i64, tpu.core_type = #tpu.core_type<sc_vector_subcore>, window_params = [{transform_indices = #map}, {transform_indices = #map}]} {
    %mul3A = arith.constant 2 : i32
    %mul3A_0 = arith.muli %arg1, %mul3A : i32
    %add3A = arith.addi %mul3A_0, %arg0 : i32
    %mul3A_1 = arith.constant 3 : i32
    %mul3A_2 = arith.muli %add3A, %mul3A_1 : i32
    %add3A_3 = arith.constant 0 : i32
    %add3A_4 = arith.addi %mul3A_2, %add3A_3 : i32
    %jit3A = arith.constant 32 : i32
    %div3A = arith.divsi %add3A_4, %jit3A : i32
    %sign3A = arith.constant 0 : i32
    %sign3A_5 = arith.cmpi sgt, %add3A_4, %sign3A : i32
    %sign3A_6 = arith.extui %sign3A_5 : i1 to i32
    %sign3A_7 = arith.constant 0 : i32
    %sign3A_8 = arith.cmpi slt, %add3A_4, %sign3A_7 : i32
    %sign3A_9 = arith.extui %sign3A_8 : i1 to i32
    %sign3A_10 = arith.subi %sign3A_6, %sign3A_9 : i32
    %sign3A_11 = arith.constant 0 : i32
    %sign3A_12 = arith.cmpi sgt, %jit3A, %sign3A_11 : i32
    %sign3A_13 = arith.extui %sign3A_12 : i1 to i32
    %sign3A_14 = arith.constant 0 : i32
    %sign3A_15 = arith.cmpi slt, %jit3A, %sign3A_14 : i32
    %sign3A_16 = arith.extui %sign3A_15 : i1 to i32
    %sign3A_17 = arith.subi %sign3A_13, %sign3A_16 : i32
    %ne3A = arith.cmpi ne, %sign3A_10, %sign3A_17 : i32
    %rem3A = arith.remsi %add3A_4, %jit3A : i32
    %ne3A_18 = arith.constant 0 : i32
    %ne3A_19 = arith.cmpi ne, %rem3A, %ne3A_18 : i32
    %and3A = arith.andi %ne3A, %ne3A_19 : i1
    %sub3A = arith.constant 1 : i32
    %sub3A_20 = arith.subi %div3A, %sub3A : i32
    %select_n3A = arith.select %and3A, %sub3A_20, %div3A : i32
    %jit3A_21 = arith.constant 32 : i32
    %eq3A = arith.constant 0 : i32
    %eq3A_22 = arith.cmpi eq, %jit3A_21, %eq3A : i32
    %jit3A_23 = arith.constant 1 : i32
    %select_n3A_24 = arith.select %eq3A_22, %jit3A_23, %jit3A_21 : i32
    %rem3A_25 = arith.remsi %add3A_4, %select_n3A_24 : i32
    %ne3A_26 = arith.constant 0 : i32
    %ne3A_27 = arith.cmpi ne, %rem3A_25, %ne3A_26 : i32
    %lt3A = arith.constant 0 : i32
    %lt3A_28 = arith.cmpi slt, %rem3A_25, %lt3A : i32
    %lt3A_29 = arith.constant 0 : i32
    %lt3A_30 = arith.cmpi slt, %select_n3A_24, %lt3A_29 : i32
    %ne3A_31 = arith.xori %lt3A_28, %lt3A_30 : i1
    %and3A_32 = arith.andi %ne3A_31, %ne3A_27 : i1
    %add3A_33 = arith.addi %rem3A_25, %select_n3A_24 : i32
    %select_n3A_34 = arith.select %and3A_32, %add3A_33, %rem3A_25 : i32
    %mul3A_35 = arith.constant 128 : i32
    %mul3A_36 = arith.muli %select_n3A, %mul3A_35 : i32
    %mul3A_37 = arith.constant 127 : i32
    %mul3A_38 = arith.muli %select_n3A_34, %mul3A_37 : i32
    %jit3A_39 = arith.constant 31 : i32
    %div3A_40 = arith.divsi %mul3A_38, %jit3A_39 : i32
    %sign3A_41 = arith.constant 0 : i32
    %sign3A_42 = arith.cmpi sgt, %mul3A_38, %sign3A_41 : i32
    %sign3A_43 = arith.extui %sign3A_42 : i1 to i32
    %sign3A_44 = arith.constant 0 : i32
    %sign3A_45 = arith.cmpi slt, %mul3A_38, %sign3A_44 : i32
    %sign3A_46 = arith.extui %sign3A_45 : i1 to i32
    %sign3A_47 = arith.subi %sign3A_43, %sign3A_46 : i32
    %sign3A_48 = arith.constant 0 : i32
    %sign3A_49 = arith.cmpi sgt, %jit3A_39, %sign3A_48 : i32
    %sign3A_50 = arith.extui %sign3A_49 : i1 to i32
    %sign3A_51 = arith.constant 0 : i32
    %sign3A_52 = arith.cmpi slt, %jit3A_39, %sign3A_51 : i32
    %sign3A_53 = arith.extui %sign3A_52 : i1 to i32
    %sign3A_54 = arith.subi %sign3A_50, %sign3A_53 : i32
    %ne3A_55 = arith.cmpi ne, %sign3A_47, %sign3A_54 : i32
    %rem3A_56 = arith.remsi %mul3A_38, %jit3A_39 : i32
    %ne3A_57 = arith.constant 0 : i32
    %ne3A_58 = arith.cmpi ne, %rem3A_56, %ne3A_57 : i32
    %and3A_59 = arith.andi %ne3A_55, %ne3A_58 : i1
    %sub3A_60 = arith.constant 1 : i32
    %sub3A_61 = arith.subi %div3A_40, %sub3A_60 : i32
    %select_n3A_62 = arith.select %and3A_59, %sub3A_61, %div3A_40 : i32
    %add3A_63 = arith.addi %mul3A_36, %select_n3A_62 : i32
    %dma_start3A = arith.constant 0 : i32
    %dma_start3A_64 = arith.constant 0 : i32
    %dma_start3A_65 = arith.constant 0 : i32
    %dma_start3A_66 = arith.constant 0 : i32
    %dma_start3A_67 = tpu.memref_slice %arg4[%dma_start3A, %dma_start3A_65, %dma_start3A_66] : memref<7x64x256xf32, #tpu.memory_space<vmem>> -> memref<1x64x256xf32, #tpu.memory_space<vmem>>
    %dma_start3A_68 = tpu.memref_squeeze %dma_start3A_67 : memref<1x64x256xf32, #tpu.memory_space<vmem>> -> memref<64x256xf32, #tpu.memory_space<vmem>>
    %dma_start3A_69 = arith.constant 0 : i32
    %dma_start3A_70 = arith.constant 0 : i32
    %dma_start3A_71 = tpu.memref_slice %arg2[%add3A_63, %dma_start3A_69, %dma_start3A_70] : memref<384x256x256xf32, #tpu.memory_space<hbm>> -> memref<1x64x256xf32, #tpu.memory_space<hbm>>
    %dma_start3A_72 = tpu.memref_squeeze %dma_start3A_71 : memref<1x64x256xf32, #tpu.memory_space<hbm>> -> memref<64x256xf32, #tpu.memory_space<hbm>>
    %dma_start3A_73 = tpu.memref_slice %arg5[%dma_start3A_64] : memref<7x!tpu.dma_semaphore, #tpu.memory_space<semaphore_mem>> -> memref<1x!tpu.dma_semaphore, #tpu.memory_space<semaphore_mem>>
    %dma_start3A_74 = tpu.memref_squeeze %dma_start3A_73 : memref<1x!tpu.dma_semaphore, #tpu.memory_space<semaphore_mem>> -> memref<!tpu.dma_semaphore, #tpu.memory_space<semaphore_mem>>
    %dma_start3A_75 = arith.constant 0 : i32
    %dma_start3A_76 = arith.constant 0 : i32
    %dma_start3A_77 = tpu.memref_slice %arg4[%dma_start3A, %dma_start3A_75, %dma_start3A_76] : memref<7x64x256xf32, #tpu.memory_space<vmem>> -> memref<1x64x256xf32, #tpu.memory_space<vmem>>
    %dma_start3A_78 = tpu.memref_squeeze %dma_start3A_77 : memref<1x64x256xf32, #tpu.memory_space<vmem>> -> memref<64x256xf32, #tpu.memory_space<vmem>>
    %dma_start3A_79 = arith.constant 0 : i32
    %dma_start3A_80 = arith.constant 0 : i32
    %dma_start3A_81 = tpu.memref_slice %arg2[%add3A_63, %dma_start3A_79, %dma_start3A_80] : memref<384x256x256xf32, #tpu.memory_space<hbm>> -> memref<1x64x256xf32, #tpu.memory_space<hbm>>
    %dma_start3A_82 = tpu.memref_squeeze %dma_start3A_81 : memref<1x64x256xf32, #tpu.memory_space<hbm>> -> memref<64x256xf32, #tpu.memory_space<hbm>>
    tpu.enqueue_dma source(%dma_start3A_82 : memref<64x256xf32, #tpu.memory_space<hbm>>) target(%dma_start3A_78 : memref<64x256xf32, #tpu.memory_space<vmem>>) target_semaphore(%dma_start3A_74 : memref<!tpu.dma_semaphore, #tpu.memory_space<semaphore_mem>>)
    %add3A_83 = arith.constant 0 : i32
    %add3A_84 = arith.addi %mul3A_2, %add3A_83 : i32
    %jit3A_85 = arith.constant 32 : i32
    %div3A_86 = arith.divsi %add3A_84, %jit3A_85 : i32
    %sign3A_87 = arith.constant 0 : i32
    %sign3A_88 = arith.cmpi sgt, %add3A_84, %sign3A_87 : i32
    %sign3A_89 = arith.extui %sign3A_88 : i1 to i32
    %sign3A_90 = arith.constant 0 : i32
    %sign3A_91 = arith.cmpi slt, %add3A_84, %sign3A_90 : i32
    %sign3A_92 = arith.extui %sign3A_91 : i1 to i32
    %sign3A_93 = arith.subi %sign3A_89, %sign3A_92 : i32
    %sign3A_94 = arith.constant 0 : i32
    %sign3A_95 = arith.cmpi sgt, %jit3A_85, %sign3A_94 : i32
    %sign3A_96 = arith.extui %sign3A_95 : i1 to i32
    %sign3A_97 = arith.constant 0 : i32
    %sign3A_98 = arith.cmpi slt, %jit3A_85, %sign3A_97 : i32
    %sign3A_99 = arith.extui %sign3A_98 : i1 to i32
    %sign3A_100 = arith.subi %sign3A_96, %sign3A_99 : i32
    %ne3A_101 = arith.cmpi ne, %sign3A_93, %sign3A_100 : i32
    %rem3A_102 = arith.remsi %add3A_84, %jit3A_85 : i32
    %ne3A_103 = arith.constant 0 : i32
    %ne3A_104 = arith.cmpi ne, %rem3A_102, %ne3A_103 : i32
    %and3A_105 = arith.andi %ne3A_101, %ne3A_104 : i1
    %sub3A_106 = arith.constant 1 : i32
    %sub3A_107 = arith.subi %div3A_86, %sub3A_106 : i32
    %select_n3A_108 = arith.select %and3A_105, %sub3A_107, %div3A_86 : i32
    %jit3A_109 = arith.constant 32 : i32
    %eq3A_110 = arith.constant 0 : i32
    %eq3A_111 = arith.cmpi eq, %jit3A_109, %eq3A_110 : i32
    %jit3A_112 = arith.constant 1 : i32
    %select_n3A_113 = arith.select %eq3A_111, %jit3A_112, %jit3A_109 : i32
    %rem3A_114 = arith.remsi %add3A_84, %select_n3A_113 : i32
    %ne3A_115 = arith.constant 0 : i32
    %ne3A_116 = arith.cmpi ne, %rem3A_114, %ne3A_115 : i32
    %lt3A_117 = arith.constant 0 : i32
    %lt3A_118 = arith.cmpi slt, %rem3A_114, %lt3A_117 : i32
    %lt3A_119 = arith.constant 0 : i32
    %lt3A_120 = arith.cmpi slt, %select_n3A_113, %lt3A_119 : i32
    %ne3A_121 = arith.xori %lt3A_118, %lt3A_120 : i1
    %and3A_122 = arith.andi %ne3A_121, %ne3A_116 : i1
    %add3A_123 = arith.addi %rem3A_114, %select_n3A_113 : i32
    %select_n3A_124 = arith.select %and3A_122, %add3A_123, %rem3A_114 : i32
    %mul3A_125 = arith.constant 128 : i32
    %mul3A_126 = arith.muli %select_n3A_108, %mul3A_125 : i32
    %mul3A_127 = arith.constant 127 : i32
    %mul3A_128 = arith.muli %select_n3A_124, %mul3A_127 : i32
    %jit3A_129 = arith.constant 31 : i32
    %div3A_130 = arith.divsi %mul3A_128, %jit3A_129 : i32
    %sign3A_131 = arith.constant 0 : i32
    %sign3A_132 = arith.cmpi sgt, %mul3A_128, %sign3A_131 : i32
    %sign3A_133 = arith.extui %sign3A_132 : i1 to i32
    %sign3A_134 = arith.constant 0 : i32
    %sign3A_135 = arith.cmpi slt, %mul3A_128, %sign3A_134 : i32
    %sign3A_136 = arith.extui %sign3A_135 : i1 to i32
    %sign3A_137 = arith.subi %sign3A_133, %sign3A_136 : i32
    %sign3A_138 = arith.constant 0 : i32
    %sign3A_139 = arith.cmpi sgt, %jit3A_129, %sign3A_138 : i32
    %sign3A_140 = arith.extui %sign3A_139 : i1 to i32
    %sign3A_141 = arith.constant 0 : i32
    %sign3A_142 = arith.cmpi slt, %jit3A_129, %sign3A_141 : i32
    %sign3A_143 = arith.extui %sign3A_142 : i1 to i32
    %sign3A_144 = arith.subi %sign3A_140, %sign3A_143 : i32
    %ne3A_145 = arith.cmpi ne, %sign3A_137, %sign3A_144 : i32
    %rem3A_146 = arith.remsi %mul3A_128, %jit3A_129 : i32
    %ne3A_147 = arith.constant 0 : i32
    %ne3A_148 = arith.cmpi ne, %rem3A_146, %ne3A_147 : i32
    %and3A_149 = arith.andi %ne3A_145, %ne3A_148 : i1
    %sub3A_150 = arith.constant 1 : i32
    %sub3A_151 = arith.subi %div3A_130, %sub3A_150 : i32
    %select_n3A_152 = arith.select %and3A_149, %sub3A_151, %div3A_130 : i32
    %add3A_153 = arith.addi %mul3A_126, %select_n3A_152 : i32
    %dma_start3A_154 = arith.constant 1 : i32
    %dma_start3A_155 = arith.constant 1 : i32
    %dma_start3A_156 = arith.constant 0 : i32
    %dma_start3A_157 = arith.constant 0 : i32
    %dma_start3A_158 = tpu.memref_slice %arg4[%dma_start3A_154, %dma_start3A_156, %dma_start3A_157] : memref<7x64x256xf32, #tpu.memory_space<vmem>> -> memref<1x64x256xf32, #tpu.memory_space<vmem>>
    %dma_start3A_159 = tpu.memref_squeeze %dma_start3A_158 : memref<1x64x256xf32, #tpu.memory_space<vmem>> -> memref<64x256xf32, #tpu.memory_space<vmem>>
    %dma_start3A_160 = arith.constant 64 : i32
    %dma_start3A_161 = arith.constant 0 : i32
    %dma_start3A_162 = tpu.memref_slice %arg2[%add3A_153, %dma_start3A_160, %dma_start3A_161] : memref<384x256x256xf32, #tpu.memory_space<hbm>> -> memref<1x64x256xf32, #tpu.memory_space<hbm>>
    %dma_start3A_163 = tpu.memref_squeeze %dma_start3A_162 : memref<1x64x256xf32, #tpu.memory_space<hbm>> -> memref<64x256xf32, #tpu.memory_space<hbm>>
    %dma_start3A_164 = tpu.memref_slice %arg5[%dma_start3A_155] : memref<7x!tpu.dma_semaphore, #tpu.memory_space<semaphore_mem>> -> memref<1x!tpu.dma_semaphore, #tpu.memory_space<semaphore_mem>>
    %dma_start3A_165 = tpu.memref_squeeze %dma_start3A_164 : memref<1x!tpu.dma_semaphore, #tpu.memory_space<semaphore_mem>> -> memref<!tpu.dma_semaphore, #tpu.memory_space<semaphore_mem>>
    %dma_start3A_166 = arith.constant 0 : i32
    %dma_start3A_167 = arith.constant 0 : i32
    %dma_start3A_168 = tpu.memref_slice %arg4[%dma_start3A_154, %dma_start3A_166, %dma_start3A_167] : memref<7x64x256xf32, #tpu.memory_space<vmem>> -> memref<1x64x256xf32, #tpu.memory_space<vmem>>
    %dma_start3A_169 = tpu.memref_squeeze %dma_start3A_168 : memref<1x64x256xf32, #tpu.memory_space<vmem>> -> memref<64x256xf32, #tpu.memory_space<vmem>>
    %dma_start3A_170 = arith.constant 64 : i32
    %dma_start3A_171 = arith.constant 0 : i32
    %dma_start3A_172 = tpu.memref_slice %arg2[%add3A_153, %dma_start3A_170, %dma_start3A_171] : memref<384x256x256xf32, #tpu.memory_space<hbm>> -> memref<1x64x256xf32, #tpu.memory_space<hbm>>
    %dma_start3A_173 = tpu.memref_squeeze %dma_start3A_172 : memref<1x64x256xf32, #tpu.memory_space<hbm>> -> memref<64x256xf32, #tpu.memory_space<hbm>>
    tpu.enqueue_dma source(%dma_start3A_173 : memref<64x256xf32, #tpu.memory_space<hbm>>) target(%dma_start3A_169 : memref<64x256xf32, #tpu.memory_space<vmem>>) target_semaphore(%dma_start3A_165 : memref<!tpu.dma_semaphore, #tpu.memory_space<semaphore_mem>>)
    %add3A_174 = arith.constant 0 : i32
    %add3A_175 = arith.addi %mul3A_2, %add3A_174 : i32
    %jit3A_176 = arith.constant 32 : i32
    %div3A_177 = arith.divsi %add3A_175, %jit3A_176 : i32
    %sign3A_178 = arith.constant 0 : i32
    %sign3A_179 = arith.cmpi sgt, %add3A_175, %sign3A_178 : i32
    %sign3A_180 = arith.extui %sign3A_179 : i1 to i32
    %sign3A_181 = arith.constant 0 : i32
    %sign3A_182 = arith.cmpi slt, %add3A_175, %sign3A_181 : i32
    %sign3A_183 = arith.extui %sign3A_182 : i1 to i32
    %sign3A_184 = arith.subi %sign3A_180, %sign3A_183 : i32
    %sign3A_185 = arith.constant 0 : i32
    %sign3A_186 = arith.cmpi sgt, %jit3A_176, %sign3A_185 : i32
    %sign3A_187 = arith.extui %sign3A_186 : i1 to i32
    %sign3A_188 = arith.constant 0 : i32
    %sign3A_189 = arith.cmpi slt, %jit3A_176, %sign3A_188 : i32
    %sign3A_190 = arith.extui %sign3A_189 : i1 to i32
    %sign3A_191 = arith.subi %sign3A_187, %sign3A_190 : i32
    %ne3A_192 = arith.cmpi ne, %sign3A_184, %sign3A_191 : i32
    %rem3A_193 = arith.remsi %add3A_175, %jit3A_176 : i32
    %ne3A_194 = arith.constant 0 : i32
    %ne3A_195 = arith.cmpi ne, %rem3A_193, %ne3A_194 : i32
    %and3A_196 = arith.andi %ne3A_192, %ne3A_195 : i1
    %sub3A_197 = arith.constant 1 : i32
    %sub3A_198 = arith.subi %div3A_177, %sub3A_197 : i32
    %select_n3A_199 = arith.select %and3A_196, %sub3A_198, %div3A_177 : i32
    %jit3A_200 = arith.constant 32 : i32
    %eq3A_201 = arith.constant 0 : i32
    %eq3A_202 = arith.cmpi eq, %jit3A_200, %eq3A_201 : i32
    %jit3A_203 = arith.constant 1 : i32
    %select_n3A_204 = arith.select %eq3A_202, %jit3A_203, %jit3A_200 : i32
    %rem3A_205 = arith.remsi %add3A_175, %select_n3A_204 : i32
    %ne3A_206 = arith.constant 0 : i32
    %ne3A_207 = arith.cmpi ne, %rem3A_205, %ne3A_206 : i32
    %lt3A_208 = arith.constant 0 : i32
    %lt3A_209 = arith.cmpi slt, %rem3A_205, %lt3A_208 : i32
    %lt3A_210 = arith.constant 0 : i32
    %lt3A_211 = arith.cmpi slt, %select_n3A_204, %lt3A_210 : i32
    %ne3A_212 = arith.xori %lt3A_209, %lt3A_211 : i1
    %and3A_213 = arith.andi %ne3A_212, %ne3A_207 : i1
    %add3A_214 = arith.addi %rem3A_205, %select_n3A_204 : i32
    %select_n3A_215 = arith.select %and3A_213, %add3A_214, %rem3A_205 : i32
    %mul3A_216 = arith.constant 128 : i32
    %mul3A_217 = arith.muli %select_n3A_199, %mul3A_216 : i32
    %mul3A_218 = arith.constant 127 : i32
    %mul3A_219 = arith.muli %select_n3A_215, %mul3A_218 : i32
    %jit3A_220 = arith.constant 31 : i32
    %div3A_221 = arith.divsi %mul3A_219, %jit3A_220 : i32
    %sign3A_222 = arith.constant 0 : i32
    %sign3A_223 = arith.cmpi sgt, %mul3A_219, %sign3A_222 : i32
    %sign3A_224 = arith.extui %sign3A_223 : i1 to i32
    %sign3A_225 = arith.constant 0 : i32
    %sign3A_226 = arith.cmpi slt, %mul3A_219, %sign3A_225 : i32
    %sign3A_227 = arith.extui %sign3A_226 : i1 to i32
    %sign3A_228 = arith.subi %sign3A_224, %sign3A_227 : i32
    %sign3A_229 = arith.constant 0 : i32
    %sign3A_230 = arith.cmpi sgt, %jit3A_220, %sign3A_229 : i32
    %sign3A_231 = arith.extui %sign3A_230 : i1 to i32
    %sign3A_232 = arith.constant 0 : i32
    %sign3A_233 = arith.cmpi slt, %jit3A_220, %sign3A_232 : i32
    %sign3A_234 = arith.extui %sign3A_233 : i1 to i32
    %sign3A_235 = arith.subi %sign3A_231, %sign3A_234 : i32
    %ne3A_236 = arith.cmpi ne, %sign3A_228, %sign3A_235 : i32
    %rem3A_237 = arith.remsi %mul3A_219, %jit3A_220 : i32
    %ne3A_238 = arith.constant 0 : i32
    %ne3A_239 = arith.cmpi ne, %rem3A_237, %ne3A_238 : i32
    %and3A_240 = arith.andi %ne3A_236, %ne3A_239 : i1
    %sub3A_241 = arith.constant 1 : i32
    %sub3A_242 = arith.subi %div3A_221, %sub3A_241 : i32
    %select_n3A_243 = arith.select %and3A_240, %sub3A_242, %div3A_221 : i32
    %add3A_244 = arith.addi %mul3A_217, %select_n3A_243 : i32
    %dma_start3A_245 = arith.constant 2 : i32
    %dma_start3A_246 = arith.constant 2 : i32
    %dma_start3A_247 = arith.constant 0 : i32
    %dma_start3A_248 = arith.constant 0 : i32
    %dma_start3A_249 = tpu.memref_slice %arg4[%dma_start3A_245, %dma_start3A_247, %dma_start3A_248] : memref<7x64x256xf32, #tpu.memory_space<vmem>> -> memref<1x64x256xf32, #tpu.memory_space<vmem>>
    %dma_start3A_250 = tpu.memref_squeeze %dma_start3A_249 : memref<1x64x256xf32, #tpu.memory_space<vmem>> -> memref<64x256xf32, #tpu.memory_space<vmem>>
    %dma_start3A_251 = arith.constant 128 : i32
    %dma_start3A_252 = arith.constant 0 : i32
    %dma_start3A_253 = tpu.memref_slice %arg2[%add3A_244, %dma_start3A_251, %dma_start3A_252] : memref<384x256x256xf32, #tpu.memory_space<hbm>> -> memref<1x64x256xf32, #tpu.memory_space<hbm>>
    %dma_start3A_254 = tpu.memref_squeeze %dma_start3A_253 : memref<1x64x256xf32, #tpu.memory_space<hbm>> -> memref<64x256xf32, #tpu.memory_space<hbm>>
    %dma_start3A_255 = tpu.memref_slice %arg5[%dma_start3A_246] : memref<7x!tpu.dma_semaphore, #tpu.memory_space<semaphore_mem>> -> memref<1x!tpu.dma_semaphore, #tpu.memory_space<semaphore_mem>>
    %dma_start3A_256 = tpu.memref_squeeze %dma_start3A_255 : memref<1x!tpu.dma_semaphore, #tpu.memory_space<semaphore_mem>> -> memref<!tpu.dma_semaphore, #tpu.memory_space<semaphore_mem>>
    %dma_start3A_257 = arith.constant 0 : i32
    %dma_start3A_258 = arith.constant 0 : i32
    %dma_start3A_259 = tpu.memref_slice %arg4[%dma_start3A_245, %dma_start3A_257, %dma_start3A_258] : memref<7x64x256xf32, #tpu.memory_space<vmem>> -> memref<1x64x256xf32, #tpu.memory_space<vmem>>
    %dma_start3A_260 = tpu.memref_squeeze %dma_start3A_259 : memref<1x64x256xf32, #tpu.memory_space<vmem>> -> memref<64x256xf32, #tpu.memory_space<vmem>>
    %dma_start3A_261 = arith.constant 128 : i32
    %dma_start3A_262 = arith.constant 0 : i32
    %dma_start3A_263 = tpu.memref_slice %arg2[%add3A_244, %dma_start3A_261, %dma_start3A_262] : memref<384x256x256xf32, #tpu.memory_space<hbm>> -> memref<1x64x256xf32, #tpu.memory_space<hbm>>
    %dma_start3A_264 = tpu.memref_squeeze %dma_start3A_263 : memref<1x64x256xf32, #tpu.memory_space<hbm>> -> memref<64x256xf32, #tpu.memory_space<hbm>>
    tpu.enqueue_dma source(%dma_start3A_264 : memref<64x256xf32, #tpu.memory_space<hbm>>) target(%dma_start3A_260 : memref<64x256xf32, #tpu.memory_space<vmem>>) target_semaphore(%dma_start3A_256 : memref<!tpu.dma_semaphore, #tpu.memory_space<semaphore_mem>>)
    %add3A_265 = arith.constant 0 : i32
    %add3A_266 = arith.addi %mul3A_2, %add3A_265 : i32
    %jit3A_267 = arith.constant 32 : i32
    %div3A_268 = arith.divsi %add3A_266, %jit3A_267 : i32
    %sign3A_269 = arith.constant 0 : i32
    %sign3A_270 = arith.cmpi sgt, %add3A_266, %sign3A_269 : i32
    %sign3A_271 = arith.extui %sign3A_270 : i1 to i32
    %sign3A_272 = arith.constant 0 : i32
    %sign3A_273 = arith.cmpi slt, %add3A_266, %sign3A_272 : i32
    %sign3A_274 = arith.extui %sign3A_273 : i1 to i32
    %sign3A_275 = arith.subi %sign3A_271, %sign3A_274 : i32
    %sign3A_276 = arith.constant 0 : i32
    %sign3A_277 = arith.cmpi sgt, %jit3A_267, %sign3A_276 : i32
    %sign3A_278 = arith.extui %sign3A_277 : i1 to i32
    %sign3A_279 = arith.constant 0 : i32
    %sign3A_280 = arith.cmpi slt, %jit3A_267, %sign3A_279 : i32
    %sign3A_281 = arith.extui %sign3A_280 : i1 to i32
    %sign3A_282 = arith.subi %sign3A_278, %sign3A_281 : i32
    %ne3A_283 = arith.cmpi ne, %sign3A_275, %sign3A_282 : i32
    %rem3A_284 = arith.remsi %add3A_266, %jit3A_267 : i32
    %ne3A_285 = arith.constant 0 : i32
    %ne3A_286 = arith.cmpi ne, %rem3A_284, %ne3A_285 : i32
    %and3A_287 = arith.andi %ne3A_283, %ne3A_286 : i1
    %sub3A_288 = arith.constant 1 : i32
    %sub3A_289 = arith.subi %div3A_268, %sub3A_288 : i32
    %select_n3A_290 = arith.select %and3A_287, %sub3A_289, %div3A_268 : i32
    %jit3A_291 = arith.constant 32 : i32
    %eq3A_292 = arith.constant 0 : i32
    %eq3A_293 = arith.cmpi eq, %jit3A_291, %eq3A_292 : i32
    %jit3A_294 = arith.constant 1 : i32
    %select_n3A_295 = arith.select %eq3A_293, %jit3A_294, %jit3A_291 : i32
    %rem3A_296 = arith.remsi %add3A_266, %select_n3A_295 : i32
    %ne3A_297 = arith.constant 0 : i32
    %ne3A_298 = arith.cmpi ne, %rem3A_296, %ne3A_297 : i32
    %lt3A_299 = arith.constant 0 : i32
    %lt3A_300 = arith.cmpi slt, %rem3A_296, %lt3A_299 : i32
    %lt3A_301 = arith.constant 0 : i32
    %lt3A_302 = arith.cmpi slt, %select_n3A_295, %lt3A_301 : i32
    %ne3A_303 = arith.xori %lt3A_300, %lt3A_302 : i1
    %and3A_304 = arith.andi %ne3A_303, %ne3A_298 : i1
    %add3A_305 = arith.addi %rem3A_296, %select_n3A_295 : i32
    %select_n3A_306 = arith.select %and3A_304, %add3A_305, %rem3A_296 : i32
    %mul3A_307 = arith.constant 128 : i32
    %mul3A_308 = arith.muli %select_n3A_290, %mul3A_307 : i32
    %mul3A_309 = arith.constant 127 : i32
    %mul3A_310 = arith.muli %select_n3A_306, %mul3A_309 : i32
    %jit3A_311 = arith.constant 31 : i32
    %div3A_312 = arith.divsi %mul3A_310, %jit3A_311 : i32
    %sign3A_313 = arith.constant 0 : i32
    %sign3A_314 = arith.cmpi sgt, %mul3A_310, %sign3A_313 : i32
    %sign3A_315 = arith.extui %sign3A_314 : i1 to i32
    %sign3A_316 = arith.constant 0 : i32
    %sign3A_317 = arith.cmpi slt, %mul3A_310, %sign3A_316 : i32
    %sign3A_318 = arith.extui %sign3A_317 : i1 to i32
    %sign3A_319 = arith.subi %sign3A_315, %sign3A_318 : i32
    %sign3A_320 = arith.constant 0 : i32
    %sign3A_321 = arith.cmpi sgt, %jit3A_311, %sign3A_320 : i32
    %sign3A_322 = arith.extui %sign3A_321 : i1 to i32
    %sign3A_323 = arith.constant 0 : i32
    %sign3A_324 = arith.cmpi slt, %jit3A_311, %sign3A_323 : i32
    %sign3A_325 = arith.extui %sign3A_324 : i1 to i32
    %sign3A_326 = arith.subi %sign3A_322, %sign3A_325 : i32
    %ne3A_327 = arith.cmpi ne, %sign3A_319, %sign3A_326 : i32
    %rem3A_328 = arith.remsi %mul3A_310, %jit3A_311 : i32
    %ne3A_329 = arith.constant 0 : i32
    %ne3A_330 = arith.cmpi ne, %rem3A_328, %ne3A_329 : i32
    %and3A_331 = arith.andi %ne3A_327, %ne3A_330 : i1
    %sub3A_332 = arith.constant 1 : i32
    %sub3A_333 = arith.subi %div3A_312, %sub3A_332 : i32
    %select_n3A_334 = arith.select %and3A_331, %sub3A_333, %div3A_312 : i32
    %add3A_335 = arith.addi %mul3A_308, %select_n3A_334 : i32
    %dma_start3A_336 = arith.constant 3 : i32
    %dma_start3A_337 = arith.constant 3 : i32
    %dma_start3A_338 = arith.constant 0 : i32
    %dma_start3A_339 = arith.constant 0 : i32
    %dma_start3A_340 = tpu.memref_slice %arg4[%dma_start3A_336, %dma_start3A_338, %dma_start3A_339] : memref<7x64x256xf32, #tpu.memory_space<vmem>> -> memref<1x64x256xf32, #tpu.memory_space<vmem>>
    %dma_start3A_341 = tpu.memref_squeeze %dma_start3A_340 : memref<1x64x256xf32, #tpu.memory_space<vmem>> -> memref<64x256xf32, #tpu.memory_space<vmem>>
    %dma_start3A_342 = arith.constant 192 : i32
    %dma_start3A_343 = arith.constant 0 : i32
    %dma_start3A_344 = tpu.memref_slice %arg2[%add3A_335, %dma_start3A_342, %dma_start3A_343] : memref<384x256x256xf32, #tpu.memory_space<hbm>> -> memref<1x64x256xf32, #tpu.memory_space<hbm>>
    %dma_start3A_345 = tpu.memref_squeeze %dma_start3A_344 : memref<1x64x256xf32, #tpu.memory_space<hbm>> -> memref<64x256xf32, #tpu.memory_space<hbm>>
    %dma_start3A_346 = tpu.memref_slice %arg5[%dma_start3A_337] : memref<7x!tpu.dma_semaphore, #tpu.memory_space<semaphore_mem>> -> memref<1x!tpu.dma_semaphore, #tpu.memory_space<semaphore_mem>>
    %dma_start3A_347 = tpu.memref_squeeze %dma_start3A_346 : memref<1x!tpu.dma_semaphore, #tpu.memory_space<semaphore_mem>> -> memref<!tpu.dma_semaphore, #tpu.memory_space<semaphore_mem>>
    %dma_start3A_348 = arith.constant 0 : i32
    %dma_start3A_349 = arith.constant 0 : i32
    %dma_start3A_350 = tpu.memref_slice %arg4[%dma_start3A_336, %dma_start3A_348, %dma_start3A_349] : memref<7x64x256xf32, #tpu.memory_space<vmem>> -> memref<1x64x256xf32, #tpu.memory_space<vmem>>
    %dma_start3A_351 = tpu.memref_squeeze %dma_start3A_350 : memref<1x64x256xf32, #tpu.memory_space<vmem>> -> memref<64x256xf32, #tpu.memory_space<vmem>>
    %dma_start3A_352 = arith.constant 192 : i32
    %dma_start3A_353 = arith.constant 0 : i32
    %dma_start3A_354 = tpu.memref_slice %arg2[%add3A_335, %dma_start3A_352, %dma_start3A_353] : memref<384x256x256xf32, #tpu.memory_space<hbm>> -> memref<1x64x256xf32, #tpu.memory_space<hbm>>
    %dma_start3A_355 = tpu.memref_squeeze %dma_start3A_354 : memref<1x64x256xf32, #tpu.memory_space<hbm>> -> memref<64x256xf32, #tpu.memory_space<hbm>>
    tpu.enqueue_dma source(%dma_start3A_355 : memref<64x256xf32, #tpu.memory_space<hbm>>) target(%dma_start3A_351 : memref<64x256xf32, #tpu.memory_space<vmem>>) target_semaphore(%dma_start3A_347 : memref<!tpu.dma_semaphore, #tpu.memory_space<semaphore_mem>>)
    %add3A_356 = arith.constant 1 : i32
    %add3A_357 = arith.addi %mul3A_2, %add3A_356 : i32
    %jit3A_358 = arith.constant 32 : i32
    %div3A_359 = arith.divsi %add3A_357, %jit3A_358 : i32
    %sign3A_360 = arith.constant 0 : i32
    %sign3A_361 = arith.cmpi sgt, %add3A_357, %sign3A_360 : i32
    %sign3A_362 = arith.extui %sign3A_361 : i1 to i32
    %sign3A_363 = arith.constant 0 : i32
    %sign3A_364 = arith.cmpi slt, %add3A_357, %sign3A_363 : i32
    %sign3A_365 = arith.extui %sign3A_364 : i1 to i32
    %sign3A_366 = arith.subi %sign3A_362, %sign3A_365 : i32
    %sign3A_367 = arith.constant 0 : i32
    %sign3A_368 = arith.cmpi sgt, %jit3A_358, %sign3A_367 : i32
    %sign3A_369 = arith.extui %sign3A_368 : i1 to i32
    %sign3A_370 = arith.constant 0 : i32
    %sign3A_371 = arith.cmpi slt, %jit3A_358, %sign3A_370 : i32
    %sign3A_372 = arith.extui %sign3A_371 : i1 to i32
    %sign3A_373 = arith.subi %sign3A_369, %sign3A_372 : i32
    %ne3A_374 = arith.cmpi ne, %sign3A_366, %sign3A_373 : i32
    %rem3A_375 = arith.remsi %add3A_357, %jit3A_358 : i32
    %ne3A_376 = arith.constant 0 : i32
    %ne3A_377 = arith.cmpi ne, %rem3A_375, %ne3A_376 : i32
    %and3A_378 = arith.andi %ne3A_374, %ne3A_377 : i1
    %sub3A_379 = arith.constant 1 : i32
    %sub3A_380 = arith.subi %div3A_359, %sub3A_379 : i32
    %select_n3A_381 = arith.select %and3A_378, %sub3A_380, %div3A_359 : i32
    %jit3A_382 = arith.constant 32 : i32
    %eq3A_383 = arith.constant 0 : i32
    %eq3A_384 = arith.cmpi eq, %jit3A_382, %eq3A_383 : i32
    %jit3A_385 = arith.constant 1 : i32
    %select_n3A_386 = arith.select %eq3A_384, %jit3A_385, %jit3A_382 : i32
    %rem3A_387 = arith.remsi %add3A_357, %select_n3A_386 : i32
    %ne3A_388 = arith.constant 0 : i32
    %ne3A_389 = arith.cmpi ne, %rem3A_387, %ne3A_388 : i32
    %lt3A_390 = arith.constant 0 : i32
    %lt3A_391 = arith.cmpi slt, %rem3A_387, %lt3A_390 : i32
    %lt3A_392 = arith.constant 0 : i32
    %lt3A_393 = arith.cmpi slt, %select_n3A_386, %lt3A_392 : i32
    %ne3A_394 = arith.xori %lt3A_391, %lt3A_393 : i1
    %and3A_395 = arith.andi %ne3A_394, %ne3A_389 : i1
    %add3A_396 = arith.addi %rem3A_387, %select_n3A_386 : i32
    %select_n3A_397 = arith.select %and3A_395, %add3A_396, %rem3A_387 : i32
    %mul3A_398 = arith.constant 128 : i32
    %mul3A_399 = arith.muli %select_n3A_381, %mul3A_398 : i32
    %mul3A_400 = arith.constant 127 : i32
    %mul3A_401 = arith.muli %select_n3A_397, %mul3A_400 : i32
    %jit3A_402 = arith.constant 31 : i32
    %div3A_403 = arith.divsi %mul3A_401, %jit3A_402 : i32
    %sign3A_404 = arith.constant 0 : i32
    %sign3A_405 = arith.cmpi sgt, %mul3A_401, %sign3A_404 : i32
    %sign3A_406 = arith.extui %sign3A_405 : i1 to i32
    %sign3A_407 = arith.constant 0 : i32
    %sign3A_408 = arith.cmpi slt, %mul3A_401, %sign3A_407 : i32
    %sign3A_409 = arith.extui %sign3A_408 : i1 to i32
    %sign3A_410 = arith.subi %sign3A_406, %sign3A_409 : i32
    %sign3A_411 = arith.constant 0 : i32
    %sign3A_412 = arith.cmpi sgt, %jit3A_402, %sign3A_411 : i32
    %sign3A_413 = arith.extui %sign3A_412 : i1 to i32
    %sign3A_414 = arith.constant 0 : i32
    %sign3A_415 = arith.cmpi slt, %jit3A_402, %sign3A_414 : i32
    %sign3A_416 = arith.extui %sign3A_415 : i1 to i32
    %sign3A_417 = arith.subi %sign3A_413, %sign3A_416 : i32
    %ne3A_418 = arith.cmpi ne, %sign3A_410, %sign3A_417 : i32
    %rem3A_419 = arith.remsi %mul3A_401, %jit3A_402 : i32
    %ne3A_420 = arith.constant 0 : i32
    %ne3A_421 = arith.cmpi ne, %rem3A_419, %ne3A_420 : i32
    %and3A_422 = arith.andi %ne3A_418, %ne3A_421 : i1
    %sub3A_423 = arith.constant 1 : i32
    %sub3A_424 = arith.subi %div3A_403, %sub3A_423 : i32
    %select_n3A_425 = arith.select %and3A_422, %sub3A_424, %div3A_403 : i32
    %add3A_426 = arith.addi %mul3A_399, %select_n3A_425 : i32
    %dma_start3A_427 = arith.constant 4 : i32
    %dma_start3A_428 = arith.constant 4 : i32
    %dma_start3A_429 = arith.constant 0 : i32
    %dma_start3A_430 = arith.constant 0 : i32
    %dma_start3A_431 = tpu.memref_slice %arg4[%dma_start3A_427, %dma_start3A_429, %dma_start3A_430] : memref<7x64x256xf32, #tpu.memory_space<vmem>> -> memref<1x64x256xf32, #tpu.memory_space<vmem>>
    %dma_start3A_432 = tpu.memref_squeeze %dma_start3A_431 : memref<1x64x256xf32, #tpu.memory_space<vmem>> -> memref<64x256xf32, #tpu.memory_space<vmem>>
    %dma_start3A_433 = arith.constant 0 : i32
    %dma_start3A_434 = arith.constant 0 : i32
    %dma_start3A_435 = tpu.memref_slice %arg2[%add3A_426, %dma_start3A_433, %dma_start3A_434] : memref<384x256x256xf32, #tpu.memory_space<hbm>> -> memref<1x64x256xf32, #tpu.memory_space<hbm>>
    %dma_start3A_436 = tpu.memref_squeeze %dma_start3A_435 : memref<1x64x256xf32, #tpu.memory_space<hbm>> -> memref<64x256xf32, #tpu.memory_space<hbm>>
    %dma_start3A_437 = tpu.memref_slice %arg5[%dma_start3A_428] : memref<7x!tpu.dma_semaphore, #tpu.memory_space<semaphore_mem>> -> memref<1x!tpu.dma_semaphore, #tpu.memory_space<semaphore_mem>>
    %dma_start3A_438 = tpu.memref_squeeze %dma_start3A_437 : memref<1x!tpu.dma_semaphore, #tpu.memory_space<semaphore_mem>> -> memref<!tpu.dma_semaphore, #tpu.memory_space<semaphore_mem>>
    %dma_start3A_439 = arith.constant 0 : i32
    %dma_start3A_440 = arith.constant 0 : i32
    %dma_start3A_441 = tpu.memref_slice %arg4[%dma_start3A_427, %dma_start3A_439, %dma_start3A_440] : memref<7x64x256xf32, #tpu.memory_space<vmem>> -> memref<1x64x256xf32, #tpu.memory_space<vmem>>
    %dma_start3A_442 = tpu.memref_squeeze %dma_start3A_441 : memref<1x64x256xf32, #tpu.memory_space<vmem>> -> memref<64x256xf32, #tpu.memory_space<vmem>>
    %dma_start3A_443 = arith.constant 0 : i32
    %dma_start3A_444 = arith.constant 0 : i32
    %dma_start3A_445 = tpu.memref_slice %arg2[%add3A_426, %dma_start3A_443, %dma_start3A_444] : memref<384x256x256xf32, #tpu.memory_space<hbm>> -> memref<1x64x256xf32, #tpu.memory_space<hbm>>
    %dma_start3A_446 = tpu.memref_squeeze %dma_start3A_445 : memref<1x64x256xf32, #tpu.memory_space<hbm>> -> memref<64x256xf32, #tpu.memory_space<hbm>>
    tpu.enqueue_dma source(%dma_start3A_446 : memref<64x256xf32, #tpu.memory_space<hbm>>) target(%dma_start3A_442 : memref<64x256xf32, #tpu.memory_space<vmem>>) target_semaphore(%dma_start3A_438 : memref<!tpu.dma_semaphore, #tpu.memory_space<semaphore_mem>>)
    %add3A_447 = arith.constant 1 : i32
    %add3A_448 = arith.addi %mul3A_2, %add3A_447 : i32
    %jit3A_449 = arith.constant 32 : i32
    %div3A_450 = arith.divsi %add3A_448, %jit3A_449 : i32
    %sign3A_451 = arith.constant 0 : i32
    %sign3A_452 = arith.cmpi sgt, %add3A_448, %sign3A_451 : i32
    %sign3A_453 = arith.extui %sign3A_452 : i1 to i32
    %sign3A_454 = arith.constant 0 : i32
    %sign3A_455 = arith.cmpi slt, %add3A_448, %sign3A_454 : i32
    %sign3A_456 = arith.extui %sign3A_455 : i1 to i32
    %sign3A_457 = arith.subi %sign3A_453, %sign3A_456 : i32
    %sign3A_458 = arith.constant 0 : i32
    %sign3A_459 = arith.cmpi sgt, %jit3A_449, %sign3A_458 : i32
    %sign3A_460 = arith.extui %sign3A_459 : i1 to i32
    %sign3A_461 = arith.constant 0 : i32
    %sign3A_462 = arith.cmpi slt, %jit3A_449, %sign3A_461 : i32
    %sign3A_463 = arith.extui %sign3A_462 : i1 to i32
    %sign3A_464 = arith.subi %sign3A_460, %sign3A_463 : i32
    %ne3A_465 = arith.cmpi ne, %sign3A_457, %sign3A_464 : i32
    %rem3A_466 = arith.remsi %add3A_448, %jit3A_449 : i32
    %ne3A_467 = arith.constant 0 : i32
    %ne3A_468 = arith.cmpi ne, %rem3A_466, %ne3A_467 : i32
    %and3A_469 = arith.andi %ne3A_465, %ne3A_468 : i1
    %sub3A_470 = arith.constant 1 : i32
    %sub3A_471 = arith.subi %div3A_450, %sub3A_470 : i32
    %select_n3A_472 = arith.select %and3A_469, %sub3A_471, %div3A_450 : i32
    %jit3A_473 = arith.constant 32 : i32
    %eq3A_474 = arith.constant 0 : i32
    %eq3A_475 = arith.cmpi eq, %jit3A_473, %eq3A_474 : i32
    %jit3A_476 = arith.constant 1 : i32
    %select_n3A_477 = arith.select %eq3A_475, %jit3A_476, %jit3A_473 : i32
    %rem3A_478 = arith.remsi %add3A_448, %select_n3A_477 : i32
    %ne3A_479 = arith.constant 0 : i32
    %ne3A_480 = arith.cmpi ne, %rem3A_478, %ne3A_479 : i32
    %lt3A_481 = arith.constant 0 : i32
    %lt3A_482 = arith.cmpi slt, %rem3A_478, %lt3A_481 : i32
    %lt3A_483 = arith.constant 0 : i32
    %lt3A_484 = arith.cmpi slt, %select_n3A_477, %lt3A_483 : i32
    %ne3A_485 = arith.xori %lt3A_482, %lt3A_484 : i1
    %and3A_486 = arith.andi %ne3A_485, %ne3A_480 : i1
    %add3A_487 = arith.addi %rem3A_478, %select_n3A_477 : i32
    %select_n3A_488 = arith.select %and3A_486, %add3A_487, %rem3A_478 : i32
    %mul3A_489 = arith.constant 128 : i32
    %mul3A_490 = arith.muli %select_n3A_472, %mul3A_489 : i32
    %mul3A_491 = arith.constant 127 : i32
    %mul3A_492 = arith.muli %select_n3A_488, %mul3A_491 : i32
    %jit3A_493 = arith.constant 31 : i32
    %div3A_494 = arith.divsi %mul3A_492, %jit3A_493 : i32
    %sign3A_495 = arith.constant 0 : i32
    %sign3A_496 = arith.cmpi sgt, %mul3A_492, %sign3A_495 : i32
    %sign3A_497 = arith.extui %sign3A_496 : i1 to i32
    %sign3A_498 = arith.constant 0 : i32
    %sign3A_499 = arith.cmpi slt, %mul3A_492, %sign3A_498 : i32
    %sign3A_500 = arith.extui %sign3A_499 : i1 to i32
    %sign3A_501 = arith.subi %sign3A_497, %sign3A_500 : i32
    %sign3A_502 = arith.constant 0 : i32
    %sign3A_503 = arith.cmpi sgt, %jit3A_493, %sign3A_502 : i32
    %sign3A_504 = arith.extui %sign3A_503 : i1 to i32
    %sign3A_505 = arith.constant 0 : i32
    %sign3A_506 = arith.cmpi slt, %jit3A_493, %sign3A_505 : i32
    %sign3A_507 = arith.extui %sign3A_506 : i1 to i32
    %sign3A_508 = arith.subi %sign3A_504, %sign3A_507 : i32
    %ne3A_509 = arith.cmpi ne, %sign3A_501, %sign3A_508 : i32
    %rem3A_510 = arith.remsi %mul3A_492, %jit3A_493 : i32
    %ne3A_511 = arith.constant 0 : i32
    %ne3A_512 = arith.cmpi ne, %rem3A_510, %ne3A_511 : i32
    %and3A_513 = arith.andi %ne3A_509, %ne3A_512 : i1
    %sub3A_514 = arith.constant 1 : i32
    %sub3A_515 = arith.subi %div3A_494, %sub3A_514 : i32
    %select_n3A_516 = arith.select %and3A_513, %sub3A_515, %div3A_494 : i32
    %add3A_517 = arith.addi %mul3A_490, %select_n3A_516 : i32
    %dma_start3A_518 = arith.constant 5 : i32
    %dma_start3A_519 = arith.constant 5 : i32
    %dma_start3A_520 = arith.constant 0 : i32
    %dma_start3A_521 = arith.constant 0 : i32
    %dma_start3A_522 = tpu.memref_slice %arg4[%dma_start3A_518, %dma_start3A_520, %dma_start3A_521] : memref<7x64x256xf32, #tpu.memory_space<vmem>> -> memref<1x64x256xf32, #tpu.memory_space<vmem>>
    %dma_start3A_523 = tpu.memref_squeeze %dma_start3A_522 : memref<1x64x256xf32, #tpu.memory_space<vmem>> -> memref<64x256xf32, #tpu.memory_space<vmem>>
    %dma_start3A_524 = arith.constant 64 : i32
    %dma_start3A_525 = arith.constant 0 : i32
    %dma_start3A_526 = tpu.memref_slice %arg2[%add3A_517, %dma_start3A_524, %dma_start3A_525] : memref<384x256x256xf32, #tpu.memory_space<hbm>> -> memref<1x64x256xf32, #tpu.memory_space<hbm>>
    %dma_start3A_527 = tpu.memref_squeeze %dma_start3A_526 : memref<1x64x256xf32, #tpu.memory_space<hbm>> -> memref<64x256xf32, #tpu.memory_space<hbm>>
    %dma_start3A_528 = tpu.memref_slice %arg5[%dma_start3A_519] : memref<7x!tpu.dma_semaphore, #tpu.memory_space<semaphore_mem>> -> memref<1x!tpu.dma_semaphore, #tpu.memory_space<semaphore_mem>>
    %dma_start3A_529 = tpu.memref_squeeze %dma_start3A_528 : memref<1x!tpu.dma_semaphore, #tpu.memory_space<semaphore_mem>> -> memref<!tpu.dma_semaphore, #tpu.memory_space<semaphore_mem>>
    %dma_start3A_530 = arith.constant 0 : i32
    %dma_start3A_531 = arith.constant 0 : i32
    %dma_start3A_532 = tpu.memref_slice %arg4[%dma_start3A_518, %dma_start3A_530, %dma_start3A_531] : memref<7x64x256xf32, #tpu.memory_space<vmem>> -> memref<1x64x256xf32, #tpu.memory_space<vmem>>
    %dma_start3A_533 = tpu.memref_squeeze %dma_start3A_532 : memref<1x64x256xf32, #tpu.memory_space<vmem>> -> memref<64x256xf32, #tpu.memory_space<vmem>>
    %dma_start3A_534 = arith.constant 64 : i32
    %dma_start3A_535 = arith.constant 0 : i32
    %dma_start3A_536 = tpu.memref_slice %arg2[%add3A_517, %dma_start3A_534, %dma_start3A_535] : memref<384x256x256xf32, #tpu.memory_space<hbm>> -> memref<1x64x256xf32, #tpu.memory_space<hbm>>
    %dma_start3A_537 = tpu.memref_squeeze %dma_start3A_536 : memref<1x64x256xf32, #tpu.memory_space<hbm>> -> memref<64x256xf32, #tpu.memory_space<hbm>>
    tpu.enqueue_dma source(%dma_start3A_537 : memref<64x256xf32, #tpu.memory_space<hbm>>) target(%dma_start3A_533 : memref<64x256xf32, #tpu.memory_space<vmem>>) target_semaphore(%dma_start3A_529 : memref<!tpu.dma_semaphore, #tpu.memory_space<semaphore_mem>>)
    %add3A_538 = arith.constant 1 : i32
    %add3A_539 = arith.addi %mul3A_2, %add3A_538 : i32
    %jit3A_540 = arith.constant 32 : i32
    %div3A_541 = arith.divsi %add3A_539, %jit3A_540 : i32
    %sign3A_542 = arith.constant 0 : i32
    %sign3A_543 = arith.cmpi sgt, %add3A_539, %sign3A_542 : i32
    %sign3A_544 = arith.extui %sign3A_543 : i1 to i32
    %sign3A_545 = arith.constant 0 : i32
    %sign3A_546 = arith.cmpi slt, %add3A_539, %sign3A_545 : i32
    %sign3A_547 = arith.extui %sign3A_546 : i1 to i32
    %sign3A_548 = arith.subi %sign3A_544, %sign3A_547 : i32
    %sign3A_549 = arith.constant 0 : i32
    %sign3A_550 = arith.cmpi sgt, %jit3A_540, %sign3A_549 : i32
    %sign3A_551 = arith.extui %sign3A_550 : i1 to i32
    %sign3A_552 = arith.constant 0 : i32
    %sign3A_553 = arith.cmpi slt, %jit3A_540, %sign3A_552 : i32
    %sign3A_554 = arith.extui %sign3A_553 : i1 to i32
    %sign3A_555 = arith.subi %sign3A_551, %sign3A_554 : i32
    %ne3A_556 = arith.cmpi ne, %sign3A_548, %sign3A_555 : i32
    %rem3A_557 = arith.remsi %add3A_539, %jit3A_540 : i32
    %ne3A_558 = arith.constant 0 : i32
    %ne3A_559 = arith.cmpi ne, %rem3A_557, %ne3A_558 : i32
    %and3A_560 = arith.andi %ne3A_556, %ne3A_559 : i1
    %sub3A_561 = arith.constant 1 : i32
    %sub3A_562 = arith.subi %div3A_541, %sub3A_561 : i32
    %select_n3A_563 = arith.select %and3A_560, %sub3A_562, %div3A_541 : i32
    %jit3A_564 = arith.constant 32 : i32
    %eq3A_565 = arith.constant 0 : i32
    %eq3A_566 = arith.cmpi eq, %jit3A_564, %eq3A_565 : i32
    %jit3A_567 = arith.constant 1 : i32
    %select_n3A_568 = arith.select %eq3A_566, %jit3A_567, %jit3A_564 : i32
    %rem3A_569 = arith.remsi %add3A_539, %select_n3A_568 : i32
    %ne3A_570 = arith.constant 0 : i32
    %ne3A_571 = arith.cmpi ne, %rem3A_569, %ne3A_570 : i32
    %lt3A_572 = arith.constant 0 : i32
    %lt3A_573 = arith.cmpi slt, %rem3A_569, %lt3A_572 : i32
    %lt3A_574 = arith.constant 0 : i32
    %lt3A_575 = arith.cmpi slt, %select_n3A_568, %lt3A_574 : i32
    %ne3A_576 = arith.xori %lt3A_573, %lt3A_575 : i1
    %and3A_577 = arith.andi %ne3A_576, %ne3A_571 : i1
    %add3A_578 = arith.addi %rem3A_569, %select_n3A_568 : i32
    %select_n3A_579 = arith.select %and3A_577, %add3A_578, %rem3A_569 : i32
    %mul3A_580 = arith.constant 128 : i32
    %mul3A_581 = arith.muli %select_n3A_563, %mul3A_580 : i32
    %mul3A_582 = arith.constant 127 : i32
    %mul3A_583 = arith.muli %select_n3A_579, %mul3A_582 : i32
    %jit3A_584 = arith.constant 31 : i32
    %div3A_585 = arith.divsi %mul3A_583, %jit3A_584 : i32
    %sign3A_586 = arith.constant 0 : i32
    %sign3A_587 = arith.cmpi sgt, %mul3A_583, %sign3A_586 : i32
    %sign3A_588 = arith.extui %sign3A_587 : i1 to i32
    %sign3A_589 = arith.constant 0 : i32
    %sign3A_590 = arith.cmpi slt, %mul3A_583, %sign3A_589 : i32
    %sign3A_591 = arith.extui %sign3A_590 : i1 to i32
    %sign3A_592 = arith.subi %sign3A_588, %sign3A_591 : i32
    %sign3A_593 = arith.constant 0 : i32
    %sign3A_594 = arith.cmpi sgt, %jit3A_584, %sign3A_593 : i32
    %sign3A_595 = arith.extui %sign3A_594 : i1 to i32
    %sign3A_596 = arith.constant 0 : i32
    %sign3A_597 = arith.cmpi slt, %jit3A_584, %sign3A_596 : i32
    %sign3A_598 = arith.extui %sign3A_597 : i1 to i32
    %sign3A_599 = arith.subi %sign3A_595, %sign3A_598 : i32
    %ne3A_600 = arith.cmpi ne, %sign3A_592, %sign3A_599 : i32
    %rem3A_601 = arith.remsi %mul3A_583, %jit3A_584 : i32
    %ne3A_602 = arith.constant 0 : i32
    %ne3A_603 = arith.cmpi ne, %rem3A_601, %ne3A_602 : i32
    %and3A_604 = arith.andi %ne3A_600, %ne3A_603 : i1
    %sub3A_605 = arith.constant 1 : i32
    %sub3A_606 = arith.subi %div3A_585, %sub3A_605 : i32
    %select_n3A_607 = arith.select %and3A_604, %sub3A_606, %div3A_585 : i32
    %add3A_608 = arith.addi %mul3A_581, %select_n3A_607 : i32
    %dma_start3A_609 = arith.constant 6 : i32
    %dma_start3A_610 = arith.constant 6 : i32
    %dma_start3A_611 = arith.constant 0 : i32
    %dma_start3A_612 = arith.constant 0 : i32
    %dma_start3A_613 = tpu.memref_slice %arg4[%dma_start3A_609, %dma_start3A_611, %dma_start3A_612] : memref<7x64x256xf32, #tpu.memory_space<vmem>> -> memref<1x64x256xf32, #tpu.memory_space<vmem>>
    %dma_start3A_614 = tpu.memref_squeeze %dma_start3A_613 : memref<1x64x256xf32, #tpu.memory_space<vmem>> -> memref<64x256xf32, #tpu.memory_space<vmem>>
    %dma_start3A_615 = arith.constant 128 : i32
    %dma_start3A_616 = arith.constant 0 : i32
    %dma_start3A_617 = tpu.memref_slice %arg2[%add3A_608, %dma_start3A_615, %dma_start3A_616] : memref<384x256x256xf32, #tpu.memory_space<hbm>> -> memref<1x64x256xf32, #tpu.memory_space<hbm>>
    %dma_start3A_618 = tpu.memref_squeeze %dma_start3A_617 : memref<1x64x256xf32, #tpu.memory_space<hbm>> -> memref<64x256xf32, #tpu.memory_space<hbm>>
    %dma_start3A_619 = tpu.memref_slice %arg5[%dma_start3A_610] : memref<7x!tpu.dma_semaphore, #tpu.memory_space<semaphore_mem>> -> memref<1x!tpu.dma_semaphore, #tpu.memory_space<semaphore_mem>>
    %dma_start3A_620 = tpu.memref_squeeze %dma_start3A_619 : memref<1x!tpu.dma_semaphore, #tpu.memory_space<semaphore_mem>> -> memref<!tpu.dma_semaphore, #tpu.memory_space<semaphore_mem>>
    %dma_start3A_621 = arith.constant 0 : i32
    %dma_start3A_622 = arith.constant 0 : i32
    %dma_start3A_623 = tpu.memref_slice %arg4[%dma_start3A_609, %dma_start3A_621, %dma_start3A_622] : memref<7x64x256xf32, #tpu.memory_space<vmem>> -> memref<1x64x256xf32, #tpu.memory_space<vmem>>
    %dma_start3A_624 = tpu.memref_squeeze %dma_start3A_623 : memref<1x64x256xf32, #tpu.memory_space<vmem>> -> memref<64x256xf32, #tpu.memory_space<vmem>>
    %dma_start3A_625 = arith.constant 128 : i32
    %dma_start3A_626 = arith.constant 0 : i32
    %dma_start3A_627 = tpu.memref_slice %arg2[%add3A_608, %dma_start3A_625, %dma_start3A_626] : memref<384x256x256xf32, #tpu.memory_space<hbm>> -> memref<1x64x256xf32, #tpu.memory_space<hbm>>
    %dma_start3A_628 = tpu.memref_squeeze %dma_start3A_627 : memref<1x64x256xf32, #tpu.memory_space<hbm>> -> memref<64x256xf32, #tpu.memory_space<hbm>>
    tpu.enqueue_dma source(%dma_start3A_628 : memref<64x256xf32, #tpu.memory_space<hbm>>) target(%dma_start3A_624 : memref<64x256xf32, #tpu.memory_space<vmem>>) target_semaphore(%dma_start3A_620 : memref<!tpu.dma_semaphore, #tpu.memory_space<semaphore_mem>>)
    %dma_wait3A = arith.constant 0 : i32
    %dma_wait3A_629 = arith.constant 0 : i32
    %dma_wait3A_630 = arith.constant 0 : i32
    %dma_wait3A_631 = arith.constant 0 : i32
    %dma_wait3A_632 = tpu.memref_slice %arg4[%dma_wait3A, %dma_wait3A_630, %dma_wait3A_631] : memref<7x64x256xf32, #tpu.memory_space<vmem>> -> memref<1x64x256xf32, #tpu.memory_space<vmem>>
    %dma_wait3A_633 = tpu.memref_squeeze %dma_wait3A_632 : memref<1x64x256xf32, #tpu.memory_space<vmem>> -> memref<64x256xf32, #tpu.memory_space<vmem>>
    %dma_wait3A_634 = arith.constant 0 : i32
    %dma_wait3A_635 = arith.constant 0 : i32
    %dma_wait3A_636 = tpu.memref_slice %arg2[%add3A_63, %dma_wait3A_634, %dma_wait3A_635] : memref<384x256x256xf32, #tpu.memory_space<hbm>> -> memref<1x64x256xf32, #tpu.memory_space<hbm>>
    %dma_wait3A_637 = tpu.memref_squeeze %dma_wait3A_636 : memref<1x64x256xf32, #tpu.memory_space<hbm>> -> memref<64x256xf32, #tpu.memory_space<hbm>>
    %dma_wait3A_638 = tpu.memref_slice %arg5[%dma_wait3A_629] : memref<7x!tpu.dma_semaphore, #tpu.memory_space<semaphore_mem>> -> memref<1x!tpu.dma_semaphore, #tpu.memory_space<semaphore_mem>>
    %dma_wait3A_639 = tpu.memref_squeeze %dma_wait3A_638 : memref<1x!tpu.dma_semaphore, #tpu.memory_space<semaphore_mem>> -> memref<!tpu.dma_semaphore, #tpu.memory_space<semaphore_mem>>
    %dma_wait3A_640 = arith.constant 0 : i32
    %dma_wait3A_641 = arith.constant 0 : i32
    %dma_wait3A_642 = tpu.memref_slice %arg4[%dma_wait3A, %dma_wait3A_640, %dma_wait3A_641] : memref<7x64x256xf32, #tpu.memory_space<vmem>> -> memref<1x64x256xf32, #tpu.memory_space<vmem>>
    %dma_wait3A_643 = tpu.memref_squeeze %dma_wait3A_642 : memref<1x64x256xf32, #tpu.memory_space<vmem>> -> memref<64x256xf32, #tpu.memory_space<vmem>>
    %dma_wait3A_644 = arith.constant 0 : i32
    %dma_wait3A_645 = arith.constant 0 : i32
    %dma_wait3A_646 = tpu.memref_slice %arg2[%add3A_63, %dma_wait3A_644, %dma_wait3A_645] : memref<384x256x256xf32, #tpu.memory_space<hbm>> -> memref<1x64x256xf32, #tpu.memory_space<hbm>>
    %dma_wait3A_647 = tpu.memref_squeeze %dma_wait3A_646 : memref<1x64x256xf32, #tpu.memory_space<hbm>> -> memref<64x256xf32, #tpu.memory_space<hbm>>
    tpu.wait_dma2 semaphore(%dma_wait3A_639 : memref<!tpu.dma_semaphore, #tpu.memory_space<semaphore_mem>>) src(%dma_wait3A_647 : memref<64x256xf32, #tpu.memory_space<hbm>>) dst(%dma_wait3A_643 : memref<64x256xf32, #tpu.memory_space<vmem>>)
    %add3A_648 = arith.constant 0 : i32
    %add3A_649 = arith.addi %mul3A_2, %add3A_648 : i32
    %jit3A_650 = arith.constant 32 : i32
    %div3A_651 = arith.divsi %add3A_649, %jit3A_650 : i32
    %sign3A_652 = arith.constant 0 : i32
    %sign3A_653 = arith.cmpi sgt, %add3A_649, %sign3A_652 : i32
    %sign3A_654 = arith.extui %sign3A_653 : i1 to i32
    %sign3A_655 = arith.constant 0 : i32
    %sign3A_656 = arith.cmpi slt, %add3A_649, %sign3A_655 : i32
    %sign3A_657 = arith.extui %sign3A_656 : i1 to i32
    %sign3A_658 = arith.subi %sign3A_654, %sign3A_657 : i32
    %sign3A_659 = arith.constant 0 : i32
    %sign3A_660 = arith.cmpi sgt, %jit3A_650, %sign3A_659 : i32
    %sign3A_661 = arith.extui %sign3A_660 : i1 to i32
    %sign3A_662 = arith.constant 0 : i32
    %sign3A_663 = arith.cmpi slt, %jit3A_650, %sign3A_662 : i32
    %sign3A_664 = arith.extui %sign3A_663 : i1 to i32
    %sign3A_665 = arith.subi %sign3A_661, %sign3A_664 : i32
    %ne3A_666 = arith.cmpi ne, %sign3A_658, %sign3A_665 : i32
    %rem3A_667 = arith.remsi %add3A_649, %jit3A_650 : i32
    %ne3A_668 = arith.constant 0 : i32
    %ne3A_669 = arith.cmpi ne, %rem3A_667, %ne3A_668 : i32
    %and3A_670 = arith.andi %ne3A_666, %ne3A_669 : i1
    %sub3A_671 = arith.constant 1 : i32
    %sub3A_672 = arith.subi %div3A_651, %sub3A_671 : i32
    %select_n3A_673 = arith.select %and3A_670, %sub3A_672, %div3A_651 : i32
    %jit3A_674 = arith.constant 32 : i32
    %eq3A_675 = arith.constant 0 : i32
    %eq3A_676 = arith.cmpi eq, %jit3A_674, %eq3A_675 : i32
    %jit3A_677 = arith.constant 1 : i32
    %select_n3A_678 = arith.select %eq3A_676, %jit3A_677, %jit3A_674 : i32
    %rem3A_679 = arith.remsi %add3A_649, %select_n3A_678 : i32
    %ne3A_680 = arith.constant 0 : i32
    %ne3A_681 = arith.cmpi ne, %rem3A_679, %ne3A_680 : i32
    %lt3A_682 = arith.constant 0 : i32
    %lt3A_683 = arith.cmpi slt, %rem3A_679, %lt3A_682 : i32
    %lt3A_684 = arith.constant 0 : i32
    %lt3A_685 = arith.cmpi slt, %select_n3A_678, %lt3A_684 : i32
    %ne3A_686 = arith.xori %lt3A_683, %lt3A_685 : i1
    %and3A_687 = arith.andi %ne3A_686, %ne3A_681 : i1
    %add3A_688 = arith.addi %rem3A_679, %select_n3A_678 : i32
    %select_n3A_689 = arith.select %and3A_687, %add3A_688, %rem3A_679 : i32
    %mul3A_690 = arith.constant 128 : i32
    %mul3A_691 = arith.muli %select_n3A_673, %mul3A_690 : i32
    %mul3A_692 = arith.constant 127 : i32
    %mul3A_693 = arith.muli %select_n3A_689, %mul3A_692 : i32
    %jit3A_694 = arith.constant 31 : i32
    %div3A_695 = arith.divsi %mul3A_693, %jit3A_694 : i32
    %sign3A_696 = arith.constant 0 : i32
    %sign3A_697 = arith.cmpi sgt, %mul3A_693, %sign3A_696 : i32
    %sign3A_698 = arith.extui %sign3A_697 : i1 to i32
    %sign3A_699 = arith.constant 0 : i32
    %sign3A_700 = arith.cmpi slt, %mul3A_693, %sign3A_699 : i32
    %sign3A_701 = arith.extui %sign3A_700 : i1 to i32
    %sign3A_702 = arith.subi %sign3A_698, %sign3A_701 : i32
    %sign3A_703 = arith.constant 0 : i32
    %sign3A_704 = arith.cmpi sgt, %jit3A_694, %sign3A_703 : i32
    %sign3A_705 = arith.extui %sign3A_704 : i1 to i32
    %sign3A_706 = arith.constant 0 : i32
    %sign3A_707 = arith.cmpi slt, %jit3A_694, %sign3A_706 : i32
    %sign3A_708 = arith.extui %sign3A_707 : i1 to i32
    %sign3A_709 = arith.subi %sign3A_705, %sign3A_708 : i32
    %ne3A_710 = arith.cmpi ne, %sign3A_702, %sign3A_709 : i32
    %rem3A_711 = arith.remsi %mul3A_693, %jit3A_694 : i32
    %ne3A_712 = arith.constant 0 : i32
    %ne3A_713 = arith.cmpi ne, %rem3A_711, %ne3A_712 : i32
    %and3A_714 = arith.andi %ne3A_710, %ne3A_713 : i1
    %sub3A_715 = arith.constant 1 : i32
    %sub3A_716 = arith.subi %div3A_695, %sub3A_715 : i32
    %select_n3A_717 = arith.select %and3A_714, %sub3A_716, %div3A_695 : i32
    %add3A_718 = arith.addi %mul3A_691, %select_n3A_717 : i32
    %dma_start3A_719 = arith.constant 0 : i32
    %dma_start3A_720 = arith.constant 0 : i32
    %dma_start3A_721 = arith.constant 0 : i32
    %dma_start3A_722 = arith.constant 0 : i32
    %dma_start3A_723 = tpu.memref_slice %arg4[%dma_start3A_719, %dma_start3A_721, %dma_start3A_722] : memref<7x64x256xf32, #tpu.memory_space<vmem>> -> memref<1x64x256xf32, #tpu.memory_space<vmem>>
    %dma_start3A_724 = tpu.memref_squeeze %dma_start3A_723 : memref<1x64x256xf32, #tpu.memory_space<vmem>> -> memref<64x256xf32, #tpu.memory_space<vmem>>
    %dma_start3A_725 = arith.constant 0 : i32
    %dma_start3A_726 = arith.constant 0 : i32
    %dma_start3A_727 = tpu.memref_slice %arg3[%add3A_649, %dma_start3A_725, %dma_start3A_726] : memref<96x256x256xf32, #tpu.memory_space<hbm>> -> memref<1x64x256xf32, #tpu.memory_space<hbm>>
    %dma_start3A_728 = tpu.memref_squeeze %dma_start3A_727 : memref<1x64x256xf32, #tpu.memory_space<hbm>> -> memref<64x256xf32, #tpu.memory_space<hbm>>
    %dma_start3A_729 = tpu.memref_slice %arg6[%dma_start3A_720] : memref<7x!tpu.dma_semaphore, #tpu.memory_space<semaphore_mem>> -> memref<1x!tpu.dma_semaphore, #tpu.memory_space<semaphore_mem>>
    %dma_start3A_730 = tpu.memref_squeeze %dma_start3A_729 : memref<1x!tpu.dma_semaphore, #tpu.memory_space<semaphore_mem>> -> memref<!tpu.dma_semaphore, #tpu.memory_space<semaphore_mem>>
    %dma_start3A_731 = arith.constant 0 : i32
    %dma_start3A_732 = arith.constant 0 : i32
    %dma_start3A_733 = tpu.memref_slice %arg3[%add3A_649, %dma_start3A_731, %dma_start3A_732] : memref<96x256x256xf32, #tpu.memory_space<hbm>> -> memref<1x64x256xf32, #tpu.memory_space<hbm>>
    %dma_start3A_734 = tpu.memref_squeeze %dma_start3A_733 : memref<1x64x256xf32, #tpu.memory_space<hbm>> -> memref<64x256xf32, #tpu.memory_space<hbm>>
    %dma_start3A_735 = arith.constant 0 : i32
    %dma_start3A_736 = arith.constant 0 : i32
    %dma_start3A_737 = tpu.memref_slice %arg4[%dma_start3A_719, %dma_start3A_735, %dma_start3A_736] : memref<7x64x256xf32, #tpu.memory_space<vmem>> -> memref<1x64x256xf32, #tpu.memory_space<vmem>>
    %dma_start3A_738 = tpu.memref_squeeze %dma_start3A_737 : memref<1x64x256xf32, #tpu.memory_space<vmem>> -> memref<64x256xf32, #tpu.memory_space<vmem>>
    tpu.enqueue_dma source(%dma_start3A_738 : memref<64x256xf32, #tpu.memory_space<vmem>>) target(%dma_start3A_734 : memref<64x256xf32, #tpu.memory_space<hbm>>) target_semaphore(%dma_start3A_730 : memref<!tpu.dma_semaphore, #tpu.memory_space<semaphore_mem>>)
    %dma_wait3A_739 = arith.constant 0 : i32
    %dma_wait3A_740 = arith.constant 0 : i32
    %dma_wait3A_741 = arith.constant 0 : i32
    %dma_wait3A_742 = arith.constant 0 : i32
    %dma_wait3A_743 = tpu.memref_slice %arg4[%dma_wait3A_739, %dma_wait3A_741, %dma_wait3A_742] : memref<7x64x256xf32, #tpu.memory_space<vmem>> -> memref<1x64x256xf32, #tpu.memory_space<vmem>>
    %dma_wait3A_744 = tpu.memref_squeeze %dma_wait3A_743 : memref<1x64x256xf32, #tpu.memory_space<vmem>> -> memref<64x256xf32, #tpu.memory_space<vmem>>
    %dma_wait3A_745 = arith.constant 0 : i32
    %dma_wait3A_746 = arith.constant 0 : i32
    %dma_wait3A_747 = tpu.memref_slice %arg3[%add3A_649, %dma_wait3A_745, %dma_wait3A_746] : memref<96x256x256xf32, #tpu.memory_space<hbm>> -> memref<1x64x256xf32, #tpu.memory_space<hbm>>
    %dma_wait3A_748 = tpu.memref_squeeze %dma_wait3A_747 : memref<1x64x256xf32, #tpu.memory_space<hbm>> -> memref<64x256xf32, #tpu.memory_space<hbm>>
    %dma_wait3A_749 = tpu.memref_slice %arg6[%dma_wait3A_740] : memref<7x!tpu.dma_semaphore, #tpu.memory_space<semaphore_mem>> -> memref<1x!tpu.dma_semaphore, #tpu.memory_space<semaphore_mem>>
    %dma_wait3A_750 = tpu.memref_squeeze %dma_wait3A_749 : memref<1x!tpu.dma_semaphore, #tpu.memory_space<semaphore_mem>> -> memref<!tpu.dma_semaphore, #tpu.memory_space<semaphore_mem>>
    %dma_wait3A_751 = arith.constant 0 : i32
    %dma_wait3A_752 = arith.constant 0 : i32
    %dma_wait3A_753 = tpu.memref_slice %arg3[%add3A_649, %dma_wait3A_751, %dma_wait3A_752] : memref<96x256x256xf32, #tpu.memory_space<hbm>> -> memref<1x64x256xf32, #tpu.memory_space<hbm>>
    %dma_wait3A_754 = tpu.memref_squeeze %dma_wait3A_753 : memref<1x64x256xf32, #tpu.memory_space<hbm>> -> memref<64x256xf32, #tpu.memory_space<hbm>>
    %dma_wait3A_755 = arith.constant 0 : i32
    %dma_wait3A_756 = arith.constant 0 : i32
    %dma_wait3A_757 = tpu.memref_slice %arg4[%dma_wait3A_739, %dma_wait3A_755, %dma_wait3A_756] : memref<7x64x256xf32, #tpu.memory_space<vmem>> -> memref<1x64x256xf32, #tpu.memory_space<vmem>>
    %dma_wait3A_758 = tpu.memref_squeeze %dma_wait3A_757 : memref<1x64x256xf32, #tpu.memory_space<vmem>> -> memref<64x256xf32, #tpu.memory_space<vmem>>
    tpu.wait_dma2 semaphore(%dma_wait3A_750 : memref<!tpu.dma_semaphore, #tpu.memory_space<semaphore_mem>>) src(%dma_wait3A_758 : memref<64x256xf32, #tpu.memory_space<vmem>>) dst(%dma_wait3A_754 : memref<64x256xf32, #tpu.memory_space<hbm>>)
    %add3A_759 = arith.constant 1 : i32
    %add3A_760 = arith.addi %mul3A_2, %add3A_759 : i32
    %jit3A_761 = arith.constant 32 : i32
    %div3A_762 = arith.divsi %add3A_760, %jit3A_761 : i32
    %sign3A_763 = arith.constant 0 : i32
    %sign3A_764 = arith.cmpi sgt, %add3A_760, %sign3A_763 : i32
    %sign3A_765 = arith.extui %sign3A_764 : i1 to i32
    %sign3A_766 = arith.constant 0 : i32
    %sign3A_767 = arith.cmpi slt, %add3A_760, %sign3A_766 : i32
    %sign3A_768 = arith.extui %sign3A_767 : i1 to i32
    %sign3A_769 = arith.subi %sign3A_765, %sign3A_768 : i32
    %sign3A_770 = arith.constant 0 : i32
    %sign3A_771 = arith.cmpi sgt, %jit3A_761, %sign3A_770 : i32
    %sign3A_772 = arith.extui %sign3A_771 : i1 to i32
    %sign3A_773 = arith.constant 0 : i32
    %sign3A_774 = arith.cmpi slt, %jit3A_761, %sign3A_773 : i32
    %sign3A_775 = arith.extui %sign3A_774 : i1 to i32
    %sign3A_776 = arith.subi %sign3A_772, %sign3A_775 : i32
    %ne3A_777 = arith.cmpi ne, %sign3A_769, %sign3A_776 : i32
    %rem3A_778 = arith.remsi %add3A_760, %jit3A_761 : i32
    %ne3A_779 = arith.constant 0 : i32
    %ne3A_780 = arith.cmpi ne, %rem3A_778, %ne3A_779 : i32
    %and3A_781 = arith.andi %ne3A_777, %ne3A_780 : i1
    %sub3A_782 = arith.constant 1 : i32
    %sub3A_783 = arith.subi %div3A_762, %sub3A_782 : i32
    %select_n3A_784 = arith.select %and3A_781, %sub3A_783, %div3A_762 : i32
    %jit3A_785 = arith.constant 32 : i32
    %eq3A_786 = arith.constant 0 : i32
    %eq3A_787 = arith.cmpi eq, %jit3A_785, %eq3A_786 : i32
    %jit3A_788 = arith.constant 1 : i32
    %select_n3A_789 = arith.select %eq3A_787, %jit3A_788, %jit3A_785 : i32
    %rem3A_790 = arith.remsi %add3A_760, %select_n3A_789 : i32
    %ne3A_791 = arith.constant 0 : i32
    %ne3A_792 = arith.cmpi ne, %rem3A_790, %ne3A_791 : i32
    %lt3A_793 = arith.constant 0 : i32
    %lt3A_794 = arith.cmpi slt, %rem3A_790, %lt3A_793 : i32
    %lt3A_795 = arith.constant 0 : i32
    %lt3A_796 = arith.cmpi slt, %select_n3A_789, %lt3A_795 : i32
    %ne3A_797 = arith.xori %lt3A_794, %lt3A_796 : i1
    %and3A_798 = arith.andi %ne3A_797, %ne3A_792 : i1
    %add3A_799 = arith.addi %rem3A_790, %select_n3A_789 : i32
    %select_n3A_800 = arith.select %and3A_798, %add3A_799, %rem3A_790 : i32
    %mul3A_801 = arith.constant 128 : i32
    %mul3A_802 = arith.muli %select_n3A_784, %mul3A_801 : i32
    %mul3A_803 = arith.constant 127 : i32
    %mul3A_804 = arith.muli %select_n3A_800, %mul3A_803 : i32
    %jit3A_805 = arith.constant 31 : i32
    %div3A_806 = arith.divsi %mul3A_804, %jit3A_805 : i32
    %sign3A_807 = arith.constant 0 : i32
    %sign3A_808 = arith.cmpi sgt, %mul3A_804, %sign3A_807 : i32
    %sign3A_809 = arith.extui %sign3A_808 : i1 to i32
    %sign3A_810 = arith.constant 0 : i32
    %sign3A_811 = arith.cmpi slt, %mul3A_804, %sign3A_810 : i32
    %sign3A_812 = arith.extui %sign3A_811 : i1 to i32
    %sign3A_813 = arith.subi %sign3A_809, %sign3A_812 : i32
    %sign3A_814 = arith.constant 0 : i32
    %sign3A_815 = arith.cmpi sgt, %jit3A_805, %sign3A_814 : i32
    %sign3A_816 = arith.extui %sign3A_815 : i1 to i32
    %sign3A_817 = arith.constant 0 : i32
    %sign3A_818 = arith.cmpi slt, %jit3A_805, %sign3A_817 : i32
    %sign3A_819 = arith.extui %sign3A_818 : i1 to i32
    %sign3A_820 = arith.subi %sign3A_816, %sign3A_819 : i32
    %ne3A_821 = arith.cmpi ne, %sign3A_813, %sign3A_820 : i32
    %rem3A_822 = arith.remsi %mul3A_804, %jit3A_805 : i32
    %ne3A_823 = arith.constant 0 : i32
    %ne3A_824 = arith.cmpi ne, %rem3A_822, %ne3A_823 : i32
    %and3A_825 = arith.andi %ne3A_821, %ne3A_824 : i1
    %sub3A_826 = arith.constant 1 : i32
    %sub3A_827 = arith.subi %div3A_806, %sub3A_826 : i32
    %select_n3A_828 = arith.select %and3A_825, %sub3A_827, %div3A_806 : i32
    %add3A_829 = arith.addi %mul3A_802, %select_n3A_828 : i32
    %dma_start3A_830 = arith.constant 0 : i32
    %dma_start3A_831 = arith.constant 0 : i32
    %dma_start3A_832 = arith.constant 0 : i32
    %dma_start3A_833 = arith.constant 0 : i32
    %dma_start3A_834 = tpu.memref_slice %arg4[%dma_start3A_830, %dma_start3A_832, %dma_start3A_833] : memref<7x64x256xf32, #tpu.memory_space<vmem>> -> memref<1x64x256xf32, #tpu.memory_space<vmem>>
    %dma_start3A_835 = tpu.memref_squeeze %dma_start3A_834 : memref<1x64x256xf32, #tpu.memory_space<vmem>> -> memref<64x256xf32, #tpu.memory_space<vmem>>
    %dma_start3A_836 = arith.constant 192 : i32
    %dma_start3A_837 = arith.constant 0 : i32
    %dma_start3A_838 = tpu.memref_slice %arg2[%add3A_829, %dma_start3A_836, %dma_start3A_837] : memref<384x256x256xf32, #tpu.memory_space<hbm>> -> memref<1x64x256xf32, #tpu.memory_space<hbm>>
    %dma_start3A_839 = tpu.memref_squeeze %dma_start3A_838 : memref<1x64x256xf32, #tpu.memory_space<hbm>> -> memref<64x256xf32, #tpu.memory_space<hbm>>
    %dma_start3A_840 = tpu.memref_slice %arg5[%dma_start3A_831] : memref<7x!tpu.dma_semaphore, #tpu.memory_space<semaphore_mem>> -> memref<1x!tpu.dma_semaphore, #tpu.memory_space<semaphore_mem>>
    %dma_start3A_841 = tpu.memref_squeeze %dma_start3A_840 : memref<1x!tpu.dma_semaphore, #tpu.memory_space<semaphore_mem>> -> memref<!tpu.dma_semaphore, #tpu.memory_space<semaphore_mem>>
    %dma_start3A_842 = arith.constant 0 : i32
    %dma_start3A_843 = arith.constant 0 : i32
    %dma_start3A_844 = tpu.memref_slice %arg4[%dma_start3A_830, %dma_start3A_842, %dma_start3A_843] : memref<7x64x256xf32, #tpu.memory_space<vmem>> -> memref<1x64x256xf32, #tpu.memory_space<vmem>>
    %dma_start3A_845 = tpu.memref_squeeze %dma_start3A_844 : memref<1x64x256xf32, #tpu.memory_space<vmem>> -> memref<64x256xf32, #tpu.memory_space<vmem>>
    %dma_start3A_846 = arith.constant 192 : i32
    %dma_start3A_847 = arith.constant 0 : i32
    %dma_start3A_848 = tpu.memref_slice %arg2[%add3A_829, %dma_start3A_846, %dma_start3A_847] : memref<384x256x256xf32, #tpu.memory_space<hbm>> -> memref<1x64x256xf32, #tpu.memory_space<hbm>>
    %dma_start3A_849 = tpu.memref_squeeze %dma_start3A_848 : memref<1x64x256xf32, #tpu.memory_space<hbm>> -> memref<64x256xf32, #tpu.memory_space<hbm>>
    tpu.enqueue_dma source(%dma_start3A_849 : memref<64x256xf32, #tpu.memory_space<hbm>>) target(%dma_start3A_845 : memref<64x256xf32, #tpu.memory_space<vmem>>) target_semaphore(%dma_start3A_841 : memref<!tpu.dma_semaphore, #tpu.memory_space<semaphore_mem>>)
    %dma_wait3A_850 = arith.constant 1 : i32
    %dma_wait3A_851 = arith.constant 1 : i32
    %dma_wait3A_852 = arith.constant 0 : i32
    %dma_wait3A_853 = arith.constant 0 : i32
    %dma_wait3A_854 = tpu.memref_slice %arg4[%dma_wait3A_850, %dma_wait3A_852, %dma_wait3A_853] : memref<7x64x256xf32, #tpu.memory_space<vmem>> -> memref<1x64x256xf32, #tpu.memory_space<vmem>>
    %dma_wait3A_855 = tpu.memref_squeeze %dma_wait3A_854 : memref<1x64x256xf32, #tpu.memory_space<vmem>> -> memref<64x256xf32, #tpu.memory_space<vmem>>
    %dma_wait3A_856 = arith.constant 64 : i32
    %dma_wait3A_857 = arith.constant 0 : i32
    %dma_wait3A_858 = tpu.memref_slice %arg2[%add3A_153, %dma_wait3A_856, %dma_wait3A_857] : memref<384x256x256xf32, #tpu.memory_space<hbm>> -> memref<1x64x256xf32, #tpu.memory_space<hbm>>
    %dma_wait3A_859 = tpu.memref_squeeze %dma_wait3A_858 : memref<1x64x256xf32, #tpu.memory_space<hbm>> -> memref<64x256xf32, #tpu.memory_space<hbm>>
    %dma_wait3A_860 = tpu.memref_slice %arg5[%dma_wait3A_851] : memref<7x!tpu.dma_semaphore, #tpu.memory_space<semaphore_mem>> -> memref<1x!tpu.dma_semaphore, #tpu.memory_space<semaphore_mem>>
    %dma_wait3A_861 = tpu.memref_squeeze %dma_wait3A_860 : memref<1x!tpu.dma_semaphore, #tpu.memory_space<semaphore_mem>> -> memref<!tpu.dma_semaphore, #tpu.memory_space<semaphore_mem>>
    %dma_wait3A_862 = arith.constant 0 : i32
    %dma_wait3A_863 = arith.constant 0 : i32
    %dma_wait3A_864 = tpu.memref_slice %arg4[%dma_wait3A_850, %dma_wait3A_862, %dma_wait3A_863] : memref<7x64x256xf32, #tpu.memory_space<vmem>> -> memref<1x64x256xf32, #tpu.memory_space<vmem>>
    %dma_wait3A_865 = tpu.memref_squeeze %dma_wait3A_864 : memref<1x64x256xf32, #tpu.memory_space<vmem>> -> memref<64x256xf32, #tpu.memory_space<vmem>>
    %dma_wait3A_866 = arith.constant 64 : i32
    %dma_wait3A_867 = arith.constant 0 : i32
    %dma_wait3A_868 = tpu.memref_slice %arg2[%add3A_153, %dma_wait3A_866, %dma_wait3A_867] : memref<384x256x256xf32, #tpu.memory_space<hbm>> -> memref<1x64x256xf32, #tpu.memory_space<hbm>>
    %dma_wait3A_869 = tpu.memref_squeeze %dma_wait3A_868 : memref<1x64x256xf32, #tpu.memory_space<hbm>> -> memref<64x256xf32, #tpu.memory_space<hbm>>
    tpu.wait_dma2 semaphore(%dma_wait3A_861 : memref<!tpu.dma_semaphore, #tpu.memory_space<semaphore_mem>>) src(%dma_wait3A_869 : memref<64x256xf32, #tpu.memory_space<hbm>>) dst(%dma_wait3A_865 : memref<64x256xf32, #tpu.memory_space<vmem>>)
    %add3A_870 = arith.constant 0 : i32
    %add3A_871 = arith.addi %mul3A_2, %add3A_870 : i32
    %jit3A_872 = arith.constant 32 : i32
    %div3A_873 = arith.divsi %add3A_871, %jit3A_872 : i32
    %sign3A_874 = arith.constant 0 : i32
    %sign3A_875 = arith.cmpi sgt, %add3A_871, %sign3A_874 : i32
    %sign3A_876 = arith.extui %sign3A_875 : i1 to i32
    %sign3A_877 = arith.constant 0 : i32
    %sign3A_878 = arith.cmpi slt, %add3A_871, %sign3A_877 : i32
    %sign3A_879 = arith.extui %sign3A_878 : i1 to i32
    %sign3A_880 = arith.subi %sign3A_876, %sign3A_879 : i32
    %sign3A_881 = arith.constant 0 : i32
    %sign3A_882 = arith.cmpi sgt, %jit3A_872, %sign3A_881 : i32
    %sign3A_883 = arith.extui %sign3A_882 : i1 to i32
    %sign3A_884 = arith.constant 0 : i32
    %sign3A_885 = arith.cmpi slt, %jit3A_872, %sign3A_884 : i32
    %sign3A_886 = arith.extui %sign3A_885 : i1 to i32
    %sign3A_887 = arith.subi %sign3A_883, %sign3A_886 : i32
    %ne3A_888 = arith.cmpi ne, %sign3A_880, %sign3A_887 : i32
    %rem3A_889 = arith.remsi %add3A_871, %jit3A_872 : i32
    %ne3A_890 = arith.constant 0 : i32
    %ne3A_891 = arith.cmpi ne, %rem3A_889, %ne3A_890 : i32
    %and3A_892 = arith.andi %ne3A_888, %ne3A_891 : i1
    %sub3A_893 = arith.constant 1 : i32
    %sub3A_894 = arith.subi %div3A_873, %sub3A_893 : i32
    %select_n3A_895 = arith.select %and3A_892, %sub3A_894, %div3A_873 : i32
    %jit3A_896 = arith.constant 32 : i32
    %eq3A_897 = arith.constant 0 : i32
    %eq3A_898 = arith.cmpi eq, %jit3A_896, %eq3A_897 : i32
    %jit3A_899 = arith.constant 1 : i32
    %select_n3A_900 = arith.select %eq3A_898, %jit3A_899, %jit3A_896 : i32
    %rem3A_901 = arith.remsi %add3A_871, %select_n3A_900 : i32
    %ne3A_902 = arith.constant 0 : i32
    %ne3A_903 = arith.cmpi ne, %rem3A_901, %ne3A_902 : i32
    %lt3A_904 = arith.constant 0 : i32
    %lt3A_905 = arith.cmpi slt, %rem3A_901, %lt3A_904 : i32
    %lt3A_906 = arith.constant 0 : i32
    %lt3A_907 = arith.cmpi slt, %select_n3A_900, %lt3A_906 : i32
    %ne3A_908 = arith.xori %lt3A_905, %lt3A_907 : i1
    %and3A_909 = arith.andi %ne3A_908, %ne3A_903 : i1
    %add3A_910 = arith.addi %rem3A_901, %select_n3A_900 : i32
    %select_n3A_911 = arith.select %and3A_909, %add3A_910, %rem3A_901 : i32
    %mul3A_912 = arith.constant 128 : i32
    %mul3A_913 = arith.muli %select_n3A_895, %mul3A_912 : i32
    %mul3A_914 = arith.constant 127 : i32
    %mul3A_915 = arith.muli %select_n3A_911, %mul3A_914 : i32
    %jit3A_916 = arith.constant 31 : i32
    %div3A_917 = arith.divsi %mul3A_915, %jit3A_916 : i32
    %sign3A_918 = arith.constant 0 : i32
    %sign3A_919 = arith.cmpi sgt, %mul3A_915, %sign3A_918 : i32
    %sign3A_920 = arith.extui %sign3A_919 : i1 to i32
    %sign3A_921 = arith.constant 0 : i32
    %sign3A_922 = arith.cmpi slt, %mul3A_915, %sign3A_921 : i32
    %sign3A_923 = arith.extui %sign3A_922 : i1 to i32
    %sign3A_924 = arith.subi %sign3A_920, %sign3A_923 : i32
    %sign3A_925 = arith.constant 0 : i32
    %sign3A_926 = arith.cmpi sgt, %jit3A_916, %sign3A_925 : i32
    %sign3A_927 = arith.extui %sign3A_926 : i1 to i32
    %sign3A_928 = arith.constant 0 : i32
    %sign3A_929 = arith.cmpi slt, %jit3A_916, %sign3A_928 : i32
    %sign3A_930 = arith.extui %sign3A_929 : i1 to i32
    %sign3A_931 = arith.subi %sign3A_927, %sign3A_930 : i32
    %ne3A_932 = arith.cmpi ne, %sign3A_924, %sign3A_931 : i32
    %rem3A_933 = arith.remsi %mul3A_915, %jit3A_916 : i32
    %ne3A_934 = arith.constant 0 : i32
    %ne3A_935 = arith.cmpi ne, %rem3A_933, %ne3A_934 : i32
    %and3A_936 = arith.andi %ne3A_932, %ne3A_935 : i1
    %sub3A_937 = arith.constant 1 : i32
    %sub3A_938 = arith.subi %div3A_917, %sub3A_937 : i32
    %select_n3A_939 = arith.select %and3A_936, %sub3A_938, %div3A_917 : i32
    %add3A_940 = arith.addi %mul3A_913, %select_n3A_939 : i32
    %dma_start3A_941 = arith.constant 1 : i32
    %dma_start3A_942 = arith.constant 1 : i32
    %dma_start3A_943 = arith.constant 0 : i32
    %dma_start3A_944 = arith.constant 0 : i32
    %dma_start3A_945 = tpu.memref_slice %arg4[%dma_start3A_941, %dma_start3A_943, %dma_start3A_944] : memref<7x64x256xf32, #tpu.memory_space<vmem>> -> memref<1x64x256xf32, #tpu.memory_space<vmem>>
    %dma_start3A_946 = tpu.memref_squeeze %dma_start3A_945 : memref<1x64x256xf32, #tpu.memory_space<vmem>> -> memref<64x256xf32, #tpu.memory_space<vmem>>
    %dma_start3A_947 = arith.constant 64 : i32
    %dma_start3A_948 = arith.constant 0 : i32
    %dma_start3A_949 = tpu.memref_slice %arg3[%add3A_871, %dma_start3A_947, %dma_start3A_948] : memref<96x256x256xf32, #tpu.memory_space<hbm>> -> memref<1x64x256xf32, #tpu.memory_space<hbm>>
    %dma_start3A_950 = tpu.memref_squeeze %dma_start3A_949 : memref<1x64x256xf32, #tpu.memory_space<hbm>> -> memref<64x256xf32, #tpu.memory_space<hbm>>
    %dma_start3A_951 = tpu.memref_slice %arg6[%dma_start3A_942] : memref<7x!tpu.dma_semaphore, #tpu.memory_space<semaphore_mem>> -> memref<1x!tpu.dma_semaphore, #tpu.memory_space<semaphore_mem>>
    %dma_start3A_952 = tpu.memref_squeeze %dma_start3A_951 : memref<1x!tpu.dma_semaphore, #tpu.memory_space<semaphore_mem>> -> memref<!tpu.dma_semaphore, #tpu.memory_space<semaphore_mem>>
    %dma_start3A_953 = arith.constant 64 : i32
    %dma_start3A_954 = arith.constant 0 : i32
    %dma_start3A_955 = tpu.memref_slice %arg3[%add3A_871, %dma_start3A_953, %dma_start3A_954] : memref<96x256x256xf32, #tpu.memory_space<hbm>> -> memref<1x64x256xf32, #tpu.memory_space<hbm>>
    %dma_start3A_956 = tpu.memref_squeeze %dma_start3A_955 : memref<1x64x256xf32, #tpu.memory_space<hbm>> -> memref<64x256xf32, #tpu.memory_space<hbm>>
    %dma_start3A_957 = arith.constant 0 : i32
    %dma_start3A_958 = arith.constant 0 : i32
    %dma_start3A_959 = tpu.memref_slice %arg4[%dma_start3A_941, %dma_start3A_957, %dma_start3A_958] : memref<7x64x256xf32, #tpu.memory_space<vmem>> -> memref<1x64x256xf32, #tpu.memory_space<vmem>>
    %dma_start3A_960 = tpu.memref_squeeze %dma_start3A_959 : memref<1x64x256xf32, #tpu.memory_space<vmem>> -> memref<64x256xf32, #tpu.memory_space<vmem>>
    tpu.enqueue_dma source(%dma_start3A_960 : memref<64x256xf32, #tpu.memory_space<vmem>>) target(%dma_start3A_956 : memref<64x256xf32, #tpu.memory_space<hbm>>) target_semaphore(%dma_start3A_952 : memref<!tpu.dma_semaphore, #tpu.memory_space<semaphore_mem>>)
    %dma_wait3A_961 = arith.constant 1 : i32
    %dma_wait3A_962 = arith.constant 1 : i32
    %dma_wait3A_963 = arith.constant 0 : i32
    %dma_wait3A_964 = arith.constant 0 : i32
    %dma_wait3A_965 = tpu.memref_slice %arg4[%dma_wait3A_961, %dma_wait3A_963, %dma_wait3A_964] : memref<7x64x256xf32, #tpu.memory_space<vmem>> -> memref<1x64x256xf32, #tpu.memory_space<vmem>>
    %dma_wait3A_966 = tpu.memref_squeeze %dma_wait3A_965 : memref<1x64x256xf32, #tpu.memory_space<vmem>> -> memref<64x256xf32, #tpu.memory_space<vmem>>
    %dma_wait3A_967 = arith.constant 64 : i32
    %dma_wait3A_968 = arith.constant 0 : i32
    %dma_wait3A_969 = tpu.memref_slice %arg3[%add3A_871, %dma_wait3A_967, %dma_wait3A_968] : memref<96x256x256xf32, #tpu.memory_space<hbm>> -> memref<1x64x256xf32, #tpu.memory_space<hbm>>
    %dma_wait3A_970 = tpu.memref_squeeze %dma_wait3A_969 : memref<1x64x256xf32, #tpu.memory_space<hbm>> -> memref<64x256xf32, #tpu.memory_space<hbm>>
    %dma_wait3A_971 = tpu.memref_slice %arg6[%dma_wait3A_962] : memref<7x!tpu.dma_semaphore, #tpu.memory_space<semaphore_mem>> -> memref<1x!tpu.dma_semaphore, #tpu.memory_space<semaphore_mem>>
    %dma_wait3A_972 = tpu.memref_squeeze %dma_wait3A_971 : memref<1x!tpu.dma_semaphore, #tpu.memory_space<semaphore_mem>> -> memref<!tpu.dma_semaphore, #tpu.memory_space<semaphore_mem>>
    %dma_wait3A_973 = arith.constant 64 : i32
    %dma_wait3A_974 = arith.constant 0 : i32
    %dma_wait3A_975 = tpu.memref_slice %arg3[%add3A_871, %dma_wait3A_973, %dma_wait3A_974] : memref<96x256x256xf32, #tpu.memory_space<hbm>> -> memref<1x64x256xf32, #tpu.memory_space<hbm>>
    %dma_wait3A_976 = tpu.memref_squeeze %dma_wait3A_975 : memref<1x64x256xf32, #tpu.memory_space<hbm>> -> memref<64x256xf32, #tpu.memory_space<hbm>>
    %dma_wait3A_977 = arith.constant 0 : i32
    %dma_wait3A_978 = arith.constant 0 : i32
    %dma_wait3A_979 = tpu.memref_slice %arg4[%dma_wait3A_961, %dma_wait3A_977, %dma_wait3A_978] : memref<7x64x256xf32, #tpu.memory_space<vmem>> -> memref<1x64x256xf32, #tpu.memory_space<vmem>>
    %dma_wait3A_980 = tpu.memref_squeeze %dma_wait3A_979 : memref<1x64x256xf32, #tpu.memory_space<vmem>> -> memref<64x256xf32, #tpu.memory_space<vmem>>
    tpu.wait_dma2 semaphore(%dma_wait3A_972 : memref<!tpu.dma_semaphore, #tpu.memory_space<semaphore_mem>>) src(%dma_wait3A_980 : memref<64x256xf32, #tpu.memory_space<vmem>>) dst(%dma_wait3A_976 : memref<64x256xf32, #tpu.memory_space<hbm>>)
    %add3A_981 = arith.constant 2 : i32
    %add3A_982 = arith.addi %mul3A_2, %add3A_981 : i32
    %jit3A_983 = arith.constant 32 : i32
    %div3A_984 = arith.divsi %add3A_982, %jit3A_983 : i32
    %sign3A_985 = arith.constant 0 : i32
    %sign3A_986 = arith.cmpi sgt, %add3A_982, %sign3A_985 : i32
    %sign3A_987 = arith.extui %sign3A_986 : i1 to i32
    %sign3A_988 = arith.constant 0 : i32
    %sign3A_989 = arith.cmpi slt, %add3A_982, %sign3A_988 : i32
    %sign3A_990 = arith.extui %sign3A_989 : i1 to i32
    %sign3A_991 = arith.subi %sign3A_987, %sign3A_990 : i32
    %sign3A_992 = arith.constant 0 : i32
    %sign3A_993 = arith.cmpi sgt, %jit3A_983, %sign3A_992 : i32
    %sign3A_994 = arith.extui %sign3A_993 : i1 to i32
    %sign3A_995 = arith.constant 0 : i32
    %sign3A_996 = arith.cmpi slt, %jit3A_983, %sign3A_995 : i32
    %sign3A_997 = arith.extui %sign3A_996 : i1 to i32
    %sign3A_998 = arith.subi %sign3A_994, %sign3A_997 : i32
    %ne3A_999 = arith.cmpi ne, %sign3A_991, %sign3A_998 : i32
    %rem3A_1000 = arith.remsi %add3A_982, %jit3A_983 : i32
    %ne3A_1001 = arith.constant 0 : i32
    %ne3A_1002 = arith.cmpi ne, %rem3A_1000, %ne3A_1001 : i32
    %and3A_1003 = arith.andi %ne3A_999, %ne3A_1002 : i1
    %sub3A_1004 = arith.constant 1 : i32
    %sub3A_1005 = arith.subi %div3A_984, %sub3A_1004 : i32
    %select_n3A_1006 = arith.select %and3A_1003, %sub3A_1005, %div3A_984 : i32
    %jit3A_1007 = arith.constant 32 : i32
    %eq3A_1008 = arith.constant 0 : i32
    %eq3A_1009 = arith.cmpi eq, %jit3A_1007, %eq3A_1008 : i32
    %jit3A_1010 = arith.constant 1 : i32
    %select_n3A_1011 = arith.select %eq3A_1009, %jit3A_1010, %jit3A_1007 : i32
    %rem3A_1012 = arith.remsi %add3A_982, %select_n3A_1011 : i32
    %ne3A_1013 = arith.constant 0 : i32
    %ne3A_1014 = arith.cmpi ne, %rem3A_1012, %ne3A_1013 : i32
    %lt3A_1015 = arith.constant 0 : i32
    %lt3A_1016 = arith.cmpi slt, %rem3A_1012, %lt3A_1015 : i32
    %lt3A_1017 = arith.constant 0 : i32
    %lt3A_1018 = arith.cmpi slt, %select_n3A_1011, %lt3A_1017 : i32
    %ne3A_1019 = arith.xori %lt3A_1016, %lt3A_1018 : i1
    %and3A_1020 = arith.andi %ne3A_1019, %ne3A_1014 : i1
    %add3A_1021 = arith.addi %rem3A_1012, %select_n3A_1011 : i32
    %select_n3A_1022 = arith.select %and3A_1020, %add3A_1021, %rem3A_1012 : i32
    %mul3A_1023 = arith.constant 128 : i32
    %mul3A_1024 = arith.muli %select_n3A_1006, %mul3A_1023 : i32
    %mul3A_1025 = arith.constant 127 : i32
    %mul3A_1026 = arith.muli %select_n3A_1022, %mul3A_1025 : i32
    %jit3A_1027 = arith.constant 31 : i32
    %div3A_1028 = arith.divsi %mul3A_1026, %jit3A_1027 : i32
    %sign3A_1029 = arith.constant 0 : i32
    %sign3A_1030 = arith.cmpi sgt, %mul3A_1026, %sign3A_1029 : i32
    %sign3A_1031 = arith.extui %sign3A_1030 : i1 to i32
    %sign3A_1032 = arith.constant 0 : i32
    %sign3A_1033 = arith.cmpi slt, %mul3A_1026, %sign3A_1032 : i32
    %sign3A_1034 = arith.extui %sign3A_1033 : i1 to i32
    %sign3A_1035 = arith.subi %sign3A_1031, %sign3A_1034 : i32
    %sign3A_1036 = arith.constant 0 : i32
    %sign3A_1037 = arith.cmpi sgt, %jit3A_1027, %sign3A_1036 : i32
    %sign3A_1038 = arith.extui %sign3A_1037 : i1 to i32
    %sign3A_1039 = arith.constant 0 : i32
    %sign3A_1040 = arith.cmpi slt, %jit3A_1027, %sign3A_1039 : i32
    %sign3A_1041 = arith.extui %sign3A_1040 : i1 to i32
    %sign3A_1042 = arith.subi %sign3A_1038, %sign3A_1041 : i32
    %ne3A_1043 = arith.cmpi ne, %sign3A_1035, %sign3A_1042 : i32
    %rem3A_1044 = arith.remsi %mul3A_1026, %jit3A_1027 : i32
    %ne3A_1045 = arith.constant 0 : i32
    %ne3A_1046 = arith.cmpi ne, %rem3A_1044, %ne3A_1045 : i32
    %and3A_1047 = arith.andi %ne3A_1043, %ne3A_1046 : i1
    %sub3A_1048 = arith.constant 1 : i32
    %sub3A_1049 = arith.subi %div3A_1028, %sub3A_1048 : i32
    %select_n3A_1050 = arith.select %and3A_1047, %sub3A_1049, %div3A_1028 : i32
    %add3A_1051 = arith.addi %mul3A_1024, %select_n3A_1050 : i32
    %dma_start3A_1052 = arith.constant 1 : i32
    %dma_start3A_1053 = arith.constant 1 : i32
    %dma_start3A_1054 = arith.constant 0 : i32
    %dma_start3A_1055 = arith.constant 0 : i32
    %dma_start3A_1056 = tpu.memref_slice %arg4[%dma_start3A_1052, %dma_start3A_1054, %dma_start3A_1055] : memref<7x64x256xf32, #tpu.memory_space<vmem>> -> memref<1x64x256xf32, #tpu.memory_space<vmem>>
    %dma_start3A_1057 = tpu.memref_squeeze %dma_start3A_1056 : memref<1x64x256xf32, #tpu.memory_space<vmem>> -> memref<64x256xf32, #tpu.memory_space<vmem>>
    %dma_start3A_1058 = arith.constant 0 : i32
    %dma_start3A_1059 = arith.constant 0 : i32
    %dma_start3A_1060 = tpu.memref_slice %arg2[%add3A_1051, %dma_start3A_1058, %dma_start3A_1059] : memref<384x256x256xf32, #tpu.memory_space<hbm>> -> memref<1x64x256xf32, #tpu.memory_space<hbm>>
    %dma_start3A_1061 = tpu.memref_squeeze %dma_start3A_1060 : memref<1x64x256xf32, #tpu.memory_space<hbm>> -> memref<64x256xf32, #tpu.memory_space<hbm>>
    %dma_start3A_1062 = tpu.memref_slice %arg5[%dma_start3A_1053] : memref<7x!tpu.dma_semaphore, #tpu.memory_space<semaphore_mem>> -> memref<1x!tpu.dma_semaphore, #tpu.memory_space<semaphore_mem>>
    %dma_start3A_1063 = tpu.memref_squeeze %dma_start3A_1062 : memref<1x!tpu.dma_semaphore, #tpu.memory_space<semaphore_mem>> -> memref<!tpu.dma_semaphore, #tpu.memory_space<semaphore_mem>>
    %dma_start3A_1064 = arith.constant 0 : i32
    %dma_start3A_1065 = arith.constant 0 : i32
    %dma_start3A_1066 = tpu.memref_slice %arg4[%dma_start3A_1052, %dma_start3A_1064, %dma_start3A_1065] : memref<7x64x256xf32, #tpu.memory_space<vmem>> -> memref<1x64x256xf32, #tpu.memory_space<vmem>>
    %dma_start3A_1067 = tpu.memref_squeeze %dma_start3A_1066 : memref<1x64x256xf32, #tpu.memory_space<vmem>> -> memref<64x256xf32, #tpu.memory_space<vmem>>
    %dma_start3A_1068 = arith.constant 0 : i32
    %dma_start3A_1069 = arith.constant 0 : i32
    %dma_start3A_1070 = tpu.memref_slice %arg2[%add3A_1051, %dma_start3A_1068, %dma_start3A_1069] : memref<384x256x256xf32, #tpu.memory_space<hbm>> -> memref<1x64x256xf32, #tpu.memory_space<hbm>>
    %dma_start3A_1071 = tpu.memref_squeeze %dma_start3A_1070 : memref<1x64x256xf32, #tpu.memory_space<hbm>> -> memref<64x256xf32, #tpu.memory_space<hbm>>
    tpu.enqueue_dma source(%dma_start3A_1071 : memref<64x256xf32, #tpu.memory_space<hbm>>) target(%dma_start3A_1067 : memref<64x256xf32, #tpu.memory_space<vmem>>) target_semaphore(%dma_start3A_1063 : memref<!tpu.dma_semaphore, #tpu.memory_space<semaphore_mem>>)
    %dma_wait3A_1072 = arith.constant 2 : i32
    %dma_wait3A_1073 = arith.constant 2 : i32
    %dma_wait3A_1074 = arith.constant 0 : i32
    %dma_wait3A_1075 = arith.constant 0 : i32
    %dma_wait3A_1076 = tpu.memref_slice %arg4[%dma_wait3A_1072, %dma_wait3A_1074, %dma_wait3A_1075] : memref<7x64x256xf32, #tpu.memory_space<vmem>> -> memref<1x64x256xf32, #tpu.memory_space<vmem>>
    %dma_wait3A_1077 = tpu.memref_squeeze %dma_wait3A_1076 : memref<1x64x256xf32, #tpu.memory_space<vmem>> -> memref<64x256xf32, #tpu.memory_space<vmem>>
    %dma_wait3A_1078 = arith.constant 128 : i32
    %dma_wait3A_1079 = arith.constant 0 : i32
    %dma_wait3A_1080 = tpu.memref_slice %arg2[%add3A_244, %dma_wait3A_1078, %dma_wait3A_1079] : memref<384x256x256xf32, #tpu.memory_space<hbm>> -> memref<1x64x256xf32, #tpu.memory_space<hbm>>
    %dma_wait3A_1081 = tpu.memref_squeeze %dma_wait3A_1080 : memref<1x64x256xf32, #tpu.memory_space<hbm>> -> memref<64x256xf32, #tpu.memory_space<hbm>>
    %dma_wait3A_1082 = tpu.memref_slice %arg5[%dma_wait3A_1073] : memref<7x!tpu.dma_semaphore, #tpu.memory_space<semaphore_mem>> -> memref<1x!tpu.dma_semaphore, #tpu.memory_space<semaphore_mem>>
    %dma_wait3A_1083 = tpu.memref_squeeze %dma_wait3A_1082 : memref<1x!tpu.dma_semaphore, #tpu.memory_space<semaphore_mem>> -> memref<!tpu.dma_semaphore, #tpu.memory_space<semaphore_mem>>
    %dma_wait3A_1084 = arith.constant 0 : i32
    %dma_wait3A_1085 = arith.constant 0 : i32
    %dma_wait3A_1086 = tpu.memref_slice %arg4[%dma_wait3A_1072, %dma_wait3A_1084, %dma_wait3A_1085] : memref<7x64x256xf32, #tpu.memory_space<vmem>> -> memref<1x64x256xf32, #tpu.memory_space<vmem>>
    %dma_wait3A_1087 = tpu.memref_squeeze %dma_wait3A_1086 : memref<1x64x256xf32, #tpu.memory_space<vmem>> -> memref<64x256xf32, #tpu.memory_space<vmem>>
    %dma_wait3A_1088 = arith.constant 128 : i32
    %dma_wait3A_1089 = arith.constant 0 : i32
    %dma_wait3A_1090 = tpu.memref_slice %arg2[%add3A_244, %dma_wait3A_1088, %dma_wait3A_1089] : memref<384x256x256xf32, #tpu.memory_space<hbm>> -> memref<1x64x256xf32, #tpu.memory_space<hbm>>
    %dma_wait3A_1091 = tpu.memref_squeeze %dma_wait3A_1090 : memref<1x64x256xf32, #tpu.memory_space<hbm>> -> memref<64x256xf32, #tpu.memory_space<hbm>>
    tpu.wait_dma2 semaphore(%dma_wait3A_1083 : memref<!tpu.dma_semaphore, #tpu.memory_space<semaphore_mem>>) src(%dma_wait3A_1091 : memref<64x256xf32, #tpu.memory_space<hbm>>) dst(%dma_wait3A_1087 : memref<64x256xf32, #tpu.memory_space<vmem>>)
    %add3A_1092 = arith.constant 0 : i32
    %add3A_1093 = arith.addi %mul3A_2, %add3A_1092 : i32
    %jit3A_1094 = arith.constant 32 : i32
    %div3A_1095 = arith.divsi %add3A_1093, %jit3A_1094 : i32
    %sign3A_1096 = arith.constant 0 : i32
    %sign3A_1097 = arith.cmpi sgt, %add3A_1093, %sign3A_1096 : i32
    %sign3A_1098 = arith.extui %sign3A_1097 : i1 to i32
    %sign3A_1099 = arith.constant 0 : i32
    %sign3A_1100 = arith.cmpi slt, %add3A_1093, %sign3A_1099 : i32
    %sign3A_1101 = arith.extui %sign3A_1100 : i1 to i32
    %sign3A_1102 = arith.subi %sign3A_1098, %sign3A_1101 : i32
    %sign3A_1103 = arith.constant 0 : i32
    %sign3A_1104 = arith.cmpi sgt, %jit3A_1094, %sign3A_1103 : i32
    %sign3A_1105 = arith.extui %sign3A_1104 : i1 to i32
    %sign3A_1106 = arith.constant 0 : i32
    %sign3A_1107 = arith.cmpi slt, %jit3A_1094, %sign3A_1106 : i32
    %sign3A_1108 = arith.extui %sign3A_1107 : i1 to i32
    %sign3A_1109 = arith.subi %sign3A_1105, %sign3A_1108 : i32
    %ne3A_1110 = arith.cmpi ne, %sign3A_1102, %sign3A_1109 : i32
    %rem3A_1111 = arith.remsi %add3A_1093, %jit3A_1094 : i32
    %ne3A_1112 = arith.constant 0 : i32
    %ne3A_1113 = arith.cmpi ne, %rem3A_1111, %ne3A_1112 : i32
    %and3A_1114 = arith.andi %ne3A_1110, %ne3A_1113 : i1
    %sub3A_1115 = arith.constant 1 : i32
    %sub3A_1116 = arith.subi %div3A_1095, %sub3A_1115 : i32
    %select_n3A_1117 = arith.select %and3A_1114, %sub3A_1116, %div3A_1095 : i32
    %jit3A_1118 = arith.constant 32 : i32
    %eq3A_1119 = arith.constant 0 : i32
    %eq3A_1120 = arith.cmpi eq, %jit3A_1118, %eq3A_1119 : i32
    %jit3A_1121 = arith.constant 1 : i32
    %select_n3A_1122 = arith.select %eq3A_1120, %jit3A_1121, %jit3A_1118 : i32
    %rem3A_1123 = arith.remsi %add3A_1093, %select_n3A_1122 : i32
    %ne3A_1124 = arith.constant 0 : i32
    %ne3A_1125 = arith.cmpi ne, %rem3A_1123, %ne3A_1124 : i32
    %lt3A_1126 = arith.constant 0 : i32
    %lt3A_1127 = arith.cmpi slt, %rem3A_1123, %lt3A_1126 : i32
    %lt3A_1128 = arith.constant 0 : i32
    %lt3A_1129 = arith.cmpi slt, %select_n3A_1122, %lt3A_1128 : i32
    %ne3A_1130 = arith.xori %lt3A_1127, %lt3A_1129 : i1
    %and3A_1131 = arith.andi %ne3A_1130, %ne3A_1125 : i1
    %add3A_1132 = arith.addi %rem3A_1123, %select_n3A_1122 : i32
    %select_n3A_1133 = arith.select %and3A_1131, %add3A_1132, %rem3A_1123 : i32
    %mul3A_1134 = arith.constant 128 : i32
    %mul3A_1135 = arith.muli %select_n3A_1117, %mul3A_1134 : i32
    %mul3A_1136 = arith.constant 127 : i32
    %mul3A_1137 = arith.muli %select_n3A_1133, %mul3A_1136 : i32
    %jit3A_1138 = arith.constant 31 : i32
    %div3A_1139 = arith.divsi %mul3A_1137, %jit3A_1138 : i32
    %sign3A_1140 = arith.constant 0 : i32
    %sign3A_1141 = arith.cmpi sgt, %mul3A_1137, %sign3A_1140 : i32
    %sign3A_1142 = arith.extui %sign3A_1141 : i1 to i32
    %sign3A_1143 = arith.constant 0 : i32
    %sign3A_1144 = arith.cmpi slt, %mul3A_1137, %sign3A_1143 : i32
    %sign3A_1145 = arith.extui %sign3A_1144 : i1 to i32
    %sign3A_1146 = arith.subi %sign3A_1142, %sign3A_1145 : i32
    %sign3A_1147 = arith.constant 0 : i32
    %sign3A_1148 = arith.cmpi sgt, %jit3A_1138, %sign3A_1147 : i32
    %sign3A_1149 = arith.extui %sign3A_1148 : i1 to i32
    %sign3A_1150 = arith.constant 0 : i32
    %sign3A_1151 = arith.cmpi slt, %jit3A_1138, %sign3A_1150 : i32
    %sign3A_1152 = arith.extui %sign3A_1151 : i1 to i32
    %sign3A_1153 = arith.subi %sign3A_1149, %sign3A_1152 : i32
    %ne3A_1154 = arith.cmpi ne, %sign3A_1146, %sign3A_1153 : i32
    %rem3A_1155 = arith.remsi %mul3A_1137, %jit3A_1138 : i32
    %ne3A_1156 = arith.constant 0 : i32
    %ne3A_1157 = arith.cmpi ne, %rem3A_1155, %ne3A_1156 : i32
    %and3A_1158 = arith.andi %ne3A_1154, %ne3A_1157 : i1
    %sub3A_1159 = arith.constant 1 : i32
    %sub3A_1160 = arith.subi %div3A_1139, %sub3A_1159 : i32
    %select_n3A_1161 = arith.select %and3A_1158, %sub3A_1160, %div3A_1139 : i32
    %add3A_1162 = arith.addi %mul3A_1135, %select_n3A_1161 : i32
    %dma_start3A_1163 = arith.constant 2 : i32
    %dma_start3A_1164 = arith.constant 2 : i32
    %dma_start3A_1165 = arith.constant 0 : i32
    %dma_start3A_1166 = arith.constant 0 : i32
    %dma_start3A_1167 = tpu.memref_slice %arg4[%dma_start3A_1163, %dma_start3A_1165, %dma_start3A_1166] : memref<7x64x256xf32, #tpu.memory_space<vmem>> -> memref<1x64x256xf32, #tpu.memory_space<vmem>>
    %dma_start3A_1168 = tpu.memref_squeeze %dma_start3A_1167 : memref<1x64x256xf32, #tpu.memory_space<vmem>> -> memref<64x256xf32, #tpu.memory_space<vmem>>
    %dma_start3A_1169 = arith.constant 128 : i32
    %dma_start3A_1170 = arith.constant 0 : i32
    %dma_start3A_1171 = tpu.memref_slice %arg3[%add3A_1093, %dma_start3A_1169, %dma_start3A_1170] : memref<96x256x256xf32, #tpu.memory_space<hbm>> -> memref<1x64x256xf32, #tpu.memory_space<hbm>>
    %dma_start3A_1172 = tpu.memref_squeeze %dma_start3A_1171 : memref<1x64x256xf32, #tpu.memory_space<hbm>> -> memref<64x256xf32, #tpu.memory_space<hbm>>
    %dma_start3A_1173 = tpu.memref_slice %arg6[%dma_start3A_1164] : memref<7x!tpu.dma_semaphore, #tpu.memory_space<semaphore_mem>> -> memref<1x!tpu.dma_semaphore, #tpu.memory_space<semaphore_mem>>
    %dma_start3A_1174 = tpu.memref_squeeze %dma_start3A_1173 : memref<1x!tpu.dma_semaphore, #tpu.memory_space<semaphore_mem>> -> memref<!tpu.dma_semaphore, #tpu.memory_space<semaphore_mem>>
    %dma_start3A_1175 = arith.constant 128 : i32
    %dma_start3A_1176 = arith.constant 0 : i32
    %dma_start3A_1177 = tpu.memref_slice %arg3[%add3A_1093, %dma_start3A_1175, %dma_start3A_1176] : memref<96x256x256xf32, #tpu.memory_space<hbm>> -> memref<1x64x256xf32, #tpu.memory_space<hbm>>
    %dma_start3A_1178 = tpu.memref_squeeze %dma_start3A_1177 : memref<1x64x256xf32, #tpu.memory_space<hbm>> -> memref<64x256xf32, #tpu.memory_space<hbm>>
    %dma_start3A_1179 = arith.constant 0 : i32
    %dma_start3A_1180 = arith.constant 0 : i32
    %dma_start3A_1181 = tpu.memref_slice %arg4[%dma_start3A_1163, %dma_start3A_1179, %dma_start3A_1180] : memref<7x64x256xf32, #tpu.memory_space<vmem>> -> memref<1x64x256xf32, #tpu.memory_space<vmem>>
    %dma_start3A_1182 = tpu.memref_squeeze %dma_start3A_1181 : memref<1x64x256xf32, #tpu.memory_space<vmem>> -> memref<64x256xf32, #tpu.memory_space<vmem>>
    tpu.enqueue_dma source(%dma_start3A_1182 : memref<64x256xf32, #tpu.memory_space<vmem>>) target(%dma_start3A_1178 : memref<64x256xf32, #tpu.memory_space<hbm>>) target_semaphore(%dma_start3A_1174 : memref<!tpu.dma_semaphore, #tpu.memory_space<semaphore_mem>>)
    %dma_wait3A_1183 = arith.constant 2 : i32
    %dma_wait3A_1184 = arith.constant 2 : i32
    %dma_wait3A_1185 = arith.constant 0 : i32
    %dma_wait3A_1186 = arith.constant 0 : i32
    %dma_wait3A_1187 = tpu.memref_slice %arg4[%dma_wait3A_1183, %dma_wait3A_1185, %dma_wait3A_1186] : memref<7x64x256xf32, #tpu.memory_space<vmem>> -> memref<1x64x256xf32, #tpu.memory_space<vmem>>
    %dma_wait3A_1188 = tpu.memref_squeeze %dma_wait3A_1187 : memref<1x64x256xf32, #tpu.memory_space<vmem>> -> memref<64x256xf32, #tpu.memory_space<vmem>>
    %dma_wait3A_1189 = arith.constant 128 : i32
    %dma_wait3A_1190 = arith.constant 0 : i32
    %dma_wait3A_1191 = tpu.memref_slice %arg3[%add3A_1093, %dma_wait3A_1189, %dma_wait3A_1190] : memref<96x256x256xf32, #tpu.memory_space<hbm>> -> memref<1x64x256xf32, #tpu.memory_space<hbm>>
    %dma_wait3A_1192 = tpu.memref_squeeze %dma_wait3A_1191 : memref<1x64x256xf32, #tpu.memory_space<hbm>> -> memref<64x256xf32, #tpu.memory_space<hbm>>
    %dma_wait3A_1193 = tpu.memref_slice %arg6[%dma_wait3A_1184] : memref<7x!tpu.dma_semaphore, #tpu.memory_space<semaphore_mem>> -> memref<1x!tpu.dma_semaphore, #tpu.memory_space<semaphore_mem>>
    %dma_wait3A_1194 = tpu.memref_squeeze %dma_wait3A_1193 : memref<1x!tpu.dma_semaphore, #tpu.memory_space<semaphore_mem>> -> memref<!tpu.dma_semaphore, #tpu.memory_space<semaphore_mem>>
    %dma_wait3A_1195 = arith.constant 128 : i32
    %dma_wait3A_1196 = arith.constant 0 : i32
    %dma_wait3A_1197 = tpu.memref_slice %arg3[%add3A_1093, %dma_wait3A_1195, %dma_wait3A_1196] : memref<96x256x256xf32, #tpu.memory_space<hbm>> -> memref<1x64x256xf32, #tpu.memory_space<hbm>>
    %dma_wait3A_1198 = tpu.memref_squeeze %dma_wait3A_1197 : memref<1x64x256xf32, #tpu.memory_space<hbm>> -> memref<64x256xf32, #tpu.memory_space<hbm>>
    %dma_wait3A_1199 = arith.constant 0 : i32
    %dma_wait3A_1200 = arith.constant 0 : i32
    %dma_wait3A_1201 = tpu.memref_slice %arg4[%dma_wait3A_1183, %dma_wait3A_1199, %dma_wait3A_1200] : memref<7x64x256xf32, #tpu.memory_space<vmem>> -> memref<1x64x256xf32, #tpu.memory_space<vmem>>
    %dma_wait3A_1202 = tpu.memref_squeeze %dma_wait3A_1201 : memref<1x64x256xf32, #tpu.memory_space<vmem>> -> memref<64x256xf32, #tpu.memory_space<vmem>>
    tpu.wait_dma2 semaphore(%dma_wait3A_1194 : memref<!tpu.dma_semaphore, #tpu.memory_space<semaphore_mem>>) src(%dma_wait3A_1202 : memref<64x256xf32, #tpu.memory_space<vmem>>) dst(%dma_wait3A_1198 : memref<64x256xf32, #tpu.memory_space<hbm>>)
    %add3A_1203 = arith.constant 2 : i32
    %add3A_1204 = arith.addi %mul3A_2, %add3A_1203 : i32
    %jit3A_1205 = arith.constant 32 : i32
    %div3A_1206 = arith.divsi %add3A_1204, %jit3A_1205 : i32
    %sign3A_1207 = arith.constant 0 : i32
    %sign3A_1208 = arith.cmpi sgt, %add3A_1204, %sign3A_1207 : i32
    %sign3A_1209 = arith.extui %sign3A_1208 : i1 to i32
    %sign3A_1210 = arith.constant 0 : i32
    %sign3A_1211 = arith.cmpi slt, %add3A_1204, %sign3A_1210 : i32
    %sign3A_1212 = arith.extui %sign3A_1211 : i1 to i32
    %sign3A_1213 = arith.subi %sign3A_1209, %sign3A_1212 : i32
    %sign3A_1214 = arith.constant 0 : i32
    %sign3A_1215 = arith.cmpi sgt, %jit3A_1205, %sign3A_1214 : i32
    %sign3A_1216 = arith.extui %sign3A_1215 : i1 to i32
    %sign3A_1217 = arith.constant 0 : i32
    %sign3A_1218 = arith.cmpi slt, %jit3A_1205, %sign3A_1217 : i32
    %sign3A_1219 = arith.extui %sign3A_1218 : i1 to i32
    %sign3A_1220 = arith.subi %sign3A_1216, %sign3A_1219 : i32
    %ne3A_1221 = arith.cmpi ne, %sign3A_1213, %sign3A_1220 : i32
    %rem3A_1222 = arith.remsi %add3A_1204, %jit3A_1205 : i32
    %ne3A_1223 = arith.constant 0 : i32
    %ne3A_1224 = arith.cmpi ne, %rem3A_1222, %ne3A_1223 : i32
    %and3A_1225 = arith.andi %ne3A_1221, %ne3A_1224 : i1
    %sub3A_1226 = arith.constant 1 : i32
    %sub3A_1227 = arith.subi %div3A_1206, %sub3A_1226 : i32
    %select_n3A_1228 = arith.select %and3A_1225, %sub3A_1227, %div3A_1206 : i32
    %jit3A_1229 = arith.constant 32 : i32
    %eq3A_1230 = arith.constant 0 : i32
    %eq3A_1231 = arith.cmpi eq, %jit3A_1229, %eq3A_1230 : i32
    %jit3A_1232 = arith.constant 1 : i32
    %select_n3A_1233 = arith.select %eq3A_1231, %jit3A_1232, %jit3A_1229 : i32
    %rem3A_1234 = arith.remsi %add3A_1204, %select_n3A_1233 : i32
    %ne3A_1235 = arith.constant 0 : i32
    %ne3A_1236 = arith.cmpi ne, %rem3A_1234, %ne3A_1235 : i32
    %lt3A_1237 = arith.constant 0 : i32
    %lt3A_1238 = arith.cmpi slt, %rem3A_1234, %lt3A_1237 : i32
    %lt3A_1239 = arith.constant 0 : i32
    %lt3A_1240 = arith.cmpi slt, %select_n3A_1233, %lt3A_1239 : i32
    %ne3A_1241 = arith.xori %lt3A_1238, %lt3A_1240 : i1
    %and3A_1242 = arith.andi %ne3A_1241, %ne3A_1236 : i1
    %add3A_1243 = arith.addi %rem3A_1234, %select_n3A_1233 : i32
    %select_n3A_1244 = arith.select %and3A_1242, %add3A_1243, %rem3A_1234 : i32
    %mul3A_1245 = arith.constant 128 : i32
    %mul3A_1246 = arith.muli %select_n3A_1228, %mul3A_1245 : i32
    %mul3A_1247 = arith.constant 127 : i32
    %mul3A_1248 = arith.muli %select_n3A_1244, %mul3A_1247 : i32
    %jit3A_1249 = arith.constant 31 : i32
    %div3A_1250 = arith.divsi %mul3A_1248, %jit3A_1249 : i32
    %sign3A_1251 = arith.constant 0 : i32
    %sign3A_1252 = arith.cmpi sgt, %mul3A_1248, %sign3A_1251 : i32
    %sign3A_1253 = arith.extui %sign3A_1252 : i1 to i32
    %sign3A_1254 = arith.constant 0 : i32
    %sign3A_1255 = arith.cmpi slt, %mul3A_1248, %sign3A_1254 : i32
    %sign3A_1256 = arith.extui %sign3A_1255 : i1 to i32
    %sign3A_1257 = arith.subi %sign3A_1253, %sign3A_1256 : i32
    %sign3A_1258 = arith.constant 0 : i32
    %sign3A_1259 = arith.cmpi sgt, %jit3A_1249, %sign3A_1258 : i32
    %sign3A_1260 = arith.extui %sign3A_1259 : i1 to i32
    %sign3A_1261 = arith.constant 0 : i32
    %sign3A_1262 = arith.cmpi slt, %jit3A_1249, %sign3A_1261 : i32
    %sign3A_1263 = arith.extui %sign3A_1262 : i1 to i32
    %sign3A_1264 = arith.subi %sign3A_1260, %sign3A_1263 : i32
    %ne3A_1265 = arith.cmpi ne, %sign3A_1257, %sign3A_1264 : i32
    %rem3A_1266 = arith.remsi %mul3A_1248, %jit3A_1249 : i32
    %ne3A_1267 = arith.constant 0 : i32
    %ne3A_1268 = arith.cmpi ne, %rem3A_1266, %ne3A_1267 : i32
    %and3A_1269 = arith.andi %ne3A_1265, %ne3A_1268 : i1
    %sub3A_1270 = arith.constant 1 : i32
    %sub3A_1271 = arith.subi %div3A_1250, %sub3A_1270 : i32
    %select_n3A_1272 = arith.select %and3A_1269, %sub3A_1271, %div3A_1250 : i32
    %add3A_1273 = arith.addi %mul3A_1246, %select_n3A_1272 : i32
    %dma_start3A_1274 = arith.constant 2 : i32
    %dma_start3A_1275 = arith.constant 2 : i32
    %dma_start3A_1276 = arith.constant 0 : i32
    %dma_start3A_1277 = arith.constant 0 : i32
    %dma_start3A_1278 = tpu.memref_slice %arg4[%dma_start3A_1274, %dma_start3A_1276, %dma_start3A_1277] : memref<7x64x256xf32, #tpu.memory_space<vmem>> -> memref<1x64x256xf32, #tpu.memory_space<vmem>>
    %dma_start3A_1279 = tpu.memref_squeeze %dma_start3A_1278 : memref<1x64x256xf32, #tpu.memory_space<vmem>> -> memref<64x256xf32, #tpu.memory_space<vmem>>
    %dma_start3A_1280 = arith.constant 64 : i32
    %dma_start3A_1281 = arith.constant 0 : i32
    %dma_start3A_1282 = tpu.memref_slice %arg2[%add3A_1273, %dma_start3A_1280, %dma_start3A_1281] : memref<384x256x256xf32, #tpu.memory_space<hbm>> -> memref<1x64x256xf32, #tpu.memory_space<hbm>>
    %dma_start3A_1283 = tpu.memref_squeeze %dma_start3A_1282 : memref<1x64x256xf32, #tpu.memory_space<hbm>> -> memref<64x256xf32, #tpu.memory_space<hbm>>
    %dma_start3A_1284 = tpu.memref_slice %arg5[%dma_start3A_1275] : memref<7x!tpu.dma_semaphore, #tpu.memory_space<semaphore_mem>> -> memref<1x!tpu.dma_semaphore, #tpu.memory_space<semaphore_mem>>
    %dma_start3A_1285 = tpu.memref_squeeze %dma_start3A_1284 : memref<1x!tpu.dma_semaphore, #tpu.memory_space<semaphore_mem>> -> memref<!tpu.dma_semaphore, #tpu.memory_space<semaphore_mem>>
    %dma_start3A_1286 = arith.constant 0 : i32
    %dma_start3A_1287 = arith.constant 0 : i32
    %dma_start3A_1288 = tpu.memref_slice %arg4[%dma_start3A_1274, %dma_start3A_1286, %dma_start3A_1287] : memref<7x64x256xf32, #tpu.memory_space<vmem>> -> memref<1x64x256xf32, #tpu.memory_space<vmem>>
    %dma_start3A_1289 = tpu.memref_squeeze %dma_start3A_1288 : memref<1x64x256xf32, #tpu.memory_space<vmem>> -> memref<64x256xf32, #tpu.memory_space<vmem>>
    %dma_start3A_1290 = arith.constant 64 : i32
    %dma_start3A_1291 = arith.constant 0 : i32
    %dma_start3A_1292 = tpu.memref_slice %arg2[%add3A_1273, %dma_start3A_1290, %dma_start3A_1291] : memref<384x256x256xf32, #tpu.memory_space<hbm>> -> memref<1x64x256xf32, #tpu.memory_space<hbm>>
    %dma_start3A_1293 = tpu.memref_squeeze %dma_start3A_1292 : memref<1x64x256xf32, #tpu.memory_space<hbm>> -> memref<64x256xf32, #tpu.memory_space<hbm>>
    tpu.enqueue_dma source(%dma_start3A_1293 : memref<64x256xf32, #tpu.memory_space<hbm>>) target(%dma_start3A_1289 : memref<64x256xf32, #tpu.memory_space<vmem>>) target_semaphore(%dma_start3A_1285 : memref<!tpu.dma_semaphore, #tpu.memory_space<semaphore_mem>>)
    %dma_wait3A_1294 = arith.constant 3 : i32
    %dma_wait3A_1295 = arith.constant 3 : i32
    %dma_wait3A_1296 = arith.constant 0 : i32
    %dma_wait3A_1297 = arith.constant 0 : i32
    %dma_wait3A_1298 = tpu.memref_slice %arg4[%dma_wait3A_1294, %dma_wait3A_1296, %dma_wait3A_1297] : memref<7x64x256xf32, #tpu.memory_space<vmem>> -> memref<1x64x256xf32, #tpu.memory_space<vmem>>
    %dma_wait3A_1299 = tpu.memref_squeeze %dma_wait3A_1298 : memref<1x64x256xf32, #tpu.memory_space<vmem>> -> memref<64x256xf32, #tpu.memory_space<vmem>>
    %dma_wait3A_1300 = arith.constant 192 : i32
    %dma_wait3A_1301 = arith.constant 0 : i32
    %dma_wait3A_1302 = tpu.memref_slice %arg2[%add3A_335, %dma_wait3A_1300, %dma_wait3A_1301] : memref<384x256x256xf32, #tpu.memory_space<hbm>> -> memref<1x64x256xf32, #tpu.memory_space<hbm>>
    %dma_wait3A_1303 = tpu.memref_squeeze %dma_wait3A_1302 : memref<1x64x256xf32, #tpu.memory_space<hbm>> -> memref<64x256xf32, #tpu.memory_space<hbm>>
    %dma_wait3A_1304 = tpu.memref_slice %arg5[%dma_wait3A_1295] : memref<7x!tpu.dma_semaphore, #tpu.memory_space<semaphore_mem>> -> memref<1x!tpu.dma_semaphore, #tpu.memory_space<semaphore_mem>>
    %dma_wait3A_1305 = tpu.memref_squeeze %dma_wait3A_1304 : memref<1x!tpu.dma_semaphore, #tpu.memory_space<semaphore_mem>> -> memref<!tpu.dma_semaphore, #tpu.memory_space<semaphore_mem>>
    %dma_wait3A_1306 = arith.constant 0 : i32
    %dma_wait3A_1307 = arith.constant 0 : i32
    %dma_wait3A_1308 = tpu.memref_slice %arg4[%dma_wait3A_1294, %dma_wait3A_1306, %dma_wait3A_1307] : memref<7x64x256xf32, #tpu.memory_space<vmem>> -> memref<1x64x256xf32, #tpu.memory_space<vmem>>
    %dma_wait3A_1309 = tpu.memref_squeeze %dma_wait3A_1308 : memref<1x64x256xf32, #tpu.memory_space<vmem>> -> memref<64x256xf32, #tpu.memory_space<vmem>>
    %dma_wait3A_1310 = arith.constant 192 : i32
    %dma_wait3A_1311 = arith.constant 0 : i32
    %dma_wait3A_1312 = tpu.memref_slice %arg2[%add3A_335, %dma_wait3A_1310, %dma_wait3A_1311] : memref<384x256x256xf32, #tpu.memory_space<hbm>> -> memref<1x64x256xf32, #tpu.memory_space<hbm>>
    %dma_wait3A_1313 = tpu.memref_squeeze %dma_wait3A_1312 : memref<1x64x256xf32, #tpu.memory_space<hbm>> -> memref<64x256xf32, #tpu.memory_space<hbm>>
    tpu.wait_dma2 semaphore(%dma_wait3A_1305 : memref<!tpu.dma_semaphore, #tpu.memory_space<semaphore_mem>>) src(%dma_wait3A_1313 : memref<64x256xf32, #tpu.memory_space<hbm>>) dst(%dma_wait3A_1309 : memref<64x256xf32, #tpu.memory_space<vmem>>)
    %add3A_1314 = arith.constant 0 : i32
    %add3A_1315 = arith.addi %mul3A_2, %add3A_1314 : i32
    %jit3A_1316 = arith.constant 32 : i32
    %div3A_1317 = arith.divsi %add3A_1315, %jit3A_1316 : i32
    %sign3A_1318 = arith.constant 0 : i32
    %sign3A_1319 = arith.cmpi sgt, %add3A_1315, %sign3A_1318 : i32
    %sign3A_1320 = arith.extui %sign3A_1319 : i1 to i32
    %sign3A_1321 = arith.constant 0 : i32
    %sign3A_1322 = arith.cmpi slt, %add3A_1315, %sign3A_1321 : i32
    %sign3A_1323 = arith.extui %sign3A_1322 : i1 to i32
    %sign3A_1324 = arith.subi %sign3A_1320, %sign3A_1323 : i32
    %sign3A_1325 = arith.constant 0 : i32
    %sign3A_1326 = arith.cmpi sgt, %jit3A_1316, %sign3A_1325 : i32
    %sign3A_1327 = arith.extui %sign3A_1326 : i1 to i32
    %sign3A_1328 = arith.constant 0 : i32
    %sign3A_1329 = arith.cmpi slt, %jit3A_1316, %sign3A_1328 : i32
    %sign3A_1330 = arith.extui %sign3A_1329 : i1 to i32
    %sign3A_1331 = arith.subi %sign3A_1327, %sign3A_1330 : i32
    %ne3A_1332 = arith.cmpi ne, %sign3A_1324, %sign3A_1331 : i32
    %rem3A_1333 = arith.remsi %add3A_1315, %jit3A_1316 : i32
    %ne3A_1334 = arith.constant 0 : i32
    %ne3A_1335 = arith.cmpi ne, %rem3A_1333, %ne3A_1334 : i32
    %and3A_1336 = arith.andi %ne3A_1332, %ne3A_1335 : i1
    %sub3A_1337 = arith.constant 1 : i32
    %sub3A_1338 = arith.subi %div3A_1317, %sub3A_1337 : i32
    %select_n3A_1339 = arith.select %and3A_1336, %sub3A_1338, %div3A_1317 : i32
    %jit3A_1340 = arith.constant 32 : i32
    %eq3A_1341 = arith.constant 0 : i32
    %eq3A_1342 = arith.cmpi eq, %jit3A_1340, %eq3A_1341 : i32
    %jit3A_1343 = arith.constant 1 : i32
    %select_n3A_1344 = arith.select %eq3A_1342, %jit3A_1343, %jit3A_1340 : i32
    %rem3A_1345 = arith.remsi %add3A_1315, %select_n3A_1344 : i32
    %ne3A_1346 = arith.constant 0 : i32
    %ne3A_1347 = arith.cmpi ne, %rem3A_1345, %ne3A_1346 : i32
    %lt3A_1348 = arith.constant 0 : i32
    %lt3A_1349 = arith.cmpi slt, %rem3A_1345, %lt3A_1348 : i32
    %lt3A_1350 = arith.constant 0 : i32
    %lt3A_1351 = arith.cmpi slt, %select_n3A_1344, %lt3A_1350 : i32
    %ne3A_1352 = arith.xori %lt3A_1349, %lt3A_1351 : i1
    %and3A_1353 = arith.andi %ne3A_1352, %ne3A_1347 : i1
    %add3A_1354 = arith.addi %rem3A_1345, %select_n3A_1344 : i32
    %select_n3A_1355 = arith.select %and3A_1353, %add3A_1354, %rem3A_1345 : i32
    %mul3A_1356 = arith.constant 128 : i32
    %mul3A_1357 = arith.muli %select_n3A_1339, %mul3A_1356 : i32
    %mul3A_1358 = arith.constant 127 : i32
    %mul3A_1359 = arith.muli %select_n3A_1355, %mul3A_1358 : i32
    %jit3A_1360 = arith.constant 31 : i32
    %div3A_1361 = arith.divsi %mul3A_1359, %jit3A_1360 : i32
    %sign3A_1362 = arith.constant 0 : i32
    %sign3A_1363 = arith.cmpi sgt, %mul3A_1359, %sign3A_1362 : i32
    %sign3A_1364 = arith.extui %sign3A_1363 : i1 to i32
    %sign3A_1365 = arith.constant 0 : i32
    %sign3A_1366 = arith.cmpi slt, %mul3A_1359, %sign3A_1365 : i32
    %sign3A_1367 = arith.extui %sign3A_1366 : i1 to i32
    %sign3A_1368 = arith.subi %sign3A_1364, %sign3A_1367 : i32
    %sign3A_1369 = arith.constant 0 : i32
    %sign3A_1370 = arith.cmpi sgt, %jit3A_1360, %sign3A_1369 : i32
    %sign3A_1371 = arith.extui %sign3A_1370 : i1 to i32
    %sign3A_1372 = arith.constant 0 : i32
    %sign3A_1373 = arith.cmpi slt, %jit3A_1360, %sign3A_1372 : i32
    %sign3A_1374 = arith.extui %sign3A_1373 : i1 to i32
    %sign3A_1375 = arith.subi %sign3A_1371, %sign3A_1374 : i32
    %ne3A_1376 = arith.cmpi ne, %sign3A_1368, %sign3A_1375 : i32
    %rem3A_1377 = arith.remsi %mul3A_1359, %jit3A_1360 : i32
    %ne3A_1378 = arith.constant 0 : i32
    %ne3A_1379 = arith.cmpi ne, %rem3A_1377, %ne3A_1378 : i32
    %and3A_1380 = arith.andi %ne3A_1376, %ne3A_1379 : i1
    %sub3A_1381 = arith.constant 1 : i32
    %sub3A_1382 = arith.subi %div3A_1361, %sub3A_1381 : i32
    %select_n3A_1383 = arith.select %and3A_1380, %sub3A_1382, %div3A_1361 : i32
    %add3A_1384 = arith.addi %mul3A_1357, %select_n3A_1383 : i32
    %dma_start3A_1385 = arith.constant 3 : i32
    %dma_start3A_1386 = arith.constant 3 : i32
    %dma_start3A_1387 = arith.constant 0 : i32
    %dma_start3A_1388 = arith.constant 0 : i32
    %dma_start3A_1389 = tpu.memref_slice %arg4[%dma_start3A_1385, %dma_start3A_1387, %dma_start3A_1388] : memref<7x64x256xf32, #tpu.memory_space<vmem>> -> memref<1x64x256xf32, #tpu.memory_space<vmem>>
    %dma_start3A_1390 = tpu.memref_squeeze %dma_start3A_1389 : memref<1x64x256xf32, #tpu.memory_space<vmem>> -> memref<64x256xf32, #tpu.memory_space<vmem>>
    %dma_start3A_1391 = arith.constant 192 : i32
    %dma_start3A_1392 = arith.constant 0 : i32
    %dma_start3A_1393 = tpu.memref_slice %arg3[%add3A_1315, %dma_start3A_1391, %dma_start3A_1392] : memref<96x256x256xf32, #tpu.memory_space<hbm>> -> memref<1x64x256xf32, #tpu.memory_space<hbm>>
    %dma_start3A_1394 = tpu.memref_squeeze %dma_start3A_1393 : memref<1x64x256xf32, #tpu.memory_space<hbm>> -> memref<64x256xf32, #tpu.memory_space<hbm>>
    %dma_start3A_1395 = tpu.memref_slice %arg6[%dma_start3A_1386] : memref<7x!tpu.dma_semaphore, #tpu.memory_space<semaphore_mem>> -> memref<1x!tpu.dma_semaphore, #tpu.memory_space<semaphore_mem>>
    %dma_start3A_1396 = tpu.memref_squeeze %dma_start3A_1395 : memref<1x!tpu.dma_semaphore, #tpu.memory_space<semaphore_mem>> -> memref<!tpu.dma_semaphore, #tpu.memory_space<semaphore_mem>>
    %dma_start3A_1397 = arith.constant 192 : i32
    %dma_start3A_1398 = arith.constant 0 : i32
    %dma_start3A_1399 = tpu.memref_slice %arg3[%add3A_1315, %dma_start3A_1397, %dma_start3A_1398] : memref<96x256x256xf32, #tpu.memory_space<hbm>> -> memref<1x64x256xf32, #tpu.memory_space<hbm>>
    %dma_start3A_1400 = tpu.memref_squeeze %dma_start3A_1399 : memref<1x64x256xf32, #tpu.memory_space<hbm>> -> memref<64x256xf32, #tpu.memory_space<hbm>>
    %dma_start3A_1401 = arith.constant 0 : i32
    %dma_start3A_1402 = arith.constant 0 : i32
    %dma_start3A_1403 = tpu.memref_slice %arg4[%dma_start3A_1385, %dma_start3A_1401, %dma_start3A_1402] : memref<7x64x256xf32, #tpu.memory_space<vmem>> -> memref<1x64x256xf32, #tpu.memory_space<vmem>>
    %dma_start3A_1404 = tpu.memref_squeeze %dma_start3A_1403 : memref<1x64x256xf32, #tpu.memory_space<vmem>> -> memref<64x256xf32, #tpu.memory_space<vmem>>
    tpu.enqueue_dma source(%dma_start3A_1404 : memref<64x256xf32, #tpu.memory_space<vmem>>) target(%dma_start3A_1400 : memref<64x256xf32, #tpu.memory_space<hbm>>) target_semaphore(%dma_start3A_1396 : memref<!tpu.dma_semaphore, #tpu.memory_space<semaphore_mem>>)
    %dma_wait3A_1405 = arith.constant 3 : i32
    %dma_wait3A_1406 = arith.constant 3 : i32
    %dma_wait3A_1407 = arith.constant 0 : i32
    %dma_wait3A_1408 = arith.constant 0 : i32
    %dma_wait3A_1409 = tpu.memref_slice %arg4[%dma_wait3A_1405, %dma_wait3A_1407, %dma_wait3A_1408] : memref<7x64x256xf32, #tpu.memory_space<vmem>> -> memref<1x64x256xf32, #tpu.memory_space<vmem>>
    %dma_wait3A_1410 = tpu.memref_squeeze %dma_wait3A_1409 : memref<1x64x256xf32, #tpu.memory_space<vmem>> -> memref<64x256xf32, #tpu.memory_space<vmem>>
    %dma_wait3A_1411 = arith.constant 192 : i32
    %dma_wait3A_1412 = arith.constant 0 : i32
    %dma_wait3A_1413 = tpu.memref_slice %arg3[%add3A_1315, %dma_wait3A_1411, %dma_wait3A_1412] : memref<96x256x256xf32, #tpu.memory_space<hbm>> -> memref<1x64x256xf32, #tpu.memory_space<hbm>>
    %dma_wait3A_1414 = tpu.memref_squeeze %dma_wait3A_1413 : memref<1x64x256xf32, #tpu.memory_space<hbm>> -> memref<64x256xf32, #tpu.memory_space<hbm>>
    %dma_wait3A_1415 = tpu.memref_slice %arg6[%dma_wait3A_1406] : memref<7x!tpu.dma_semaphore, #tpu.memory_space<semaphore_mem>> -> memref<1x!tpu.dma_semaphore, #tpu.memory_space<semaphore_mem>>
    %dma_wait3A_1416 = tpu.memref_squeeze %dma_wait3A_1415 : memref<1x!tpu.dma_semaphore, #tpu.memory_space<semaphore_mem>> -> memref<!tpu.dma_semaphore, #tpu.memory_space<semaphore_mem>>
    %dma_wait3A_1417 = arith.constant 192 : i32
    %dma_wait3A_1418 = arith.constant 0 : i32
    %dma_wait3A_1419 = tpu.memref_slice %arg3[%add3A_1315, %dma_wait3A_1417, %dma_wait3A_1418] : memref<96x256x256xf32, #tpu.memory_space<hbm>> -> memref<1x64x256xf32, #tpu.memory_space<hbm>>
    %dma_wait3A_1420 = tpu.memref_squeeze %dma_wait3A_1419 : memref<1x64x256xf32, #tpu.memory_space<hbm>> -> memref<64x256xf32, #tpu.memory_space<hbm>>
    %dma_wait3A_1421 = arith.constant 0 : i32
    %dma_wait3A_1422 = arith.constant 0 : i32
    %dma_wait3A_1423 = tpu.memref_slice %arg4[%dma_wait3A_1405, %dma_wait3A_1421, %dma_wait3A_1422] : memref<7x64x256xf32, #tpu.memory_space<vmem>> -> memref<1x64x256xf32, #tpu.memory_space<vmem>>
    %dma_wait3A_1424 = tpu.memref_squeeze %dma_wait3A_1423 : memref<1x64x256xf32, #tpu.memory_space<vmem>> -> memref<64x256xf32, #tpu.memory_space<vmem>>
    tpu.wait_dma2 semaphore(%dma_wait3A_1416 : memref<!tpu.dma_semaphore, #tpu.memory_space<semaphore_mem>>) src(%dma_wait3A_1424 : memref<64x256xf32, #tpu.memory_space<vmem>>) dst(%dma_wait3A_1420 : memref<64x256xf32, #tpu.memory_space<hbm>>)
    %add3A_1425 = arith.constant 2 : i32
    %add3A_1426 = arith.addi %mul3A_2, %add3A_1425 : i32
    %jit3A_1427 = arith.constant 32 : i32
    %div3A_1428 = arith.divsi %add3A_1426, %jit3A_1427 : i32
    %sign3A_1429 = arith.constant 0 : i32
    %sign3A_1430 = arith.cmpi sgt, %add3A_1426, %sign3A_1429 : i32
    %sign3A_1431 = arith.extui %sign3A_1430 : i1 to i32
    %sign3A_1432 = arith.constant 0 : i32
    %sign3A_1433 = arith.cmpi slt, %add3A_1426, %sign3A_1432 : i32
    %sign3A_1434 = arith.extui %sign3A_1433 : i1 to i32
    %sign3A_1435 = arith.subi %sign3A_1431, %sign3A_1434 : i32
    %sign3A_1436 = arith.constant 0 : i32
    %sign3A_1437 = arith.cmpi sgt, %jit3A_1427, %sign3A_1436 : i32
    %sign3A_1438 = arith.extui %sign3A_1437 : i1 to i32
    %sign3A_1439 = arith.constant 0 : i32
    %sign3A_1440 = arith.cmpi slt, %jit3A_1427, %sign3A_1439 : i32
    %sign3A_1441 = arith.extui %sign3A_1440 : i1 to i32
    %sign3A_1442 = arith.subi %sign3A_1438, %sign3A_1441 : i32
    %ne3A_1443 = arith.cmpi ne, %sign3A_1435, %sign3A_1442 : i32
    %rem3A_1444 = arith.remsi %add3A_1426, %jit3A_1427 : i32
    %ne3A_1445 = arith.constant 0 : i32
    %ne3A_1446 = arith.cmpi ne, %rem3A_1444, %ne3A_1445 : i32
    %and3A_1447 = arith.andi %ne3A_1443, %ne3A_1446 : i1
    %sub3A_1448 = arith.constant 1 : i32
    %sub3A_1449 = arith.subi %div3A_1428, %sub3A_1448 : i32
    %select_n3A_1450 = arith.select %and3A_1447, %sub3A_1449, %div3A_1428 : i32
    %jit3A_1451 = arith.constant 32 : i32
    %eq3A_1452 = arith.constant 0 : i32
    %eq3A_1453 = arith.cmpi eq, %jit3A_1451, %eq3A_1452 : i32
    %jit3A_1454 = arith.constant 1 : i32
    %select_n3A_1455 = arith.select %eq3A_1453, %jit3A_1454, %jit3A_1451 : i32
    %rem3A_1456 = arith.remsi %add3A_1426, %select_n3A_1455 : i32
    %ne3A_1457 = arith.constant 0 : i32
    %ne3A_1458 = arith.cmpi ne, %rem3A_1456, %ne3A_1457 : i32
    %lt3A_1459 = arith.constant 0 : i32
    %lt3A_1460 = arith.cmpi slt, %rem3A_1456, %lt3A_1459 : i32
    %lt3A_1461 = arith.constant 0 : i32
    %lt3A_1462 = arith.cmpi slt, %select_n3A_1455, %lt3A_1461 : i32
    %ne3A_1463 = arith.xori %lt3A_1460, %lt3A_1462 : i1
    %and3A_1464 = arith.andi %ne3A_1463, %ne3A_1458 : i1
    %add3A_1465 = arith.addi %rem3A_1456, %select_n3A_1455 : i32
    %select_n3A_1466 = arith.select %and3A_1464, %add3A_1465, %rem3A_1456 : i32
    %mul3A_1467 = arith.constant 128 : i32
    %mul3A_1468 = arith.muli %select_n3A_1450, %mul3A_1467 : i32
    %mul3A_1469 = arith.constant 127 : i32
    %mul3A_1470 = arith.muli %select_n3A_1466, %mul3A_1469 : i32
    %jit3A_1471 = arith.constant 31 : i32
    %div3A_1472 = arith.divsi %mul3A_1470, %jit3A_1471 : i32
    %sign3A_1473 = arith.constant 0 : i32
    %sign3A_1474 = arith.cmpi sgt, %mul3A_1470, %sign3A_1473 : i32
    %sign3A_1475 = arith.extui %sign3A_1474 : i1 to i32
    %sign3A_1476 = arith.constant 0 : i32
    %sign3A_1477 = arith.cmpi slt, %mul3A_1470, %sign3A_1476 : i32
    %sign3A_1478 = arith.extui %sign3A_1477 : i1 to i32
    %sign3A_1479 = arith.subi %sign3A_1475, %sign3A_1478 : i32
    %sign3A_1480 = arith.constant 0 : i32
    %sign3A_1481 = arith.cmpi sgt, %jit3A_1471, %sign3A_1480 : i32
    %sign3A_1482 = arith.extui %sign3A_1481 : i1 to i32
    %sign3A_1483 = arith.constant 0 : i32
    %sign3A_1484 = arith.cmpi slt, %jit3A_1471, %sign3A_1483 : i32
    %sign3A_1485 = arith.extui %sign3A_1484 : i1 to i32
    %sign3A_1486 = arith.subi %sign3A_1482, %sign3A_1485 : i32
    %ne3A_1487 = arith.cmpi ne, %sign3A_1479, %sign3A_1486 : i32
    %rem3A_1488 = arith.remsi %mul3A_1470, %jit3A_1471 : i32
    %ne3A_1489 = arith.constant 0 : i32
    %ne3A_1490 = arith.cmpi ne, %rem3A_1488, %ne3A_1489 : i32
    %and3A_1491 = arith.andi %ne3A_1487, %ne3A_1490 : i1
    %sub3A_1492 = arith.constant 1 : i32
    %sub3A_1493 = arith.subi %div3A_1472, %sub3A_1492 : i32
    %select_n3A_1494 = arith.select %and3A_1491, %sub3A_1493, %div3A_1472 : i32
    %add3A_1495 = arith.addi %mul3A_1468, %select_n3A_1494 : i32
    %dma_start3A_1496 = arith.constant 3 : i32
    %dma_start3A_1497 = arith.constant 3 : i32
    %dma_start3A_1498 = arith.constant 0 : i32
    %dma_start3A_1499 = arith.constant 0 : i32
    %dma_start3A_1500 = tpu.memref_slice %arg4[%dma_start3A_1496, %dma_start3A_1498, %dma_start3A_1499] : memref<7x64x256xf32, #tpu.memory_space<vmem>> -> memref<1x64x256xf32, #tpu.memory_space<vmem>>
    %dma_start3A_1501 = tpu.memref_squeeze %dma_start3A_1500 : memref<1x64x256xf32, #tpu.memory_space<vmem>> -> memref<64x256xf32, #tpu.memory_space<vmem>>
    %dma_start3A_1502 = arith.constant 128 : i32
    %dma_start3A_1503 = arith.constant 0 : i32
    %dma_start3A_1504 = tpu.memref_slice %arg2[%add3A_1495, %dma_start3A_1502, %dma_start3A_1503] : memref<384x256x256xf32, #tpu.memory_space<hbm>> -> memref<1x64x256xf32, #tpu.memory_space<hbm>>
    %dma_start3A_1505 = tpu.memref_squeeze %dma_start3A_1504 : memref<1x64x256xf32, #tpu.memory_space<hbm>> -> memref<64x256xf32, #tpu.memory_space<hbm>>
    %dma_start3A_1506 = tpu.memref_slice %arg5[%dma_start3A_1497] : memref<7x!tpu.dma_semaphore, #tpu.memory_space<semaphore_mem>> -> memref<1x!tpu.dma_semaphore, #tpu.memory_space<semaphore_mem>>
    %dma_start3A_1507 = tpu.memref_squeeze %dma_start3A_1506 : memref<1x!tpu.dma_semaphore, #tpu.memory_space<semaphore_mem>> -> memref<!tpu.dma_semaphore, #tpu.memory_space<semaphore_mem>>
    %dma_start3A_1508 = arith.constant 0 : i32
    %dma_start3A_1509 = arith.constant 0 : i32
    %dma_start3A_1510 = tpu.memref_slice %arg4[%dma_start3A_1496, %dma_start3A_1508, %dma_start3A_1509] : memref<7x64x256xf32, #tpu.memory_space<vmem>> -> memref<1x64x256xf32, #tpu.memory_space<vmem>>
    %dma_start3A_1511 = tpu.memref_squeeze %dma_start3A_1510 : memref<1x64x256xf32, #tpu.memory_space<vmem>> -> memref<64x256xf32, #tpu.memory_space<vmem>>
    %dma_start3A_1512 = arith.constant 128 : i32
    %dma_start3A_1513 = arith.constant 0 : i32
    %dma_start3A_1514 = tpu.memref_slice %arg2[%add3A_1495, %dma_start3A_1512, %dma_start3A_1513] : memref<384x256x256xf32, #tpu.memory_space<hbm>> -> memref<1x64x256xf32, #tpu.memory_space<hbm>>
    %dma_start3A_1515 = tpu.memref_squeeze %dma_start3A_1514 : memref<1x64x256xf32, #tpu.memory_space<hbm>> -> memref<64x256xf32, #tpu.memory_space<hbm>>
    tpu.enqueue_dma source(%dma_start3A_1515 : memref<64x256xf32, #tpu.memory_space<hbm>>) target(%dma_start3A_1511 : memref<64x256xf32, #tpu.memory_space<vmem>>) target_semaphore(%dma_start3A_1507 : memref<!tpu.dma_semaphore, #tpu.memory_space<semaphore_mem>>)
    %dma_wait3A_1516 = arith.constant 4 : i32
    %dma_wait3A_1517 = arith.constant 4 : i32
    %dma_wait3A_1518 = arith.constant 0 : i32
    %dma_wait3A_1519 = arith.constant 0 : i32
    %dma_wait3A_1520 = tpu.memref_slice %arg4[%dma_wait3A_1516, %dma_wait3A_1518, %dma_wait3A_1519] : memref<7x64x256xf32, #tpu.memory_space<vmem>> -> memref<1x64x256xf32, #tpu.memory_space<vmem>>
    %dma_wait3A_1521 = tpu.memref_squeeze %dma_wait3A_1520 : memref<1x64x256xf32, #tpu.memory_space<vmem>> -> memref<64x256xf32, #tpu.memory_space<vmem>>
    %dma_wait3A_1522 = arith.constant 0 : i32
    %dma_wait3A_1523 = arith.constant 0 : i32
    %dma_wait3A_1524 = tpu.memref_slice %arg2[%add3A_426, %dma_wait3A_1522, %dma_wait3A_1523] : memref<384x256x256xf32, #tpu.memory_space<hbm>> -> memref<1x64x256xf32, #tpu.memory_space<hbm>>
    %dma_wait3A_1525 = tpu.memref_squeeze %dma_wait3A_1524 : memref<1x64x256xf32, #tpu.memory_space<hbm>> -> memref<64x256xf32, #tpu.memory_space<hbm>>
    %dma_wait3A_1526 = tpu.memref_slice %arg5[%dma_wait3A_1517] : memref<7x!tpu.dma_semaphore, #tpu.memory_space<semaphore_mem>> -> memref<1x!tpu.dma_semaphore, #tpu.memory_space<semaphore_mem>>
    %dma_wait3A_1527 = tpu.memref_squeeze %dma_wait3A_1526 : memref<1x!tpu.dma_semaphore, #tpu.memory_space<semaphore_mem>> -> memref<!tpu.dma_semaphore, #tpu.memory_space<semaphore_mem>>
    %dma_wait3A_1528 = arith.constant 0 : i32
    %dma_wait3A_1529 = arith.constant 0 : i32
    %dma_wait3A_1530 = tpu.memref_slice %arg4[%dma_wait3A_1516, %dma_wait3A_1528, %dma_wait3A_1529] : memref<7x64x256xf32, #tpu.memory_space<vmem>> -> memref<1x64x256xf32, #tpu.memory_space<vmem>>
    %dma_wait3A_1531 = tpu.memref_squeeze %dma_wait3A_1530 : memref<1x64x256xf32, #tpu.memory_space<vmem>> -> memref<64x256xf32, #tpu.memory_space<vmem>>
    %dma_wait3A_1532 = arith.constant 0 : i32
    %dma_wait3A_1533 = arith.constant 0 : i32
    %dma_wait3A_1534 = tpu.memref_slice %arg2[%add3A_426, %dma_wait3A_1532, %dma_wait3A_1533] : memref<384x256x256xf32, #tpu.memory_space<hbm>> -> memref<1x64x256xf32, #tpu.memory_space<hbm>>
    %dma_wait3A_1535 = tpu.memref_squeeze %dma_wait3A_1534 : memref<1x64x256xf32, #tpu.memory_space<hbm>> -> memref<64x256xf32, #tpu.memory_space<hbm>>
    tpu.wait_dma2 semaphore(%dma_wait3A_1527 : memref<!tpu.dma_semaphore, #tpu.memory_space<semaphore_mem>>) src(%dma_wait3A_1535 : memref<64x256xf32, #tpu.memory_space<hbm>>) dst(%dma_wait3A_1531 : memref<64x256xf32, #tpu.memory_space<vmem>>)
    %add3A_1536 = arith.constant 1 : i32
    %add3A_1537 = arith.addi %mul3A_2, %add3A_1536 : i32
    %jit3A_1538 = arith.constant 32 : i32
    %div3A_1539 = arith.divsi %add3A_1537, %jit3A_1538 : i32
    %sign3A_1540 = arith.constant 0 : i32
    %sign3A_1541 = arith.cmpi sgt, %add3A_1537, %sign3A_1540 : i32
    %sign3A_1542 = arith.extui %sign3A_1541 : i1 to i32
    %sign3A_1543 = arith.constant 0 : i32
    %sign3A_1544 = arith.cmpi slt, %add3A_1537, %sign3A_1543 : i32
    %sign3A_1545 = arith.extui %sign3A_1544 : i1 to i32
    %sign3A_1546 = arith.subi %sign3A_1542, %sign3A_1545 : i32
    %sign3A_1547 = arith.constant 0 : i32
    %sign3A_1548 = arith.cmpi sgt, %jit3A_1538, %sign3A_1547 : i32
    %sign3A_1549 = arith.extui %sign3A_1548 : i1 to i32
    %sign3A_1550 = arith.constant 0 : i32
    %sign3A_1551 = arith.cmpi slt, %jit3A_1538, %sign3A_1550 : i32
    %sign3A_1552 = arith.extui %sign3A_1551 : i1 to i32
    %sign3A_1553 = arith.subi %sign3A_1549, %sign3A_1552 : i32
    %ne3A_1554 = arith.cmpi ne, %sign3A_1546, %sign3A_1553 : i32
    %rem3A_1555 = arith.remsi %add3A_1537, %jit3A_1538 : i32
    %ne3A_1556 = arith.constant 0 : i32
    %ne3A_1557 = arith.cmpi ne, %rem3A_1555, %ne3A_1556 : i32
    %and3A_1558 = arith.andi %ne3A_1554, %ne3A_1557 : i1
    %sub3A_1559 = arith.constant 1 : i32
    %sub3A_1560 = arith.subi %div3A_1539, %sub3A_1559 : i32
    %select_n3A_1561 = arith.select %and3A_1558, %sub3A_1560, %div3A_1539 : i32
    %jit3A_1562 = arith.constant 32 : i32
    %eq3A_1563 = arith.constant 0 : i32
    %eq3A_1564 = arith.cmpi eq, %jit3A_1562, %eq3A_1563 : i32
    %jit3A_1565 = arith.constant 1 : i32
    %select_n3A_1566 = arith.select %eq3A_1564, %jit3A_1565, %jit3A_1562 : i32
    %rem3A_1567 = arith.remsi %add3A_1537, %select_n3A_1566 : i32
    %ne3A_1568 = arith.constant 0 : i32
    %ne3A_1569 = arith.cmpi ne, %rem3A_1567, %ne3A_1568 : i32
    %lt3A_1570 = arith.constant 0 : i32
    %lt3A_1571 = arith.cmpi slt, %rem3A_1567, %lt3A_1570 : i32
    %lt3A_1572 = arith.constant 0 : i32
    %lt3A_1573 = arith.cmpi slt, %select_n3A_1566, %lt3A_1572 : i32
    %ne3A_1574 = arith.xori %lt3A_1571, %lt3A_1573 : i1
    %and3A_1575 = arith.andi %ne3A_1574, %ne3A_1569 : i1
    %add3A_1576 = arith.addi %rem3A_1567, %select_n3A_1566 : i32
    %select_n3A_1577 = arith.select %and3A_1575, %add3A_1576, %rem3A_1567 : i32
    %mul3A_1578 = arith.constant 128 : i32
    %mul3A_1579 = arith.muli %select_n3A_1561, %mul3A_1578 : i32
    %mul3A_1580 = arith.constant 127 : i32
    %mul3A_1581 = arith.muli %select_n3A_1577, %mul3A_1580 : i32
    %jit3A_1582 = arith.constant 31 : i32
    %div3A_1583 = arith.divsi %mul3A_1581, %jit3A_1582 : i32
    %sign3A_1584 = arith.constant 0 : i32
    %sign3A_1585 = arith.cmpi sgt, %mul3A_1581, %sign3A_1584 : i32
    %sign3A_1586 = arith.extui %sign3A_1585 : i1 to i32
    %sign3A_1587 = arith.constant 0 : i32
    %sign3A_1588 = arith.cmpi slt, %mul3A_1581, %sign3A_1587 : i32
    %sign3A_1589 = arith.extui %sign3A_1588 : i1 to i32
    %sign3A_1590 = arith.subi %sign3A_1586, %sign3A_1589 : i32
    %sign3A_1591 = arith.constant 0 : i32
    %sign3A_1592 = arith.cmpi sgt, %jit3A_1582, %sign3A_1591 : i32
    %sign3A_1593 = arith.extui %sign3A_1592 : i1 to i32
    %sign3A_1594 = arith.constant 0 : i32
    %sign3A_1595 = arith.cmpi slt, %jit3A_1582, %sign3A_1594 : i32
    %sign3A_1596 = arith.extui %sign3A_1595 : i1 to i32
    %sign3A_1597 = arith.subi %sign3A_1593, %sign3A_1596 : i32
    %ne3A_1598 = arith.cmpi ne, %sign3A_1590, %sign3A_1597 : i32
    %rem3A_1599 = arith.remsi %mul3A_1581, %jit3A_1582 : i32
    %ne3A_1600 = arith.constant 0 : i32
    %ne3A_1601 = arith.cmpi ne, %rem3A_1599, %ne3A_1600 : i32
    %and3A_1602 = arith.andi %ne3A_1598, %ne3A_1601 : i1
    %sub3A_1603 = arith.constant 1 : i32
    %sub3A_1604 = arith.subi %div3A_1583, %sub3A_1603 : i32
    %select_n3A_1605 = arith.select %and3A_1602, %sub3A_1604, %div3A_1583 : i32
    %add3A_1606 = arith.addi %mul3A_1579, %select_n3A_1605 : i32
    %dma_start3A_1607 = arith.constant 4 : i32
    %dma_start3A_1608 = arith.constant 4 : i32
    %dma_start3A_1609 = arith.constant 0 : i32
    %dma_start3A_1610 = arith.constant 0 : i32
    %dma_start3A_1611 = tpu.memref_slice %arg4[%dma_start3A_1607, %dma_start3A_1609, %dma_start3A_1610] : memref<7x64x256xf32, #tpu.memory_space<vmem>> -> memref<1x64x256xf32, #tpu.memory_space<vmem>>
    %dma_start3A_1612 = tpu.memref_squeeze %dma_start3A_1611 : memref<1x64x256xf32, #tpu.memory_space<vmem>> -> memref<64x256xf32, #tpu.memory_space<vmem>>
    %dma_start3A_1613 = arith.constant 0 : i32
    %dma_start3A_1614 = arith.constant 0 : i32
    %dma_start3A_1615 = tpu.memref_slice %arg3[%add3A_1537, %dma_start3A_1613, %dma_start3A_1614] : memref<96x256x256xf32, #tpu.memory_space<hbm>> -> memref<1x64x256xf32, #tpu.memory_space<hbm>>
    %dma_start3A_1616 = tpu.memref_squeeze %dma_start3A_1615 : memref<1x64x256xf32, #tpu.memory_space<hbm>> -> memref<64x256xf32, #tpu.memory_space<hbm>>
    %dma_start3A_1617 = tpu.memref_slice %arg6[%dma_start3A_1608] : memref<7x!tpu.dma_semaphore, #tpu.memory_space<semaphore_mem>> -> memref<1x!tpu.dma_semaphore, #tpu.memory_space<semaphore_mem>>
    %dma_start3A_1618 = tpu.memref_squeeze %dma_start3A_1617 : memref<1x!tpu.dma_semaphore, #tpu.memory_space<semaphore_mem>> -> memref<!tpu.dma_semaphore, #tpu.memory_space<semaphore_mem>>
    %dma_start3A_1619 = arith.constant 0 : i32
    %dma_start3A_1620 = arith.constant 0 : i32
    %dma_start3A_1621 = tpu.memref_slice %arg3[%add3A_1537, %dma_start3A_1619, %dma_start3A_1620] : memref<96x256x256xf32, #tpu.memory_space<hbm>> -> memref<1x64x256xf32, #tpu.memory_space<hbm>>
    %dma_start3A_1622 = tpu.memref_squeeze %dma_start3A_1621 : memref<1x64x256xf32, #tpu.memory_space<hbm>> -> memref<64x256xf32, #tpu.memory_space<hbm>>
    %dma_start3A_1623 = arith.constant 0 : i32
    %dma_start3A_1624 = arith.constant 0 : i32
    %dma_start3A_1625 = tpu.memref_slice %arg4[%dma_start3A_1607, %dma_start3A_1623, %dma_start3A_1624] : memref<7x64x256xf32, #tpu.memory_space<vmem>> -> memref<1x64x256xf32, #tpu.memory_space<vmem>>
    %dma_start3A_1626 = tpu.memref_squeeze %dma_start3A_1625 : memref<1x64x256xf32, #tpu.memory_space<vmem>> -> memref<64x256xf32, #tpu.memory_space<vmem>>
    tpu.enqueue_dma source(%dma_start3A_1626 : memref<64x256xf32, #tpu.memory_space<vmem>>) target(%dma_start3A_1622 : memref<64x256xf32, #tpu.memory_space<hbm>>) target_semaphore(%dma_start3A_1618 : memref<!tpu.dma_semaphore, #tpu.memory_space<semaphore_mem>>)
    %dma_wait3A_1627 = arith.constant 4 : i32
    %dma_wait3A_1628 = arith.constant 4 : i32
    %dma_wait3A_1629 = arith.constant 0 : i32
    %dma_wait3A_1630 = arith.constant 0 : i32
    %dma_wait3A_1631 = tpu.memref_slice %arg4[%dma_wait3A_1627, %dma_wait3A_1629, %dma_wait3A_1630] : memref<7x64x256xf32, #tpu.memory_space<vmem>> -> memref<1x64x256xf32, #tpu.memory_space<vmem>>
    %dma_wait3A_1632 = tpu.memref_squeeze %dma_wait3A_1631 : memref<1x64x256xf32, #tpu.memory_space<vmem>> -> memref<64x256xf32, #tpu.memory_space<vmem>>
    %dma_wait3A_1633 = arith.constant 0 : i32
    %dma_wait3A_1634 = arith.constant 0 : i32
    %dma_wait3A_1635 = tpu.memref_slice %arg3[%add3A_1537, %dma_wait3A_1633, %dma_wait3A_1634] : memref<96x256x256xf32, #tpu.memory_space<hbm>> -> memref<1x64x256xf32, #tpu.memory_space<hbm>>
    %dma_wait3A_1636 = tpu.memref_squeeze %dma_wait3A_1635 : memref<1x64x256xf32, #tpu.memory_space<hbm>> -> memref<64x256xf32, #tpu.memory_space<hbm>>
    %dma_wait3A_1637 = tpu.memref_slice %arg6[%dma_wait3A_1628] : memref<7x!tpu.dma_semaphore, #tpu.memory_space<semaphore_mem>> -> memref<1x!tpu.dma_semaphore, #tpu.memory_space<semaphore_mem>>
    %dma_wait3A_1638 = tpu.memref_squeeze %dma_wait3A_1637 : memref<1x!tpu.dma_semaphore, #tpu.memory_space<semaphore_mem>> -> memref<!tpu.dma_semaphore, #tpu.memory_space<semaphore_mem>>
    %dma_wait3A_1639 = arith.constant 0 : i32
    %dma_wait3A_1640 = arith.constant 0 : i32
    %dma_wait3A_1641 = tpu.memref_slice %arg3[%add3A_1537, %dma_wait3A_1639, %dma_wait3A_1640] : memref<96x256x256xf32, #tpu.memory_space<hbm>> -> memref<1x64x256xf32, #tpu.memory_space<hbm>>
    %dma_wait3A_1642 = tpu.memref_squeeze %dma_wait3A_1641 : memref<1x64x256xf32, #tpu.memory_space<hbm>> -> memref<64x256xf32, #tpu.memory_space<hbm>>
    %dma_wait3A_1643 = arith.constant 0 : i32
    %dma_wait3A_1644 = arith.constant 0 : i32
    %dma_wait3A_1645 = tpu.memref_slice %arg4[%dma_wait3A_1627, %dma_wait3A_1643, %dma_wait3A_1644] : memref<7x64x256xf32, #tpu.memory_space<vmem>> -> memref<1x64x256xf32, #tpu.memory_space<vmem>>
    %dma_wait3A_1646 = tpu.memref_squeeze %dma_wait3A_1645 : memref<1x64x256xf32, #tpu.memory_space<vmem>> -> memref<64x256xf32, #tpu.memory_space<vmem>>
    tpu.wait_dma2 semaphore(%dma_wait3A_1638 : memref<!tpu.dma_semaphore, #tpu.memory_space<semaphore_mem>>) src(%dma_wait3A_1646 : memref<64x256xf32, #tpu.memory_space<vmem>>) dst(%dma_wait3A_1642 : memref<64x256xf32, #tpu.memory_space<hbm>>)
    %add3A_1647 = arith.constant 2 : i32
    %add3A_1648 = arith.addi %mul3A_2, %add3A_1647 : i32
    %jit3A_1649 = arith.constant 32 : i32
    %div3A_1650 = arith.divsi %add3A_1648, %jit3A_1649 : i32
    %sign3A_1651 = arith.constant 0 : i32
    %sign3A_1652 = arith.cmpi sgt, %add3A_1648, %sign3A_1651 : i32
    %sign3A_1653 = arith.extui %sign3A_1652 : i1 to i32
    %sign3A_1654 = arith.constant 0 : i32
    %sign3A_1655 = arith.cmpi slt, %add3A_1648, %sign3A_1654 : i32
    %sign3A_1656 = arith.extui %sign3A_1655 : i1 to i32
    %sign3A_1657 = arith.subi %sign3A_1653, %sign3A_1656 : i32
    %sign3A_1658 = arith.constant 0 : i32
    %sign3A_1659 = arith.cmpi sgt, %jit3A_1649, %sign3A_1658 : i32
    %sign3A_1660 = arith.extui %sign3A_1659 : i1 to i32
    %sign3A_1661 = arith.constant 0 : i32
    %sign3A_1662 = arith.cmpi slt, %jit3A_1649, %sign3A_1661 : i32
    %sign3A_1663 = arith.extui %sign3A_1662 : i1 to i32
    %sign3A_1664 = arith.subi %sign3A_1660, %sign3A_1663 : i32
    %ne3A_1665 = arith.cmpi ne, %sign3A_1657, %sign3A_1664 : i32
    %rem3A_1666 = arith.remsi %add3A_1648, %jit3A_1649 : i32
    %ne3A_1667 = arith.constant 0 : i32
    %ne3A_1668 = arith.cmpi ne, %rem3A_1666, %ne3A_1667 : i32
    %and3A_1669 = arith.andi %ne3A_1665, %ne3A_1668 : i1
    %sub3A_1670 = arith.constant 1 : i32
    %sub3A_1671 = arith.subi %div3A_1650, %sub3A_1670 : i32
    %select_n3A_1672 = arith.select %and3A_1669, %sub3A_1671, %div3A_1650 : i32
    %jit3A_1673 = arith.constant 32 : i32
    %eq3A_1674 = arith.constant 0 : i32
    %eq3A_1675 = arith.cmpi eq, %jit3A_1673, %eq3A_1674 : i32
    %jit3A_1676 = arith.constant 1 : i32
    %select_n3A_1677 = arith.select %eq3A_1675, %jit3A_1676, %jit3A_1673 : i32
    %rem3A_1678 = arith.remsi %add3A_1648, %select_n3A_1677 : i32
    %ne3A_1679 = arith.constant 0 : i32
    %ne3A_1680 = arith.cmpi ne, %rem3A_1678, %ne3A_1679 : i32
    %lt3A_1681 = arith.constant 0 : i32
    %lt3A_1682 = arith.cmpi slt, %rem3A_1678, %lt3A_1681 : i32
    %lt3A_1683 = arith.constant 0 : i32
    %lt3A_1684 = arith.cmpi slt, %select_n3A_1677, %lt3A_1683 : i32
    %ne3A_1685 = arith.xori %lt3A_1682, %lt3A_1684 : i1
    %and3A_1686 = arith.andi %ne3A_1685, %ne3A_1680 : i1
    %add3A_1687 = arith.addi %rem3A_1678, %select_n3A_1677 : i32
    %select_n3A_1688 = arith.select %and3A_1686, %add3A_1687, %rem3A_1678 : i32
    %mul3A_1689 = arith.constant 128 : i32
    %mul3A_1690 = arith.muli %select_n3A_1672, %mul3A_1689 : i32
    %mul3A_1691 = arith.constant 127 : i32
    %mul3A_1692 = arith.muli %select_n3A_1688, %mul3A_1691 : i32
    %jit3A_1693 = arith.constant 31 : i32
    %div3A_1694 = arith.divsi %mul3A_1692, %jit3A_1693 : i32
    %sign3A_1695 = arith.constant 0 : i32
    %sign3A_1696 = arith.cmpi sgt, %mul3A_1692, %sign3A_1695 : i32
    %sign3A_1697 = arith.extui %sign3A_1696 : i1 to i32
    %sign3A_1698 = arith.constant 0 : i32
    %sign3A_1699 = arith.cmpi slt, %mul3A_1692, %sign3A_1698 : i32
    %sign3A_1700 = arith.extui %sign3A_1699 : i1 to i32
    %sign3A_1701 = arith.subi %sign3A_1697, %sign3A_1700 : i32
    %sign3A_1702 = arith.constant 0 : i32
    %sign3A_1703 = arith.cmpi sgt, %jit3A_1693, %sign3A_1702 : i32
    %sign3A_1704 = arith.extui %sign3A_1703 : i1 to i32
    %sign3A_1705 = arith.constant 0 : i32
    %sign3A_1706 = arith.cmpi slt, %jit3A_1693, %sign3A_1705 : i32
    %sign3A_1707 = arith.extui %sign3A_1706 : i1 to i32
    %sign3A_1708 = arith.subi %sign3A_1704, %sign3A_1707 : i32
    %ne3A_1709 = arith.cmpi ne, %sign3A_1701, %sign3A_1708 : i32
    %rem3A_1710 = arith.remsi %mul3A_1692, %jit3A_1693 : i32
    %ne3A_1711 = arith.constant 0 : i32
    %ne3A_1712 = arith.cmpi ne, %rem3A_1710, %ne3A_1711 : i32
    %and3A_1713 = arith.andi %ne3A_1709, %ne3A_1712 : i1
    %sub3A_1714 = arith.constant 1 : i32
    %sub3A_1715 = arith.subi %div3A_1694, %sub3A_1714 : i32
    %select_n3A_1716 = arith.select %and3A_1713, %sub3A_1715, %div3A_1694 : i32
    %add3A_1717 = arith.addi %mul3A_1690, %select_n3A_1716 : i32
    %dma_start3A_1718 = arith.constant 4 : i32
    %dma_start3A_1719 = arith.constant 4 : i32
    %dma_start3A_1720 = arith.constant 0 : i32
    %dma_start3A_1721 = arith.constant 0 : i32
    %dma_start3A_1722 = tpu.memref_slice %arg4[%dma_start3A_1718, %dma_start3A_1720, %dma_start3A_1721] : memref<7x64x256xf32, #tpu.memory_space<vmem>> -> memref<1x64x256xf32, #tpu.memory_space<vmem>>
    %dma_start3A_1723 = tpu.memref_squeeze %dma_start3A_1722 : memref<1x64x256xf32, #tpu.memory_space<vmem>> -> memref<64x256xf32, #tpu.memory_space<vmem>>
    %dma_start3A_1724 = arith.constant 192 : i32
    %dma_start3A_1725 = arith.constant 0 : i32
    %dma_start3A_1726 = tpu.memref_slice %arg2[%add3A_1717, %dma_start3A_1724, %dma_start3A_1725] : memref<384x256x256xf32, #tpu.memory_space<hbm>> -> memref<1x64x256xf32, #tpu.memory_space<hbm>>
    %dma_start3A_1727 = tpu.memref_squeeze %dma_start3A_1726 : memref<1x64x256xf32, #tpu.memory_space<hbm>> -> memref<64x256xf32, #tpu.memory_space<hbm>>
    %dma_start3A_1728 = tpu.memref_slice %arg5[%dma_start3A_1719] : memref<7x!tpu.dma_semaphore, #tpu.memory_space<semaphore_mem>> -> memref<1x!tpu.dma_semaphore, #tpu.memory_space<semaphore_mem>>
    %dma_start3A_1729 = tpu.memref_squeeze %dma_start3A_1728 : memref<1x!tpu.dma_semaphore, #tpu.memory_space<semaphore_mem>> -> memref<!tpu.dma_semaphore, #tpu.memory_space<semaphore_mem>>
    %dma_start3A_1730 = arith.constant 0 : i32
    %dma_start3A_1731 = arith.constant 0 : i32
    %dma_start3A_1732 = tpu.memref_slice %arg4[%dma_start3A_1718, %dma_start3A_1730, %dma_start3A_1731] : memref<7x64x256xf32, #tpu.memory_space<vmem>> -> memref<1x64x256xf32, #tpu.memory_space<vmem>>
    %dma_start3A_1733 = tpu.memref_squeeze %dma_start3A_1732 : memref<1x64x256xf32, #tpu.memory_space<vmem>> -> memref<64x256xf32, #tpu.memory_space<vmem>>
    %dma_start3A_1734 = arith.constant 192 : i32
    %dma_start3A_1735 = arith.constant 0 : i32
    %dma_start3A_1736 = tpu.memref_slice %arg2[%add3A_1717, %dma_start3A_1734, %dma_start3A_1735] : memref<384x256x256xf32, #tpu.memory_space<hbm>> -> memref<1x64x256xf32, #tpu.memory_space<hbm>>
    %dma_start3A_1737 = tpu.memref_squeeze %dma_start3A_1736 : memref<1x64x256xf32, #tpu.memory_space<hbm>> -> memref<64x256xf32, #tpu.memory_space<hbm>>
    tpu.enqueue_dma source(%dma_start3A_1737 : memref<64x256xf32, #tpu.memory_space<hbm>>) target(%dma_start3A_1733 : memref<64x256xf32, #tpu.memory_space<vmem>>) target_semaphore(%dma_start3A_1729 : memref<!tpu.dma_semaphore, #tpu.memory_space<semaphore_mem>>)
    %dma_wait3A_1738 = arith.constant 5 : i32
    %dma_wait3A_1739 = arith.constant 5 : i32
    %dma_wait3A_1740 = arith.constant 0 : i32
    %dma_wait3A_1741 = arith.constant 0 : i32
    %dma_wait3A_1742 = tpu.memref_slice %arg4[%dma_wait3A_1738, %dma_wait3A_1740, %dma_wait3A_1741] : memref<7x64x256xf32, #tpu.memory_space<vmem>> -> memref<1x64x256xf32, #tpu.memory_space<vmem>>
    %dma_wait3A_1743 = tpu.memref_squeeze %dma_wait3A_1742 : memref<1x64x256xf32, #tpu.memory_space<vmem>> -> memref<64x256xf32, #tpu.memory_space<vmem>>
    %dma_wait3A_1744 = arith.constant 64 : i32
    %dma_wait3A_1745 = arith.constant 0 : i32
    %dma_wait3A_1746 = tpu.memref_slice %arg2[%add3A_517, %dma_wait3A_1744, %dma_wait3A_1745] : memref<384x256x256xf32, #tpu.memory_space<hbm>> -> memref<1x64x256xf32, #tpu.memory_space<hbm>>
    %dma_wait3A_1747 = tpu.memref_squeeze %dma_wait3A_1746 : memref<1x64x256xf32, #tpu.memory_space<hbm>> -> memref<64x256xf32, #tpu.memory_space<hbm>>
    %dma_wait3A_1748 = tpu.memref_slice %arg5[%dma_wait3A_1739] : memref<7x!tpu.dma_semaphore, #tpu.memory_space<semaphore_mem>> -> memref<1x!tpu.dma_semaphore, #tpu.memory_space<semaphore_mem>>
    %dma_wait3A_1749 = tpu.memref_squeeze %dma_wait3A_1748 : memref<1x!tpu.dma_semaphore, #tpu.memory_space<semaphore_mem>> -> memref<!tpu.dma_semaphore, #tpu.memory_space<semaphore_mem>>
    %dma_wait3A_1750 = arith.constant 0 : i32
    %dma_wait3A_1751 = arith.constant 0 : i32
    %dma_wait3A_1752 = tpu.memref_slice %arg4[%dma_wait3A_1738, %dma_wait3A_1750, %dma_wait3A_1751] : memref<7x64x256xf32, #tpu.memory_space<vmem>> -> memref<1x64x256xf32, #tpu.memory_space<vmem>>
    %dma_wait3A_1753 = tpu.memref_squeeze %dma_wait3A_1752 : memref<1x64x256xf32, #tpu.memory_space<vmem>> -> memref<64x256xf32, #tpu.memory_space<vmem>>
    %dma_wait3A_1754 = arith.constant 64 : i32
    %dma_wait3A_1755 = arith.constant 0 : i32
    %dma_wait3A_1756 = tpu.memref_slice %arg2[%add3A_517, %dma_wait3A_1754, %dma_wait3A_1755] : memref<384x256x256xf32, #tpu.memory_space<hbm>> -> memref<1x64x256xf32, #tpu.memory_space<hbm>>
    %dma_wait3A_1757 = tpu.memref_squeeze %dma_wait3A_1756 : memref<1x64x256xf32, #tpu.memory_space<hbm>> -> memref<64x256xf32, #tpu.memory_space<hbm>>
    tpu.wait_dma2 semaphore(%dma_wait3A_1749 : memref<!tpu.dma_semaphore, #tpu.memory_space<semaphore_mem>>) src(%dma_wait3A_1757 : memref<64x256xf32, #tpu.memory_space<hbm>>) dst(%dma_wait3A_1753 : memref<64x256xf32, #tpu.memory_space<vmem>>)
    %add3A_1758 = arith.constant 1 : i32
    %add3A_1759 = arith.addi %mul3A_2, %add3A_1758 : i32
    %jit3A_1760 = arith.constant 32 : i32
    %div3A_1761 = arith.divsi %add3A_1759, %jit3A_1760 : i32
    %sign3A_1762 = arith.constant 0 : i32
    %sign3A_1763 = arith.cmpi sgt, %add3A_1759, %sign3A_1762 : i32
    %sign3A_1764 = arith.extui %sign3A_1763 : i1 to i32
    %sign3A_1765 = arith.constant 0 : i32
    %sign3A_1766 = arith.cmpi slt, %add3A_1759, %sign3A_1765 : i32
    %sign3A_1767 = arith.extui %sign3A_1766 : i1 to i32
    %sign3A_1768 = arith.subi %sign3A_1764, %sign3A_1767 : i32
    %sign3A_1769 = arith.constant 0 : i32
    %sign3A_1770 = arith.cmpi sgt, %jit3A_1760, %sign3A_1769 : i32
    %sign3A_1771 = arith.extui %sign3A_1770 : i1 to i32
    %sign3A_1772 = arith.constant 0 : i32
    %sign3A_1773 = arith.cmpi slt, %jit3A_1760, %sign3A_1772 : i32
    %sign3A_1774 = arith.extui %sign3A_1773 : i1 to i32
    %sign3A_1775 = arith.subi %sign3A_1771, %sign3A_1774 : i32
    %ne3A_1776 = arith.cmpi ne, %sign3A_1768, %sign3A_1775 : i32
    %rem3A_1777 = arith.remsi %add3A_1759, %jit3A_1760 : i32
    %ne3A_1778 = arith.constant 0 : i32
    %ne3A_1779 = arith.cmpi ne, %rem3A_1777, %ne3A_1778 : i32
    %and3A_1780 = arith.andi %ne3A_1776, %ne3A_1779 : i1
    %sub3A_1781 = arith.constant 1 : i32
    %sub3A_1782 = arith.subi %div3A_1761, %sub3A_1781 : i32
    %select_n3A_1783 = arith.select %and3A_1780, %sub3A_1782, %div3A_1761 : i32
    %jit3A_1784 = arith.constant 32 : i32
    %eq3A_1785 = arith.constant 0 : i32
    %eq3A_1786 = arith.cmpi eq, %jit3A_1784, %eq3A_1785 : i32
    %jit3A_1787 = arith.constant 1 : i32
    %select_n3A_1788 = arith.select %eq3A_1786, %jit3A_1787, %jit3A_1784 : i32
    %rem3A_1789 = arith.remsi %add3A_1759, %select_n3A_1788 : i32
    %ne3A_1790 = arith.constant 0 : i32
    %ne3A_1791 = arith.cmpi ne, %rem3A_1789, %ne3A_1790 : i32
    %lt3A_1792 = arith.constant 0 : i32
    %lt3A_1793 = arith.cmpi slt, %rem3A_1789, %lt3A_1792 : i32
    %lt3A_1794 = arith.constant 0 : i32
    %lt3A_1795 = arith.cmpi slt, %select_n3A_1788, %lt3A_1794 : i32
    %ne3A_1796 = arith.xori %lt3A_1793, %lt3A_1795 : i1
    %and3A_1797 = arith.andi %ne3A_1796, %ne3A_1791 : i1
    %add3A_1798 = arith.addi %rem3A_1789, %select_n3A_1788 : i32
    %select_n3A_1799 = arith.select %and3A_1797, %add3A_1798, %rem3A_1789 : i32
    %mul3A_1800 = arith.constant 128 : i32
    %mul3A_1801 = arith.muli %select_n3A_1783, %mul3A_1800 : i32
    %mul3A_1802 = arith.constant 127 : i32
    %mul3A_1803 = arith.muli %select_n3A_1799, %mul3A_1802 : i32
    %jit3A_1804 = arith.constant 31 : i32
    %div3A_1805 = arith.divsi %mul3A_1803, %jit3A_1804 : i32
    %sign3A_1806 = arith.constant 0 : i32
    %sign3A_1807 = arith.cmpi sgt, %mul3A_1803, %sign3A_1806 : i32
    %sign3A_1808 = arith.extui %sign3A_1807 : i1 to i32
    %sign3A_1809 = arith.constant 0 : i32
    %sign3A_1810 = arith.cmpi slt, %mul3A_1803, %sign3A_1809 : i32
    %sign3A_1811 = arith.extui %sign3A_1810 : i1 to i32
    %sign3A_1812 = arith.subi %sign3A_1808, %sign3A_1811 : i32
    %sign3A_1813 = arith.constant 0 : i32
    %sign3A_1814 = arith.cmpi sgt, %jit3A_1804, %sign3A_1813 : i32
    %sign3A_1815 = arith.extui %sign3A_1814 : i1 to i32
    %sign3A_1816 = arith.constant 0 : i32
    %sign3A_1817 = arith.cmpi slt, %jit3A_1804, %sign3A_1816 : i32
    %sign3A_1818 = arith.extui %sign3A_1817 : i1 to i32
    %sign3A_1819 = arith.subi %sign3A_1815, %sign3A_1818 : i32
    %ne3A_1820 = arith.cmpi ne, %sign3A_1812, %sign3A_1819 : i32
    %rem3A_1821 = arith.remsi %mul3A_1803, %jit3A_1804 : i32
    %ne3A_1822 = arith.constant 0 : i32
    %ne3A_1823 = arith.cmpi ne, %rem3A_1821, %ne3A_1822 : i32
    %and3A_1824 = arith.andi %ne3A_1820, %ne3A_1823 : i1
    %sub3A_1825 = arith.constant 1 : i32
    %sub3A_1826 = arith.subi %div3A_1805, %sub3A_1825 : i32
    %select_n3A_1827 = arith.select %and3A_1824, %sub3A_1826, %div3A_1805 : i32
    %add3A_1828 = arith.addi %mul3A_1801, %select_n3A_1827 : i32
    %dma_start3A_1829 = arith.constant 5 : i32
    %dma_start3A_1830 = arith.constant 5 : i32
    %dma_start3A_1831 = arith.constant 0 : i32
    %dma_start3A_1832 = arith.constant 0 : i32
    %dma_start3A_1833 = tpu.memref_slice %arg4[%dma_start3A_1829, %dma_start3A_1831, %dma_start3A_1832] : memref<7x64x256xf32, #tpu.memory_space<vmem>> -> memref<1x64x256xf32, #tpu.memory_space<vmem>>
    %dma_start3A_1834 = tpu.memref_squeeze %dma_start3A_1833 : memref<1x64x256xf32, #tpu.memory_space<vmem>> -> memref<64x256xf32, #tpu.memory_space<vmem>>
    %dma_start3A_1835 = arith.constant 64 : i32
    %dma_start3A_1836 = arith.constant 0 : i32
    %dma_start3A_1837 = tpu.memref_slice %arg3[%add3A_1759, %dma_start3A_1835, %dma_start3A_1836] : memref<96x256x256xf32, #tpu.memory_space<hbm>> -> memref<1x64x256xf32, #tpu.memory_space<hbm>>
    %dma_start3A_1838 = tpu.memref_squeeze %dma_start3A_1837 : memref<1x64x256xf32, #tpu.memory_space<hbm>> -> memref<64x256xf32, #tpu.memory_space<hbm>>
    %dma_start3A_1839 = tpu.memref_slice %arg6[%dma_start3A_1830] : memref<7x!tpu.dma_semaphore, #tpu.memory_space<semaphore_mem>> -> memref<1x!tpu.dma_semaphore, #tpu.memory_space<semaphore_mem>>
    %dma_start3A_1840 = tpu.memref_squeeze %dma_start3A_1839 : memref<1x!tpu.dma_semaphore, #tpu.memory_space<semaphore_mem>> -> memref<!tpu.dma_semaphore, #tpu.memory_space<semaphore_mem>>
    %dma_start3A_1841 = arith.constant 64 : i32
    %dma_start3A_1842 = arith.constant 0 : i32
    %dma_start3A_1843 = tpu.memref_slice %arg3[%add3A_1759, %dma_start3A_1841, %dma_start3A_1842] : memref<96x256x256xf32, #tpu.memory_space<hbm>> -> memref<1x64x256xf32, #tpu.memory_space<hbm>>
    %dma_start3A_1844 = tpu.memref_squeeze %dma_start3A_1843 : memref<1x64x256xf32, #tpu.memory_space<hbm>> -> memref<64x256xf32, #tpu.memory_space<hbm>>
    %dma_start3A_1845 = arith.constant 0 : i32
    %dma_start3A_1846 = arith.constant 0 : i32
    %dma_start3A_1847 = tpu.memref_slice %arg4[%dma_start3A_1829, %dma_start3A_1845, %dma_start3A_1846] : memref<7x64x256xf32, #tpu.memory_space<vmem>> -> memref<1x64x256xf32, #tpu.memory_space<vmem>>
    %dma_start3A_1848 = tpu.memref_squeeze %dma_start3A_1847 : memref<1x64x256xf32, #tpu.memory_space<vmem>> -> memref<64x256xf32, #tpu.memory_space<vmem>>
    tpu.enqueue_dma source(%dma_start3A_1848 : memref<64x256xf32, #tpu.memory_space<vmem>>) target(%dma_start3A_1844 : memref<64x256xf32, #tpu.memory_space<hbm>>) target_semaphore(%dma_start3A_1840 : memref<!tpu.dma_semaphore, #tpu.memory_space<semaphore_mem>>)
    %dma_wait3A_1849 = arith.constant 6 : i32
    %dma_wait3A_1850 = arith.constant 6 : i32
    %dma_wait3A_1851 = arith.constant 0 : i32
    %dma_wait3A_1852 = arith.constant 0 : i32
    %dma_wait3A_1853 = tpu.memref_slice %arg4[%dma_wait3A_1849, %dma_wait3A_1851, %dma_wait3A_1852] : memref<7x64x256xf32, #tpu.memory_space<vmem>> -> memref<1x64x256xf32, #tpu.memory_space<vmem>>
    %dma_wait3A_1854 = tpu.memref_squeeze %dma_wait3A_1853 : memref<1x64x256xf32, #tpu.memory_space<vmem>> -> memref<64x256xf32, #tpu.memory_space<vmem>>
    %dma_wait3A_1855 = arith.constant 128 : i32
    %dma_wait3A_1856 = arith.constant 0 : i32
    %dma_wait3A_1857 = tpu.memref_slice %arg2[%add3A_608, %dma_wait3A_1855, %dma_wait3A_1856] : memref<384x256x256xf32, #tpu.memory_space<hbm>> -> memref<1x64x256xf32, #tpu.memory_space<hbm>>
    %dma_wait3A_1858 = tpu.memref_squeeze %dma_wait3A_1857 : memref<1x64x256xf32, #tpu.memory_space<hbm>> -> memref<64x256xf32, #tpu.memory_space<hbm>>
    %dma_wait3A_1859 = tpu.memref_slice %arg5[%dma_wait3A_1850] : memref<7x!tpu.dma_semaphore, #tpu.memory_space<semaphore_mem>> -> memref<1x!tpu.dma_semaphore, #tpu.memory_space<semaphore_mem>>
    %dma_wait3A_1860 = tpu.memref_squeeze %dma_wait3A_1859 : memref<1x!tpu.dma_semaphore, #tpu.memory_space<semaphore_mem>> -> memref<!tpu.dma_semaphore, #tpu.memory_space<semaphore_mem>>
    %dma_wait3A_1861 = arith.constant 0 : i32
    %dma_wait3A_1862 = arith.constant 0 : i32
    %dma_wait3A_1863 = tpu.memref_slice %arg4[%dma_wait3A_1849, %dma_wait3A_1861, %dma_wait3A_1862] : memref<7x64x256xf32, #tpu.memory_space<vmem>> -> memref<1x64x256xf32, #tpu.memory_space<vmem>>
    %dma_wait3A_1864 = tpu.memref_squeeze %dma_wait3A_1863 : memref<1x64x256xf32, #tpu.memory_space<vmem>> -> memref<64x256xf32, #tpu.memory_space<vmem>>
    %dma_wait3A_1865 = arith.constant 128 : i32
    %dma_wait3A_1866 = arith.constant 0 : i32
    %dma_wait3A_1867 = tpu.memref_slice %arg2[%add3A_608, %dma_wait3A_1865, %dma_wait3A_1866] : memref<384x256x256xf32, #tpu.memory_space<hbm>> -> memref<1x64x256xf32, #tpu.memory_space<hbm>>
    %dma_wait3A_1868 = tpu.memref_squeeze %dma_wait3A_1867 : memref<1x64x256xf32, #tpu.memory_space<hbm>> -> memref<64x256xf32, #tpu.memory_space<hbm>>
    tpu.wait_dma2 semaphore(%dma_wait3A_1860 : memref<!tpu.dma_semaphore, #tpu.memory_space<semaphore_mem>>) src(%dma_wait3A_1868 : memref<64x256xf32, #tpu.memory_space<hbm>>) dst(%dma_wait3A_1864 : memref<64x256xf32, #tpu.memory_space<vmem>>)
    %add3A_1869 = arith.constant 1 : i32
    %add3A_1870 = arith.addi %mul3A_2, %add3A_1869 : i32
    %jit3A_1871 = arith.constant 32 : i32
    %div3A_1872 = arith.divsi %add3A_1870, %jit3A_1871 : i32
    %sign3A_1873 = arith.constant 0 : i32
    %sign3A_1874 = arith.cmpi sgt, %add3A_1870, %sign3A_1873 : i32
    %sign3A_1875 = arith.extui %sign3A_1874 : i1 to i32
    %sign3A_1876 = arith.constant 0 : i32
    %sign3A_1877 = arith.cmpi slt, %add3A_1870, %sign3A_1876 : i32
    %sign3A_1878 = arith.extui %sign3A_1877 : i1 to i32
    %sign3A_1879 = arith.subi %sign3A_1875, %sign3A_1878 : i32
    %sign3A_1880 = arith.constant 0 : i32
    %sign3A_1881 = arith.cmpi sgt, %jit3A_1871, %sign3A_1880 : i32
    %sign3A_1882 = arith.extui %sign3A_1881 : i1 to i32
    %sign3A_1883 = arith.constant 0 : i32
    %sign3A_1884 = arith.cmpi slt, %jit3A_1871, %sign3A_1883 : i32
    %sign3A_1885 = arith.extui %sign3A_1884 : i1 to i32
    %sign3A_1886 = arith.subi %sign3A_1882, %sign3A_1885 : i32
    %ne3A_1887 = arith.cmpi ne, %sign3A_1879, %sign3A_1886 : i32
    %rem3A_1888 = arith.remsi %add3A_1870, %jit3A_1871 : i32
    %ne3A_1889 = arith.constant 0 : i32
    %ne3A_1890 = arith.cmpi ne, %rem3A_1888, %ne3A_1889 : i32
    %and3A_1891 = arith.andi %ne3A_1887, %ne3A_1890 : i1
    %sub3A_1892 = arith.constant 1 : i32
    %sub3A_1893 = arith.subi %div3A_1872, %sub3A_1892 : i32
    %select_n3A_1894 = arith.select %and3A_1891, %sub3A_1893, %div3A_1872 : i32
    %jit3A_1895 = arith.constant 32 : i32
    %eq3A_1896 = arith.constant 0 : i32
    %eq3A_1897 = arith.cmpi eq, %jit3A_1895, %eq3A_1896 : i32
    %jit3A_1898 = arith.constant 1 : i32
    %select_n3A_1899 = arith.select %eq3A_1897, %jit3A_1898, %jit3A_1895 : i32
    %rem3A_1900 = arith.remsi %add3A_1870, %select_n3A_1899 : i32
    %ne3A_1901 = arith.constant 0 : i32
    %ne3A_1902 = arith.cmpi ne, %rem3A_1900, %ne3A_1901 : i32
    %lt3A_1903 = arith.constant 0 : i32
    %lt3A_1904 = arith.cmpi slt, %rem3A_1900, %lt3A_1903 : i32
    %lt3A_1905 = arith.constant 0 : i32
    %lt3A_1906 = arith.cmpi slt, %select_n3A_1899, %lt3A_1905 : i32
    %ne3A_1907 = arith.xori %lt3A_1904, %lt3A_1906 : i1
    %and3A_1908 = arith.andi %ne3A_1907, %ne3A_1902 : i1
    %add3A_1909 = arith.addi %rem3A_1900, %select_n3A_1899 : i32
    %select_n3A_1910 = arith.select %and3A_1908, %add3A_1909, %rem3A_1900 : i32
    %mul3A_1911 = arith.constant 128 : i32
    %mul3A_1912 = arith.muli %select_n3A_1894, %mul3A_1911 : i32
    %mul3A_1913 = arith.constant 127 : i32
    %mul3A_1914 = arith.muli %select_n3A_1910, %mul3A_1913 : i32
    %jit3A_1915 = arith.constant 31 : i32
    %div3A_1916 = arith.divsi %mul3A_1914, %jit3A_1915 : i32
    %sign3A_1917 = arith.constant 0 : i32
    %sign3A_1918 = arith.cmpi sgt, %mul3A_1914, %sign3A_1917 : i32
    %sign3A_1919 = arith.extui %sign3A_1918 : i1 to i32
    %sign3A_1920 = arith.constant 0 : i32
    %sign3A_1921 = arith.cmpi slt, %mul3A_1914, %sign3A_1920 : i32
    %sign3A_1922 = arith.extui %sign3A_1921 : i1 to i32
    %sign3A_1923 = arith.subi %sign3A_1919, %sign3A_1922 : i32
    %sign3A_1924 = arith.constant 0 : i32
    %sign3A_1925 = arith.cmpi sgt, %jit3A_1915, %sign3A_1924 : i32
    %sign3A_1926 = arith.extui %sign3A_1925 : i1 to i32
    %sign3A_1927 = arith.constant 0 : i32
    %sign3A_1928 = arith.cmpi slt, %jit3A_1915, %sign3A_1927 : i32
    %sign3A_1929 = arith.extui %sign3A_1928 : i1 to i32
    %sign3A_1930 = arith.subi %sign3A_1926, %sign3A_1929 : i32
    %ne3A_1931 = arith.cmpi ne, %sign3A_1923, %sign3A_1930 : i32
    %rem3A_1932 = arith.remsi %mul3A_1914, %jit3A_1915 : i32
    %ne3A_1933 = arith.constant 0 : i32
    %ne3A_1934 = arith.cmpi ne, %rem3A_1932, %ne3A_1933 : i32
    %and3A_1935 = arith.andi %ne3A_1931, %ne3A_1934 : i1
    %sub3A_1936 = arith.constant 1 : i32
    %sub3A_1937 = arith.subi %div3A_1916, %sub3A_1936 : i32
    %select_n3A_1938 = arith.select %and3A_1935, %sub3A_1937, %div3A_1916 : i32
    %add3A_1939 = arith.addi %mul3A_1912, %select_n3A_1938 : i32
    %dma_start3A_1940 = arith.constant 6 : i32
    %dma_start3A_1941 = arith.constant 6 : i32
    %dma_start3A_1942 = arith.constant 0 : i32
    %dma_start3A_1943 = arith.constant 0 : i32
    %dma_start3A_1944 = tpu.memref_slice %arg4[%dma_start3A_1940, %dma_start3A_1942, %dma_start3A_1943] : memref<7x64x256xf32, #tpu.memory_space<vmem>> -> memref<1x64x256xf32, #tpu.memory_space<vmem>>
    %dma_start3A_1945 = tpu.memref_squeeze %dma_start3A_1944 : memref<1x64x256xf32, #tpu.memory_space<vmem>> -> memref<64x256xf32, #tpu.memory_space<vmem>>
    %dma_start3A_1946 = arith.constant 128 : i32
    %dma_start3A_1947 = arith.constant 0 : i32
    %dma_start3A_1948 = tpu.memref_slice %arg3[%add3A_1870, %dma_start3A_1946, %dma_start3A_1947] : memref<96x256x256xf32, #tpu.memory_space<hbm>> -> memref<1x64x256xf32, #tpu.memory_space<hbm>>
    %dma_start3A_1949 = tpu.memref_squeeze %dma_start3A_1948 : memref<1x64x256xf32, #tpu.memory_space<hbm>> -> memref<64x256xf32, #tpu.memory_space<hbm>>
    %dma_start3A_1950 = tpu.memref_slice %arg6[%dma_start3A_1941] : memref<7x!tpu.dma_semaphore, #tpu.memory_space<semaphore_mem>> -> memref<1x!tpu.dma_semaphore, #tpu.memory_space<semaphore_mem>>
    %dma_start3A_1951 = tpu.memref_squeeze %dma_start3A_1950 : memref<1x!tpu.dma_semaphore, #tpu.memory_space<semaphore_mem>> -> memref<!tpu.dma_semaphore, #tpu.memory_space<semaphore_mem>>
    %dma_start3A_1952 = arith.constant 128 : i32
    %dma_start3A_1953 = arith.constant 0 : i32
    %dma_start3A_1954 = tpu.memref_slice %arg3[%add3A_1870, %dma_start3A_1952, %dma_start3A_1953] : memref<96x256x256xf32, #tpu.memory_space<hbm>> -> memref<1x64x256xf32, #tpu.memory_space<hbm>>
    %dma_start3A_1955 = tpu.memref_squeeze %dma_start3A_1954 : memref<1x64x256xf32, #tpu.memory_space<hbm>> -> memref<64x256xf32, #tpu.memory_space<hbm>>
    %dma_start3A_1956 = arith.constant 0 : i32
    %dma_start3A_1957 = arith.constant 0 : i32
    %dma_start3A_1958 = tpu.memref_slice %arg4[%dma_start3A_1940, %dma_start3A_1956, %dma_start3A_1957] : memref<7x64x256xf32, #tpu.memory_space<vmem>> -> memref<1x64x256xf32, #tpu.memory_space<vmem>>
    %dma_start3A_1959 = tpu.memref_squeeze %dma_start3A_1958 : memref<1x64x256xf32, #tpu.memory_space<vmem>> -> memref<64x256xf32, #tpu.memory_space<vmem>>
    tpu.enqueue_dma source(%dma_start3A_1959 : memref<64x256xf32, #tpu.memory_space<vmem>>) target(%dma_start3A_1955 : memref<64x256xf32, #tpu.memory_space<hbm>>) target_semaphore(%dma_start3A_1951 : memref<!tpu.dma_semaphore, #tpu.memory_space<semaphore_mem>>)
    %dma_wait3A_1960 = arith.constant 0 : i32
    %dma_wait3A_1961 = arith.constant 0 : i32
    %dma_wait3A_1962 = arith.constant 0 : i32
    %dma_wait3A_1963 = arith.constant 0 : i32
    %dma_wait3A_1964 = tpu.memref_slice %arg4[%dma_wait3A_1960, %dma_wait3A_1962, %dma_wait3A_1963] : memref<7x64x256xf32, #tpu.memory_space<vmem>> -> memref<1x64x256xf32, #tpu.memory_space<vmem>>
    %dma_wait3A_1965 = tpu.memref_squeeze %dma_wait3A_1964 : memref<1x64x256xf32, #tpu.memory_space<vmem>> -> memref<64x256xf32, #tpu.memory_space<vmem>>
    %dma_wait3A_1966 = arith.constant 192 : i32
    %dma_wait3A_1967 = arith.constant 0 : i32
    %dma_wait3A_1968 = tpu.memref_slice %arg2[%add3A_829, %dma_wait3A_1966, %dma_wait3A_1967] : memref<384x256x256xf32, #tpu.memory_space<hbm>> -> memref<1x64x256xf32, #tpu.memory_space<hbm>>
    %dma_wait3A_1969 = tpu.memref_squeeze %dma_wait3A_1968 : memref<1x64x256xf32, #tpu.memory_space<hbm>> -> memref<64x256xf32, #tpu.memory_space<hbm>>
    %dma_wait3A_1970 = tpu.memref_slice %arg5[%dma_wait3A_1961] : memref<7x!tpu.dma_semaphore, #tpu.memory_space<semaphore_mem>> -> memref<1x!tpu.dma_semaphore, #tpu.memory_space<semaphore_mem>>
    %dma_wait3A_1971 = tpu.memref_squeeze %dma_wait3A_1970 : memref<1x!tpu.dma_semaphore, #tpu.memory_space<semaphore_mem>> -> memref<!tpu.dma_semaphore, #tpu.memory_space<semaphore_mem>>
    %dma_wait3A_1972 = arith.constant 0 : i32
    %dma_wait3A_1973 = arith.constant 0 : i32
    %dma_wait3A_1974 = tpu.memref_slice %arg4[%dma_wait3A_1960, %dma_wait3A_1972, %dma_wait3A_1973] : memref<7x64x256xf32, #tpu.memory_space<vmem>> -> memref<1x64x256xf32, #tpu.memory_space<vmem>>
    %dma_wait3A_1975 = tpu.memref_squeeze %dma_wait3A_1974 : memref<1x64x256xf32, #tpu.memory_space<vmem>> -> memref<64x256xf32, #tpu.memory_space<vmem>>
    %dma_wait3A_1976 = arith.constant 192 : i32
    %dma_wait3A_1977 = arith.constant 0 : i32
    %dma_wait3A_1978 = tpu.memref_slice %arg2[%add3A_829, %dma_wait3A_1976, %dma_wait3A_1977] : memref<384x256x256xf32, #tpu.memory_space<hbm>> -> memref<1x64x256xf32, #tpu.memory_space<hbm>>
    %dma_wait3A_1979 = tpu.memref_squeeze %dma_wait3A_1978 : memref<1x64x256xf32, #tpu.memory_space<hbm>> -> memref<64x256xf32, #tpu.memory_space<hbm>>
    tpu.wait_dma2 semaphore(%dma_wait3A_1971 : memref<!tpu.dma_semaphore, #tpu.memory_space<semaphore_mem>>) src(%dma_wait3A_1979 : memref<64x256xf32, #tpu.memory_space<hbm>>) dst(%dma_wait3A_1975 : memref<64x256xf32, #tpu.memory_space<vmem>>)
    %add3A_1980 = arith.constant 1 : i32
    %add3A_1981 = arith.addi %mul3A_2, %add3A_1980 : i32
    %jit3A_1982 = arith.constant 32 : i32
    %div3A_1983 = arith.divsi %add3A_1981, %jit3A_1982 : i32
    %sign3A_1984 = arith.constant 0 : i32
    %sign3A_1985 = arith.cmpi sgt, %add3A_1981, %sign3A_1984 : i32
    %sign3A_1986 = arith.extui %sign3A_1985 : i1 to i32
    %sign3A_1987 = arith.constant 0 : i32
    %sign3A_1988 = arith.cmpi slt, %add3A_1981, %sign3A_1987 : i32
    %sign3A_1989 = arith.extui %sign3A_1988 : i1 to i32
    %sign3A_1990 = arith.subi %sign3A_1986, %sign3A_1989 : i32
    %sign3A_1991 = arith.constant 0 : i32
    %sign3A_1992 = arith.cmpi sgt, %jit3A_1982, %sign3A_1991 : i32
    %sign3A_1993 = arith.extui %sign3A_1992 : i1 to i32
    %sign3A_1994 = arith.constant 0 : i32
    %sign3A_1995 = arith.cmpi slt, %jit3A_1982, %sign3A_1994 : i32
    %sign3A_1996 = arith.extui %sign3A_1995 : i1 to i32
    %sign3A_1997 = arith.subi %sign3A_1993, %sign3A_1996 : i32
    %ne3A_1998 = arith.cmpi ne, %sign3A_1990, %sign3A_1997 : i32
    %rem3A_1999 = arith.remsi %add3A_1981, %jit3A_1982 : i32
    %ne3A_2000 = arith.constant 0 : i32
    %ne3A_2001 = arith.cmpi ne, %rem3A_1999, %ne3A_2000 : i32
    %and3A_2002 = arith.andi %ne3A_1998, %ne3A_2001 : i1
    %sub3A_2003 = arith.constant 1 : i32
    %sub3A_2004 = arith.subi %div3A_1983, %sub3A_2003 : i32
    %select_n3A_2005 = arith.select %and3A_2002, %sub3A_2004, %div3A_1983 : i32
    %jit3A_2006 = arith.constant 32 : i32
    %eq3A_2007 = arith.constant 0 : i32
    %eq3A_2008 = arith.cmpi eq, %jit3A_2006, %eq3A_2007 : i32
    %jit3A_2009 = arith.constant 1 : i32
    %select_n3A_2010 = arith.select %eq3A_2008, %jit3A_2009, %jit3A_2006 : i32
    %rem3A_2011 = arith.remsi %add3A_1981, %select_n3A_2010 : i32
    %ne3A_2012 = arith.constant 0 : i32
    %ne3A_2013 = arith.cmpi ne, %rem3A_2011, %ne3A_2012 : i32
    %lt3A_2014 = arith.constant 0 : i32
    %lt3A_2015 = arith.cmpi slt, %rem3A_2011, %lt3A_2014 : i32
    %lt3A_2016 = arith.constant 0 : i32
    %lt3A_2017 = arith.cmpi slt, %select_n3A_2010, %lt3A_2016 : i32
    %ne3A_2018 = arith.xori %lt3A_2015, %lt3A_2017 : i1
    %and3A_2019 = arith.andi %ne3A_2018, %ne3A_2013 : i1
    %add3A_2020 = arith.addi %rem3A_2011, %select_n3A_2010 : i32
    %select_n3A_2021 = arith.select %and3A_2019, %add3A_2020, %rem3A_2011 : i32
    %mul3A_2022 = arith.constant 128 : i32
    %mul3A_2023 = arith.muli %select_n3A_2005, %mul3A_2022 : i32
    %mul3A_2024 = arith.constant 127 : i32
    %mul3A_2025 = arith.muli %select_n3A_2021, %mul3A_2024 : i32
    %jit3A_2026 = arith.constant 31 : i32
    %div3A_2027 = arith.divsi %mul3A_2025, %jit3A_2026 : i32
    %sign3A_2028 = arith.constant 0 : i32
    %sign3A_2029 = arith.cmpi sgt, %mul3A_2025, %sign3A_2028 : i32
    %sign3A_2030 = arith.extui %sign3A_2029 : i1 to i32
    %sign3A_2031 = arith.constant 0 : i32
    %sign3A_2032 = arith.cmpi slt, %mul3A_2025, %sign3A_2031 : i32
    %sign3A_2033 = arith.extui %sign3A_2032 : i1 to i32
    %sign3A_2034 = arith.subi %sign3A_2030, %sign3A_2033 : i32
    %sign3A_2035 = arith.constant 0 : i32
    %sign3A_2036 = arith.cmpi sgt, %jit3A_2026, %sign3A_2035 : i32
    %sign3A_2037 = arith.extui %sign3A_2036 : i1 to i32
    %sign3A_2038 = arith.constant 0 : i32
    %sign3A_2039 = arith.cmpi slt, %jit3A_2026, %sign3A_2038 : i32
    %sign3A_2040 = arith.extui %sign3A_2039 : i1 to i32
    %sign3A_2041 = arith.subi %sign3A_2037, %sign3A_2040 : i32
    %ne3A_2042 = arith.cmpi ne, %sign3A_2034, %sign3A_2041 : i32
    %rem3A_2043 = arith.remsi %mul3A_2025, %jit3A_2026 : i32
    %ne3A_2044 = arith.constant 0 : i32
    %ne3A_2045 = arith.cmpi ne, %rem3A_2043, %ne3A_2044 : i32
    %and3A_2046 = arith.andi %ne3A_2042, %ne3A_2045 : i1
    %sub3A_2047 = arith.constant 1 : i32
    %sub3A_2048 = arith.subi %div3A_2027, %sub3A_2047 : i32
    %select_n3A_2049 = arith.select %and3A_2046, %sub3A_2048, %div3A_2027 : i32
    %add3A_2050 = arith.addi %mul3A_2023, %select_n3A_2049 : i32
    %dma_start3A_2051 = arith.constant 0 : i32
    %dma_start3A_2052 = arith.constant 0 : i32
    %dma_start3A_2053 = arith.constant 0 : i32
    %dma_start3A_2054 = arith.constant 0 : i32
    %dma_start3A_2055 = tpu.memref_slice %arg4[%dma_start3A_2051, %dma_start3A_2053, %dma_start3A_2054] : memref<7x64x256xf32, #tpu.memory_space<vmem>> -> memref<1x64x256xf32, #tpu.memory_space<vmem>>
    %dma_start3A_2056 = tpu.memref_squeeze %dma_start3A_2055 : memref<1x64x256xf32, #tpu.memory_space<vmem>> -> memref<64x256xf32, #tpu.memory_space<vmem>>
    %dma_start3A_2057 = arith.constant 192 : i32
    %dma_start3A_2058 = arith.constant 0 : i32
    %dma_start3A_2059 = tpu.memref_slice %arg3[%add3A_1981, %dma_start3A_2057, %dma_start3A_2058] : memref<96x256x256xf32, #tpu.memory_space<hbm>> -> memref<1x64x256xf32, #tpu.memory_space<hbm>>
    %dma_start3A_2060 = tpu.memref_squeeze %dma_start3A_2059 : memref<1x64x256xf32, #tpu.memory_space<hbm>> -> memref<64x256xf32, #tpu.memory_space<hbm>>
    %dma_start3A_2061 = tpu.memref_slice %arg6[%dma_start3A_2052] : memref<7x!tpu.dma_semaphore, #tpu.memory_space<semaphore_mem>> -> memref<1x!tpu.dma_semaphore, #tpu.memory_space<semaphore_mem>>
    %dma_start3A_2062 = tpu.memref_squeeze %dma_start3A_2061 : memref<1x!tpu.dma_semaphore, #tpu.memory_space<semaphore_mem>> -> memref<!tpu.dma_semaphore, #tpu.memory_space<semaphore_mem>>
    %dma_start3A_2063 = arith.constant 192 : i32
    %dma_start3A_2064 = arith.constant 0 : i32
    %dma_start3A_2065 = tpu.memref_slice %arg3[%add3A_1981, %dma_start3A_2063, %dma_start3A_2064] : memref<96x256x256xf32, #tpu.memory_space<hbm>> -> memref<1x64x256xf32, #tpu.memory_space<hbm>>
    %dma_start3A_2066 = tpu.memref_squeeze %dma_start3A_2065 : memref<1x64x256xf32, #tpu.memory_space<hbm>> -> memref<64x256xf32, #tpu.memory_space<hbm>>
    %dma_start3A_2067 = arith.constant 0 : i32
    %dma_start3A_2068 = arith.constant 0 : i32
    %dma_start3A_2069 = tpu.memref_slice %arg4[%dma_start3A_2051, %dma_start3A_2067, %dma_start3A_2068] : memref<7x64x256xf32, #tpu.memory_space<vmem>> -> memref<1x64x256xf32, #tpu.memory_space<vmem>>
    %dma_start3A_2070 = tpu.memref_squeeze %dma_start3A_2069 : memref<1x64x256xf32, #tpu.memory_space<vmem>> -> memref<64x256xf32, #tpu.memory_space<vmem>>
    tpu.enqueue_dma source(%dma_start3A_2070 : memref<64x256xf32, #tpu.memory_space<vmem>>) target(%dma_start3A_2066 : memref<64x256xf32, #tpu.memory_space<hbm>>) target_semaphore(%dma_start3A_2062 : memref<!tpu.dma_semaphore, #tpu.memory_space<semaphore_mem>>)
    %dma_wait3A_2071 = arith.constant 1 : i32
    %dma_wait3A_2072 = arith.constant 1 : i32
    %dma_wait3A_2073 = arith.constant 0 : i32
    %dma_wait3A_2074 = arith.constant 0 : i32
    %dma_wait3A_2075 = tpu.memref_slice %arg4[%dma_wait3A_2071, %dma_wait3A_2073, %dma_wait3A_2074] : memref<7x64x256xf32, #tpu.memory_space<vmem>> -> memref<1x64x256xf32, #tpu.memory_space<vmem>>
    %dma_wait3A_2076 = tpu.memref_squeeze %dma_wait3A_2075 : memref<1x64x256xf32, #tpu.memory_space<vmem>> -> memref<64x256xf32, #tpu.memory_space<vmem>>
    %dma_wait3A_2077 = arith.constant 0 : i32
    %dma_wait3A_2078 = arith.constant 0 : i32
    %dma_wait3A_2079 = tpu.memref_slice %arg2[%add3A_1051, %dma_wait3A_2077, %dma_wait3A_2078] : memref<384x256x256xf32, #tpu.memory_space<hbm>> -> memref<1x64x256xf32, #tpu.memory_space<hbm>>
    %dma_wait3A_2080 = tpu.memref_squeeze %dma_wait3A_2079 : memref<1x64x256xf32, #tpu.memory_space<hbm>> -> memref<64x256xf32, #tpu.memory_space<hbm>>
    %dma_wait3A_2081 = tpu.memref_slice %arg5[%dma_wait3A_2072] : memref<7x!tpu.dma_semaphore, #tpu.memory_space<semaphore_mem>> -> memref<1x!tpu.dma_semaphore, #tpu.memory_space<semaphore_mem>>
    %dma_wait3A_2082 = tpu.memref_squeeze %dma_wait3A_2081 : memref<1x!tpu.dma_semaphore, #tpu.memory_space<semaphore_mem>> -> memref<!tpu.dma_semaphore, #tpu.memory_space<semaphore_mem>>
    %dma_wait3A_2083 = arith.constant 0 : i32
    %dma_wait3A_2084 = arith.constant 0 : i32
    %dma_wait3A_2085 = tpu.memref_slice %arg4[%dma_wait3A_2071, %dma_wait3A_2083, %dma_wait3A_2084] : memref<7x64x256xf32, #tpu.memory_space<vmem>> -> memref<1x64x256xf32, #tpu.memory_space<vmem>>
    %dma_wait3A_2086 = tpu.memref_squeeze %dma_wait3A_2085 : memref<1x64x256xf32, #tpu.memory_space<vmem>> -> memref<64x256xf32, #tpu.memory_space<vmem>>
    %dma_wait3A_2087 = arith.constant 0 : i32
    %dma_wait3A_2088 = arith.constant 0 : i32
    %dma_wait3A_2089 = tpu.memref_slice %arg2[%add3A_1051, %dma_wait3A_2087, %dma_wait3A_2088] : memref<384x256x256xf32, #tpu.memory_space<hbm>> -> memref<1x64x256xf32, #tpu.memory_space<hbm>>
    %dma_wait3A_2090 = tpu.memref_squeeze %dma_wait3A_2089 : memref<1x64x256xf32, #tpu.memory_space<hbm>> -> memref<64x256xf32, #tpu.memory_space<hbm>>
    tpu.wait_dma2 semaphore(%dma_wait3A_2082 : memref<!tpu.dma_semaphore, #tpu.memory_space<semaphore_mem>>) src(%dma_wait3A_2090 : memref<64x256xf32, #tpu.memory_space<hbm>>) dst(%dma_wait3A_2086 : memref<64x256xf32, #tpu.memory_space<vmem>>)
    %add3A_2091 = arith.constant 2 : i32
    %add3A_2092 = arith.addi %mul3A_2, %add3A_2091 : i32
    %jit3A_2093 = arith.constant 32 : i32
    %div3A_2094 = arith.divsi %add3A_2092, %jit3A_2093 : i32
    %sign3A_2095 = arith.constant 0 : i32
    %sign3A_2096 = arith.cmpi sgt, %add3A_2092, %sign3A_2095 : i32
    %sign3A_2097 = arith.extui %sign3A_2096 : i1 to i32
    %sign3A_2098 = arith.constant 0 : i32
    %sign3A_2099 = arith.cmpi slt, %add3A_2092, %sign3A_2098 : i32
    %sign3A_2100 = arith.extui %sign3A_2099 : i1 to i32
    %sign3A_2101 = arith.subi %sign3A_2097, %sign3A_2100 : i32
    %sign3A_2102 = arith.constant 0 : i32
    %sign3A_2103 = arith.cmpi sgt, %jit3A_2093, %sign3A_2102 : i32
    %sign3A_2104 = arith.extui %sign3A_2103 : i1 to i32
    %sign3A_2105 = arith.constant 0 : i32
    %sign3A_2106 = arith.cmpi slt, %jit3A_2093, %sign3A_2105 : i32
    %sign3A_2107 = arith.extui %sign3A_2106 : i1 to i32
    %sign3A_2108 = arith.subi %sign3A_2104, %sign3A_2107 : i32
    %ne3A_2109 = arith.cmpi ne, %sign3A_2101, %sign3A_2108 : i32
    %rem3A_2110 = arith.remsi %add3A_2092, %jit3A_2093 : i32
    %ne3A_2111 = arith.constant 0 : i32
    %ne3A_2112 = arith.cmpi ne, %rem3A_2110, %ne3A_2111 : i32
    %and3A_2113 = arith.andi %ne3A_2109, %ne3A_2112 : i1
    %sub3A_2114 = arith.constant 1 : i32
    %sub3A_2115 = arith.subi %div3A_2094, %sub3A_2114 : i32
    %select_n3A_2116 = arith.select %and3A_2113, %sub3A_2115, %div3A_2094 : i32
    %jit3A_2117 = arith.constant 32 : i32
    %eq3A_2118 = arith.constant 0 : i32
    %eq3A_2119 = arith.cmpi eq, %jit3A_2117, %eq3A_2118 : i32
    %jit3A_2120 = arith.constant 1 : i32
    %select_n3A_2121 = arith.select %eq3A_2119, %jit3A_2120, %jit3A_2117 : i32
    %rem3A_2122 = arith.remsi %add3A_2092, %select_n3A_2121 : i32
    %ne3A_2123 = arith.constant 0 : i32
    %ne3A_2124 = arith.cmpi ne, %rem3A_2122, %ne3A_2123 : i32
    %lt3A_2125 = arith.constant 0 : i32
    %lt3A_2126 = arith.cmpi slt, %rem3A_2122, %lt3A_2125 : i32
    %lt3A_2127 = arith.constant 0 : i32
    %lt3A_2128 = arith.cmpi slt, %select_n3A_2121, %lt3A_2127 : i32
    %ne3A_2129 = arith.xori %lt3A_2126, %lt3A_2128 : i1
    %and3A_2130 = arith.andi %ne3A_2129, %ne3A_2124 : i1
    %add3A_2131 = arith.addi %rem3A_2122, %select_n3A_2121 : i32
    %select_n3A_2132 = arith.select %and3A_2130, %add3A_2131, %rem3A_2122 : i32
    %mul3A_2133 = arith.constant 128 : i32
    %mul3A_2134 = arith.muli %select_n3A_2116, %mul3A_2133 : i32
    %mul3A_2135 = arith.constant 127 : i32
    %mul3A_2136 = arith.muli %select_n3A_2132, %mul3A_2135 : i32
    %jit3A_2137 = arith.constant 31 : i32
    %div3A_2138 = arith.divsi %mul3A_2136, %jit3A_2137 : i32
    %sign3A_2139 = arith.constant 0 : i32
    %sign3A_2140 = arith.cmpi sgt, %mul3A_2136, %sign3A_2139 : i32
    %sign3A_2141 = arith.extui %sign3A_2140 : i1 to i32
    %sign3A_2142 = arith.constant 0 : i32
    %sign3A_2143 = arith.cmpi slt, %mul3A_2136, %sign3A_2142 : i32
    %sign3A_2144 = arith.extui %sign3A_2143 : i1 to i32
    %sign3A_2145 = arith.subi %sign3A_2141, %sign3A_2144 : i32
    %sign3A_2146 = arith.constant 0 : i32
    %sign3A_2147 = arith.cmpi sgt, %jit3A_2137, %sign3A_2146 : i32
    %sign3A_2148 = arith.extui %sign3A_2147 : i1 to i32
    %sign3A_2149 = arith.constant 0 : i32
    %sign3A_2150 = arith.cmpi slt, %jit3A_2137, %sign3A_2149 : i32
    %sign3A_2151 = arith.extui %sign3A_2150 : i1 to i32
    %sign3A_2152 = arith.subi %sign3A_2148, %sign3A_2151 : i32
    %ne3A_2153 = arith.cmpi ne, %sign3A_2145, %sign3A_2152 : i32
    %rem3A_2154 = arith.remsi %mul3A_2136, %jit3A_2137 : i32
    %ne3A_2155 = arith.constant 0 : i32
    %ne3A_2156 = arith.cmpi ne, %rem3A_2154, %ne3A_2155 : i32
    %and3A_2157 = arith.andi %ne3A_2153, %ne3A_2156 : i1
    %sub3A_2158 = arith.constant 1 : i32
    %sub3A_2159 = arith.subi %div3A_2138, %sub3A_2158 : i32
    %select_n3A_2160 = arith.select %and3A_2157, %sub3A_2159, %div3A_2138 : i32
    %add3A_2161 = arith.addi %mul3A_2134, %select_n3A_2160 : i32
    %dma_start3A_2162 = arith.constant 1 : i32
    %dma_start3A_2163 = arith.constant 1 : i32
    %dma_start3A_2164 = arith.constant 0 : i32
    %dma_start3A_2165 = arith.constant 0 : i32
    %dma_start3A_2166 = tpu.memref_slice %arg4[%dma_start3A_2162, %dma_start3A_2164, %dma_start3A_2165] : memref<7x64x256xf32, #tpu.memory_space<vmem>> -> memref<1x64x256xf32, #tpu.memory_space<vmem>>
    %dma_start3A_2167 = tpu.memref_squeeze %dma_start3A_2166 : memref<1x64x256xf32, #tpu.memory_space<vmem>> -> memref<64x256xf32, #tpu.memory_space<vmem>>
    %dma_start3A_2168 = arith.constant 0 : i32
    %dma_start3A_2169 = arith.constant 0 : i32
    %dma_start3A_2170 = tpu.memref_slice %arg3[%add3A_2092, %dma_start3A_2168, %dma_start3A_2169] : memref<96x256x256xf32, #tpu.memory_space<hbm>> -> memref<1x64x256xf32, #tpu.memory_space<hbm>>
    %dma_start3A_2171 = tpu.memref_squeeze %dma_start3A_2170 : memref<1x64x256xf32, #tpu.memory_space<hbm>> -> memref<64x256xf32, #tpu.memory_space<hbm>>
    %dma_start3A_2172 = tpu.memref_slice %arg6[%dma_start3A_2163] : memref<7x!tpu.dma_semaphore, #tpu.memory_space<semaphore_mem>> -> memref<1x!tpu.dma_semaphore, #tpu.memory_space<semaphore_mem>>
    %dma_start3A_2173 = tpu.memref_squeeze %dma_start3A_2172 : memref<1x!tpu.dma_semaphore, #tpu.memory_space<semaphore_mem>> -> memref<!tpu.dma_semaphore, #tpu.memory_space<semaphore_mem>>
    %dma_start3A_2174 = arith.constant 0 : i32
    %dma_start3A_2175 = arith.constant 0 : i32
    %dma_start3A_2176 = tpu.memref_slice %arg3[%add3A_2092, %dma_start3A_2174, %dma_start3A_2175] : memref<96x256x256xf32, #tpu.memory_space<hbm>> -> memref<1x64x256xf32, #tpu.memory_space<hbm>>
    %dma_start3A_2177 = tpu.memref_squeeze %dma_start3A_2176 : memref<1x64x256xf32, #tpu.memory_space<hbm>> -> memref<64x256xf32, #tpu.memory_space<hbm>>
    %dma_start3A_2178 = arith.constant 0 : i32
    %dma_start3A_2179 = arith.constant 0 : i32
    %dma_start3A_2180 = tpu.memref_slice %arg4[%dma_start3A_2162, %dma_start3A_2178, %dma_start3A_2179] : memref<7x64x256xf32, #tpu.memory_space<vmem>> -> memref<1x64x256xf32, #tpu.memory_space<vmem>>
    %dma_start3A_2181 = tpu.memref_squeeze %dma_start3A_2180 : memref<1x64x256xf32, #tpu.memory_space<vmem>> -> memref<64x256xf32, #tpu.memory_space<vmem>>
    tpu.enqueue_dma source(%dma_start3A_2181 : memref<64x256xf32, #tpu.memory_space<vmem>>) target(%dma_start3A_2177 : memref<64x256xf32, #tpu.memory_space<hbm>>) target_semaphore(%dma_start3A_2173 : memref<!tpu.dma_semaphore, #tpu.memory_space<semaphore_mem>>)
    %dma_wait3A_2182 = arith.constant 2 : i32
    %dma_wait3A_2183 = arith.constant 2 : i32
    %dma_wait3A_2184 = arith.constant 0 : i32
    %dma_wait3A_2185 = arith.constant 0 : i32
    %dma_wait3A_2186 = tpu.memref_slice %arg4[%dma_wait3A_2182, %dma_wait3A_2184, %dma_wait3A_2185] : memref<7x64x256xf32, #tpu.memory_space<vmem>> -> memref<1x64x256xf32, #tpu.memory_space<vmem>>
    %dma_wait3A_2187 = tpu.memref_squeeze %dma_wait3A_2186 : memref<1x64x256xf32, #tpu.memory_space<vmem>> -> memref<64x256xf32, #tpu.memory_space<vmem>>
    %dma_wait3A_2188 = arith.constant 64 : i32
    %dma_wait3A_2189 = arith.constant 0 : i32
    %dma_wait3A_2190 = tpu.memref_slice %arg2[%add3A_1273, %dma_wait3A_2188, %dma_wait3A_2189] : memref<384x256x256xf32, #tpu.memory_space<hbm>> -> memref<1x64x256xf32, #tpu.memory_space<hbm>>
    %dma_wait3A_2191 = tpu.memref_squeeze %dma_wait3A_2190 : memref<1x64x256xf32, #tpu.memory_space<hbm>> -> memref<64x256xf32, #tpu.memory_space<hbm>>
    %dma_wait3A_2192 = tpu.memref_slice %arg5[%dma_wait3A_2183] : memref<7x!tpu.dma_semaphore, #tpu.memory_space<semaphore_mem>> -> memref<1x!tpu.dma_semaphore, #tpu.memory_space<semaphore_mem>>
    %dma_wait3A_2193 = tpu.memref_squeeze %dma_wait3A_2192 : memref<1x!tpu.dma_semaphore, #tpu.memory_space<semaphore_mem>> -> memref<!tpu.dma_semaphore, #tpu.memory_space<semaphore_mem>>
    %dma_wait3A_2194 = arith.constant 0 : i32
    %dma_wait3A_2195 = arith.constant 0 : i32
    %dma_wait3A_2196 = tpu.memref_slice %arg4[%dma_wait3A_2182, %dma_wait3A_2194, %dma_wait3A_2195] : memref<7x64x256xf32, #tpu.memory_space<vmem>> -> memref<1x64x256xf32, #tpu.memory_space<vmem>>
    %dma_wait3A_2197 = tpu.memref_squeeze %dma_wait3A_2196 : memref<1x64x256xf32, #tpu.memory_space<vmem>> -> memref<64x256xf32, #tpu.memory_space<vmem>>
    %dma_wait3A_2198 = arith.constant 64 : i32
    %dma_wait3A_2199 = arith.constant 0 : i32
    %dma_wait3A_2200 = tpu.memref_slice %arg2[%add3A_1273, %dma_wait3A_2198, %dma_wait3A_2199] : memref<384x256x256xf32, #tpu.memory_space<hbm>> -> memref<1x64x256xf32, #tpu.memory_space<hbm>>
    %dma_wait3A_2201 = tpu.memref_squeeze %dma_wait3A_2200 : memref<1x64x256xf32, #tpu.memory_space<hbm>> -> memref<64x256xf32, #tpu.memory_space<hbm>>
    tpu.wait_dma2 semaphore(%dma_wait3A_2193 : memref<!tpu.dma_semaphore, #tpu.memory_space<semaphore_mem>>) src(%dma_wait3A_2201 : memref<64x256xf32, #tpu.memory_space<hbm>>) dst(%dma_wait3A_2197 : memref<64x256xf32, #tpu.memory_space<vmem>>)
    %add3A_2202 = arith.constant 2 : i32
    %add3A_2203 = arith.addi %mul3A_2, %add3A_2202 : i32
    %jit3A_2204 = arith.constant 32 : i32
    %div3A_2205 = arith.divsi %add3A_2203, %jit3A_2204 : i32
    %sign3A_2206 = arith.constant 0 : i32
    %sign3A_2207 = arith.cmpi sgt, %add3A_2203, %sign3A_2206 : i32
    %sign3A_2208 = arith.extui %sign3A_2207 : i1 to i32
    %sign3A_2209 = arith.constant 0 : i32
    %sign3A_2210 = arith.cmpi slt, %add3A_2203, %sign3A_2209 : i32
    %sign3A_2211 = arith.extui %sign3A_2210 : i1 to i32
    %sign3A_2212 = arith.subi %sign3A_2208, %sign3A_2211 : i32
    %sign3A_2213 = arith.constant 0 : i32
    %sign3A_2214 = arith.cmpi sgt, %jit3A_2204, %sign3A_2213 : i32
    %sign3A_2215 = arith.extui %sign3A_2214 : i1 to i32
    %sign3A_2216 = arith.constant 0 : i32
    %sign3A_2217 = arith.cmpi slt, %jit3A_2204, %sign3A_2216 : i32
    %sign3A_2218 = arith.extui %sign3A_2217 : i1 to i32
    %sign3A_2219 = arith.subi %sign3A_2215, %sign3A_2218 : i32
    %ne3A_2220 = arith.cmpi ne, %sign3A_2212, %sign3A_2219 : i32
    %rem3A_2221 = arith.remsi %add3A_2203, %jit3A_2204 : i32
    %ne3A_2222 = arith.constant 0 : i32
    %ne3A_2223 = arith.cmpi ne, %rem3A_2221, %ne3A_2222 : i32
    %and3A_2224 = arith.andi %ne3A_2220, %ne3A_2223 : i1
    %sub3A_2225 = arith.constant 1 : i32
    %sub3A_2226 = arith.subi %div3A_2205, %sub3A_2225 : i32
    %select_n3A_2227 = arith.select %and3A_2224, %sub3A_2226, %div3A_2205 : i32
    %jit3A_2228 = arith.constant 32 : i32
    %eq3A_2229 = arith.constant 0 : i32
    %eq3A_2230 = arith.cmpi eq, %jit3A_2228, %eq3A_2229 : i32
    %jit3A_2231 = arith.constant 1 : i32
    %select_n3A_2232 = arith.select %eq3A_2230, %jit3A_2231, %jit3A_2228 : i32
    %rem3A_2233 = arith.remsi %add3A_2203, %select_n3A_2232 : i32
    %ne3A_2234 = arith.constant 0 : i32
    %ne3A_2235 = arith.cmpi ne, %rem3A_2233, %ne3A_2234 : i32
    %lt3A_2236 = arith.constant 0 : i32
    %lt3A_2237 = arith.cmpi slt, %rem3A_2233, %lt3A_2236 : i32
    %lt3A_2238 = arith.constant 0 : i32
    %lt3A_2239 = arith.cmpi slt, %select_n3A_2232, %lt3A_2238 : i32
    %ne3A_2240 = arith.xori %lt3A_2237, %lt3A_2239 : i1
    %and3A_2241 = arith.andi %ne3A_2240, %ne3A_2235 : i1
    %add3A_2242 = arith.addi %rem3A_2233, %select_n3A_2232 : i32
    %select_n3A_2243 = arith.select %and3A_2241, %add3A_2242, %rem3A_2233 : i32
    %mul3A_2244 = arith.constant 128 : i32
    %mul3A_2245 = arith.muli %select_n3A_2227, %mul3A_2244 : i32
    %mul3A_2246 = arith.constant 127 : i32
    %mul3A_2247 = arith.muli %select_n3A_2243, %mul3A_2246 : i32
    %jit3A_2248 = arith.constant 31 : i32
    %div3A_2249 = arith.divsi %mul3A_2247, %jit3A_2248 : i32
    %sign3A_2250 = arith.constant 0 : i32
    %sign3A_2251 = arith.cmpi sgt, %mul3A_2247, %sign3A_2250 : i32
    %sign3A_2252 = arith.extui %sign3A_2251 : i1 to i32
    %sign3A_2253 = arith.constant 0 : i32
    %sign3A_2254 = arith.cmpi slt, %mul3A_2247, %sign3A_2253 : i32
    %sign3A_2255 = arith.extui %sign3A_2254 : i1 to i32
    %sign3A_2256 = arith.subi %sign3A_2252, %sign3A_2255 : i32
    %sign3A_2257 = arith.constant 0 : i32
    %sign3A_2258 = arith.cmpi sgt, %jit3A_2248, %sign3A_2257 : i32
    %sign3A_2259 = arith.extui %sign3A_2258 : i1 to i32
    %sign3A_2260 = arith.constant 0 : i32
    %sign3A_2261 = arith.cmpi slt, %jit3A_2248, %sign3A_2260 : i32
    %sign3A_2262 = arith.extui %sign3A_2261 : i1 to i32
    %sign3A_2263 = arith.subi %sign3A_2259, %sign3A_2262 : i32
    %ne3A_2264 = arith.cmpi ne, %sign3A_2256, %sign3A_2263 : i32
    %rem3A_2265 = arith.remsi %mul3A_2247, %jit3A_2248 : i32
    %ne3A_2266 = arith.constant 0 : i32
    %ne3A_2267 = arith.cmpi ne, %rem3A_2265, %ne3A_2266 : i32
    %and3A_2268 = arith.andi %ne3A_2264, %ne3A_2267 : i1
    %sub3A_2269 = arith.constant 1 : i32
    %sub3A_2270 = arith.subi %div3A_2249, %sub3A_2269 : i32
    %select_n3A_2271 = arith.select %and3A_2268, %sub3A_2270, %div3A_2249 : i32
    %add3A_2272 = arith.addi %mul3A_2245, %select_n3A_2271 : i32
    %dma_start3A_2273 = arith.constant 2 : i32
    %dma_start3A_2274 = arith.constant 2 : i32
    %dma_start3A_2275 = arith.constant 0 : i32
    %dma_start3A_2276 = arith.constant 0 : i32
    %dma_start3A_2277 = tpu.memref_slice %arg4[%dma_start3A_2273, %dma_start3A_2275, %dma_start3A_2276] : memref<7x64x256xf32, #tpu.memory_space<vmem>> -> memref<1x64x256xf32, #tpu.memory_space<vmem>>
    %dma_start3A_2278 = tpu.memref_squeeze %dma_start3A_2277 : memref<1x64x256xf32, #tpu.memory_space<vmem>> -> memref<64x256xf32, #tpu.memory_space<vmem>>
    %dma_start3A_2279 = arith.constant 64 : i32
    %dma_start3A_2280 = arith.constant 0 : i32
    %dma_start3A_2281 = tpu.memref_slice %arg3[%add3A_2203, %dma_start3A_2279, %dma_start3A_2280] : memref<96x256x256xf32, #tpu.memory_space<hbm>> -> memref<1x64x256xf32, #tpu.memory_space<hbm>>
    %dma_start3A_2282 = tpu.memref_squeeze %dma_start3A_2281 : memref<1x64x256xf32, #tpu.memory_space<hbm>> -> memref<64x256xf32, #tpu.memory_space<hbm>>
    %dma_start3A_2283 = tpu.memref_slice %arg6[%dma_start3A_2274] : memref<7x!tpu.dma_semaphore, #tpu.memory_space<semaphore_mem>> -> memref<1x!tpu.dma_semaphore, #tpu.memory_space<semaphore_mem>>
    %dma_start3A_2284 = tpu.memref_squeeze %dma_start3A_2283 : memref<1x!tpu.dma_semaphore, #tpu.memory_space<semaphore_mem>> -> memref<!tpu.dma_semaphore, #tpu.memory_space<semaphore_mem>>
    %dma_start3A_2285 = arith.constant 64 : i32
    %dma_start3A_2286 = arith.constant 0 : i32
    %dma_start3A_2287 = tpu.memref_slice %arg3[%add3A_2203, %dma_start3A_2285, %dma_start3A_2286] : memref<96x256x256xf32, #tpu.memory_space<hbm>> -> memref<1x64x256xf32, #tpu.memory_space<hbm>>
    %dma_start3A_2288 = tpu.memref_squeeze %dma_start3A_2287 : memref<1x64x256xf32, #tpu.memory_space<hbm>> -> memref<64x256xf32, #tpu.memory_space<hbm>>
    %dma_start3A_2289 = arith.constant 0 : i32
    %dma_start3A_2290 = arith.constant 0 : i32
    %dma_start3A_2291 = tpu.memref_slice %arg4[%dma_start3A_2273, %dma_start3A_2289, %dma_start3A_2290] : memref<7x64x256xf32, #tpu.memory_space<vmem>> -> memref<1x64x256xf32, #tpu.memory_space<vmem>>
    %dma_start3A_2292 = tpu.memref_squeeze %dma_start3A_2291 : memref<1x64x256xf32, #tpu.memory_space<vmem>> -> memref<64x256xf32, #tpu.memory_space<vmem>>
    tpu.enqueue_dma source(%dma_start3A_2292 : memref<64x256xf32, #tpu.memory_space<vmem>>) target(%dma_start3A_2288 : memref<64x256xf32, #tpu.memory_space<hbm>>) target_semaphore(%dma_start3A_2284 : memref<!tpu.dma_semaphore, #tpu.memory_space<semaphore_mem>>)
    %dma_wait3A_2293 = arith.constant 3 : i32
    %dma_wait3A_2294 = arith.constant 3 : i32
    %dma_wait3A_2295 = arith.constant 0 : i32
    %dma_wait3A_2296 = arith.constant 0 : i32
    %dma_wait3A_2297 = tpu.memref_slice %arg4[%dma_wait3A_2293, %dma_wait3A_2295, %dma_wait3A_2296] : memref<7x64x256xf32, #tpu.memory_space<vmem>> -> memref<1x64x256xf32, #tpu.memory_space<vmem>>
    %dma_wait3A_2298 = tpu.memref_squeeze %dma_wait3A_2297 : memref<1x64x256xf32, #tpu.memory_space<vmem>> -> memref<64x256xf32, #tpu.memory_space<vmem>>
    %dma_wait3A_2299 = arith.constant 128 : i32
    %dma_wait3A_2300 = arith.constant 0 : i32
    %dma_wait3A_2301 = tpu.memref_slice %arg2[%add3A_1495, %dma_wait3A_2299, %dma_wait3A_2300] : memref<384x256x256xf32, #tpu.memory_space<hbm>> -> memref<1x64x256xf32, #tpu.memory_space<hbm>>
    %dma_wait3A_2302 = tpu.memref_squeeze %dma_wait3A_2301 : memref<1x64x256xf32, #tpu.memory_space<hbm>> -> memref<64x256xf32, #tpu.memory_space<hbm>>
    %dma_wait3A_2303 = tpu.memref_slice %arg5[%dma_wait3A_2294] : memref<7x!tpu.dma_semaphore, #tpu.memory_space<semaphore_mem>> -> memref<1x!tpu.dma_semaphore, #tpu.memory_space<semaphore_mem>>
    %dma_wait3A_2304 = tpu.memref_squeeze %dma_wait3A_2303 : memref<1x!tpu.dma_semaphore, #tpu.memory_space<semaphore_mem>> -> memref<!tpu.dma_semaphore, #tpu.memory_space<semaphore_mem>>
    %dma_wait3A_2305 = arith.constant 0 : i32
    %dma_wait3A_2306 = arith.constant 0 : i32
    %dma_wait3A_2307 = tpu.memref_slice %arg4[%dma_wait3A_2293, %dma_wait3A_2305, %dma_wait3A_2306] : memref<7x64x256xf32, #tpu.memory_space<vmem>> -> memref<1x64x256xf32, #tpu.memory_space<vmem>>
    %dma_wait3A_2308 = tpu.memref_squeeze %dma_wait3A_2307 : memref<1x64x256xf32, #tpu.memory_space<vmem>> -> memref<64x256xf32, #tpu.memory_space<vmem>>
    %dma_wait3A_2309 = arith.constant 128 : i32
    %dma_wait3A_2310 = arith.constant 0 : i32
    %dma_wait3A_2311 = tpu.memref_slice %arg2[%add3A_1495, %dma_wait3A_2309, %dma_wait3A_2310] : memref<384x256x256xf32, #tpu.memory_space<hbm>> -> memref<1x64x256xf32, #tpu.memory_space<hbm>>
    %dma_wait3A_2312 = tpu.memref_squeeze %dma_wait3A_2311 : memref<1x64x256xf32, #tpu.memory_space<hbm>> -> memref<64x256xf32, #tpu.memory_space<hbm>>
    tpu.wait_dma2 semaphore(%dma_wait3A_2304 : memref<!tpu.dma_semaphore, #tpu.memory_space<semaphore_mem>>) src(%dma_wait3A_2312 : memref<64x256xf32, #tpu.memory_space<hbm>>) dst(%dma_wait3A_2308 : memref<64x256xf32, #tpu.memory_space<vmem>>)
    %add3A_2313 = arith.constant 2 : i32
    %add3A_2314 = arith.addi %mul3A_2, %add3A_2313 : i32
    %jit3A_2315 = arith.constant 32 : i32
    %div3A_2316 = arith.divsi %add3A_2314, %jit3A_2315 : i32
    %sign3A_2317 = arith.constant 0 : i32
    %sign3A_2318 = arith.cmpi sgt, %add3A_2314, %sign3A_2317 : i32
    %sign3A_2319 = arith.extui %sign3A_2318 : i1 to i32
    %sign3A_2320 = arith.constant 0 : i32
    %sign3A_2321 = arith.cmpi slt, %add3A_2314, %sign3A_2320 : i32
    %sign3A_2322 = arith.extui %sign3A_2321 : i1 to i32
    %sign3A_2323 = arith.subi %sign3A_2319, %sign3A_2322 : i32
    %sign3A_2324 = arith.constant 0 : i32
    %sign3A_2325 = arith.cmpi sgt, %jit3A_2315, %sign3A_2324 : i32
    %sign3A_2326 = arith.extui %sign3A_2325 : i1 to i32
    %sign3A_2327 = arith.constant 0 : i32
    %sign3A_2328 = arith.cmpi slt, %jit3A_2315, %sign3A_2327 : i32
    %sign3A_2329 = arith.extui %sign3A_2328 : i1 to i32
    %sign3A_2330 = arith.subi %sign3A_2326, %sign3A_2329 : i32
    %ne3A_2331 = arith.cmpi ne, %sign3A_2323, %sign3A_2330 : i32
    %rem3A_2332 = arith.remsi %add3A_2314, %jit3A_2315 : i32
    %ne3A_2333 = arith.constant 0 : i32
    %ne3A_2334 = arith.cmpi ne, %rem3A_2332, %ne3A_2333 : i32
    %and3A_2335 = arith.andi %ne3A_2331, %ne3A_2334 : i1
    %sub3A_2336 = arith.constant 1 : i32
    %sub3A_2337 = arith.subi %div3A_2316, %sub3A_2336 : i32
    %select_n3A_2338 = arith.select %and3A_2335, %sub3A_2337, %div3A_2316 : i32
    %jit3A_2339 = arith.constant 32 : i32
    %eq3A_2340 = arith.constant 0 : i32
    %eq3A_2341 = arith.cmpi eq, %jit3A_2339, %eq3A_2340 : i32
    %jit3A_2342 = arith.constant 1 : i32
    %select_n3A_2343 = arith.select %eq3A_2341, %jit3A_2342, %jit3A_2339 : i32
    %rem3A_2344 = arith.remsi %add3A_2314, %select_n3A_2343 : i32
    %ne3A_2345 = arith.constant 0 : i32
    %ne3A_2346 = arith.cmpi ne, %rem3A_2344, %ne3A_2345 : i32
    %lt3A_2347 = arith.constant 0 : i32
    %lt3A_2348 = arith.cmpi slt, %rem3A_2344, %lt3A_2347 : i32
    %lt3A_2349 = arith.constant 0 : i32
    %lt3A_2350 = arith.cmpi slt, %select_n3A_2343, %lt3A_2349 : i32
    %ne3A_2351 = arith.xori %lt3A_2348, %lt3A_2350 : i1
    %and3A_2352 = arith.andi %ne3A_2351, %ne3A_2346 : i1
    %add3A_2353 = arith.addi %rem3A_2344, %select_n3A_2343 : i32
    %select_n3A_2354 = arith.select %and3A_2352, %add3A_2353, %rem3A_2344 : i32
    %mul3A_2355 = arith.constant 128 : i32
    %mul3A_2356 = arith.muli %select_n3A_2338, %mul3A_2355 : i32
    %mul3A_2357 = arith.constant 127 : i32
    %mul3A_2358 = arith.muli %select_n3A_2354, %mul3A_2357 : i32
    %jit3A_2359 = arith.constant 31 : i32
    %div3A_2360 = arith.divsi %mul3A_2358, %jit3A_2359 : i32
    %sign3A_2361 = arith.constant 0 : i32
    %sign3A_2362 = arith.cmpi sgt, %mul3A_2358, %sign3A_2361 : i32
    %sign3A_2363 = arith.extui %sign3A_2362 : i1 to i32
    %sign3A_2364 = arith.constant 0 : i32
    %sign3A_2365 = arith.cmpi slt, %mul3A_2358, %sign3A_2364 : i32
    %sign3A_2366 = arith.extui %sign3A_2365 : i1 to i32
    %sign3A_2367 = arith.subi %sign3A_2363, %sign3A_2366 : i32
    %sign3A_2368 = arith.constant 0 : i32
    %sign3A_2369 = arith.cmpi sgt, %jit3A_2359, %sign3A_2368 : i32
    %sign3A_2370 = arith.extui %sign3A_2369 : i1 to i32
    %sign3A_2371 = arith.constant 0 : i32
    %sign3A_2372 = arith.cmpi slt, %jit3A_2359, %sign3A_2371 : i32
    %sign3A_2373 = arith.extui %sign3A_2372 : i1 to i32
    %sign3A_2374 = arith.subi %sign3A_2370, %sign3A_2373 : i32
    %ne3A_2375 = arith.cmpi ne, %sign3A_2367, %sign3A_2374 : i32
    %rem3A_2376 = arith.remsi %mul3A_2358, %jit3A_2359 : i32
    %ne3A_2377 = arith.constant 0 : i32
    %ne3A_2378 = arith.cmpi ne, %rem3A_2376, %ne3A_2377 : i32
    %and3A_2379 = arith.andi %ne3A_2375, %ne3A_2378 : i1
    %sub3A_2380 = arith.constant 1 : i32
    %sub3A_2381 = arith.subi %div3A_2360, %sub3A_2380 : i32
    %select_n3A_2382 = arith.select %and3A_2379, %sub3A_2381, %div3A_2360 : i32
    %add3A_2383 = arith.addi %mul3A_2356, %select_n3A_2382 : i32
    %dma_start3A_2384 = arith.constant 3 : i32
    %dma_start3A_2385 = arith.constant 3 : i32
    %dma_start3A_2386 = arith.constant 0 : i32
    %dma_start3A_2387 = arith.constant 0 : i32
    %dma_start3A_2388 = tpu.memref_slice %arg4[%dma_start3A_2384, %dma_start3A_2386, %dma_start3A_2387] : memref<7x64x256xf32, #tpu.memory_space<vmem>> -> memref<1x64x256xf32, #tpu.memory_space<vmem>>
    %dma_start3A_2389 = tpu.memref_squeeze %dma_start3A_2388 : memref<1x64x256xf32, #tpu.memory_space<vmem>> -> memref<64x256xf32, #tpu.memory_space<vmem>>
    %dma_start3A_2390 = arith.constant 128 : i32
    %dma_start3A_2391 = arith.constant 0 : i32
    %dma_start3A_2392 = tpu.memref_slice %arg3[%add3A_2314, %dma_start3A_2390, %dma_start3A_2391] : memref<96x256x256xf32, #tpu.memory_space<hbm>> -> memref<1x64x256xf32, #tpu.memory_space<hbm>>
    %dma_start3A_2393 = tpu.memref_squeeze %dma_start3A_2392 : memref<1x64x256xf32, #tpu.memory_space<hbm>> -> memref<64x256xf32, #tpu.memory_space<hbm>>
    %dma_start3A_2394 = tpu.memref_slice %arg6[%dma_start3A_2385] : memref<7x!tpu.dma_semaphore, #tpu.memory_space<semaphore_mem>> -> memref<1x!tpu.dma_semaphore, #tpu.memory_space<semaphore_mem>>
    %dma_start3A_2395 = tpu.memref_squeeze %dma_start3A_2394 : memref<1x!tpu.dma_semaphore, #tpu.memory_space<semaphore_mem>> -> memref<!tpu.dma_semaphore, #tpu.memory_space<semaphore_mem>>
    %dma_start3A_2396 = arith.constant 128 : i32
    %dma_start3A_2397 = arith.constant 0 : i32
    %dma_start3A_2398 = tpu.memref_slice %arg3[%add3A_2314, %dma_start3A_2396, %dma_start3A_2397] : memref<96x256x256xf32, #tpu.memory_space<hbm>> -> memref<1x64x256xf32, #tpu.memory_space<hbm>>
    %dma_start3A_2399 = tpu.memref_squeeze %dma_start3A_2398 : memref<1x64x256xf32, #tpu.memory_space<hbm>> -> memref<64x256xf32, #tpu.memory_space<hbm>>
    %dma_start3A_2400 = arith.constant 0 : i32
    %dma_start3A_2401 = arith.constant 0 : i32
    %dma_start3A_2402 = tpu.memref_slice %arg4[%dma_start3A_2384, %dma_start3A_2400, %dma_start3A_2401] : memref<7x64x256xf32, #tpu.memory_space<vmem>> -> memref<1x64x256xf32, #tpu.memory_space<vmem>>
    %dma_start3A_2403 = tpu.memref_squeeze %dma_start3A_2402 : memref<1x64x256xf32, #tpu.memory_space<vmem>> -> memref<64x256xf32, #tpu.memory_space<vmem>>
    tpu.enqueue_dma source(%dma_start3A_2403 : memref<64x256xf32, #tpu.memory_space<vmem>>) target(%dma_start3A_2399 : memref<64x256xf32, #tpu.memory_space<hbm>>) target_semaphore(%dma_start3A_2395 : memref<!tpu.dma_semaphore, #tpu.memory_space<semaphore_mem>>)
    %dma_wait3A_2404 = arith.constant 4 : i32
    %dma_wait3A_2405 = arith.constant 4 : i32
    %dma_wait3A_2406 = arith.constant 0 : i32
    %dma_wait3A_2407 = arith.constant 0 : i32
    %dma_wait3A_2408 = tpu.memref_slice %arg4[%dma_wait3A_2404, %dma_wait3A_2406, %dma_wait3A_2407] : memref<7x64x256xf32, #tpu.memory_space<vmem>> -> memref<1x64x256xf32, #tpu.memory_space<vmem>>
    %dma_wait3A_2409 = tpu.memref_squeeze %dma_wait3A_2408 : memref<1x64x256xf32, #tpu.memory_space<vmem>> -> memref<64x256xf32, #tpu.memory_space<vmem>>
    %dma_wait3A_2410 = arith.constant 192 : i32
    %dma_wait3A_2411 = arith.constant 0 : i32
    %dma_wait3A_2412 = tpu.memref_slice %arg2[%add3A_1717, %dma_wait3A_2410, %dma_wait3A_2411] : memref<384x256x256xf32, #tpu.memory_space<hbm>> -> memref<1x64x256xf32, #tpu.memory_space<hbm>>
    %dma_wait3A_2413 = tpu.memref_squeeze %dma_wait3A_2412 : memref<1x64x256xf32, #tpu.memory_space<hbm>> -> memref<64x256xf32, #tpu.memory_space<hbm>>
    %dma_wait3A_2414 = tpu.memref_slice %arg5[%dma_wait3A_2405] : memref<7x!tpu.dma_semaphore, #tpu.memory_space<semaphore_mem>> -> memref<1x!tpu.dma_semaphore, #tpu.memory_space<semaphore_mem>>
    %dma_wait3A_2415 = tpu.memref_squeeze %dma_wait3A_2414 : memref<1x!tpu.dma_semaphore, #tpu.memory_space<semaphore_mem>> -> memref<!tpu.dma_semaphore, #tpu.memory_space<semaphore_mem>>
    %dma_wait3A_2416 = arith.constant 0 : i32
    %dma_wait3A_2417 = arith.constant 0 : i32
    %dma_wait3A_2418 = tpu.memref_slice %arg4[%dma_wait3A_2404, %dma_wait3A_2416, %dma_wait3A_2417] : memref<7x64x256xf32, #tpu.memory_space<vmem>> -> memref<1x64x256xf32, #tpu.memory_space<vmem>>
    %dma_wait3A_2419 = tpu.memref_squeeze %dma_wait3A_2418 : memref<1x64x256xf32, #tpu.memory_space<vmem>> -> memref<64x256xf32, #tpu.memory_space<vmem>>
    %dma_wait3A_2420 = arith.constant 192 : i32
    %dma_wait3A_2421 = arith.constant 0 : i32
    %dma_wait3A_2422 = tpu.memref_slice %arg2[%add3A_1717, %dma_wait3A_2420, %dma_wait3A_2421] : memref<384x256x256xf32, #tpu.memory_space<hbm>> -> memref<1x64x256xf32, #tpu.memory_space<hbm>>
    %dma_wait3A_2423 = tpu.memref_squeeze %dma_wait3A_2422 : memref<1x64x256xf32, #tpu.memory_space<hbm>> -> memref<64x256xf32, #tpu.memory_space<hbm>>
    tpu.wait_dma2 semaphore(%dma_wait3A_2415 : memref<!tpu.dma_semaphore, #tpu.memory_space<semaphore_mem>>) src(%dma_wait3A_2423 : memref<64x256xf32, #tpu.memory_space<hbm>>) dst(%dma_wait3A_2419 : memref<64x256xf32, #tpu.memory_space<vmem>>)
    %add3A_2424 = arith.constant 2 : i32
    %add3A_2425 = arith.addi %mul3A_2, %add3A_2424 : i32
    %jit3A_2426 = arith.constant 32 : i32
    %div3A_2427 = arith.divsi %add3A_2425, %jit3A_2426 : i32
    %sign3A_2428 = arith.constant 0 : i32
    %sign3A_2429 = arith.cmpi sgt, %add3A_2425, %sign3A_2428 : i32
    %sign3A_2430 = arith.extui %sign3A_2429 : i1 to i32
    %sign3A_2431 = arith.constant 0 : i32
    %sign3A_2432 = arith.cmpi slt, %add3A_2425, %sign3A_2431 : i32
    %sign3A_2433 = arith.extui %sign3A_2432 : i1 to i32
    %sign3A_2434 = arith.subi %sign3A_2430, %sign3A_2433 : i32
    %sign3A_2435 = arith.constant 0 : i32
    %sign3A_2436 = arith.cmpi sgt, %jit3A_2426, %sign3A_2435 : i32
    %sign3A_2437 = arith.extui %sign3A_2436 : i1 to i32
    %sign3A_2438 = arith.constant 0 : i32
    %sign3A_2439 = arith.cmpi slt, %jit3A_2426, %sign3A_2438 : i32
    %sign3A_2440 = arith.extui %sign3A_2439 : i1 to i32
    %sign3A_2441 = arith.subi %sign3A_2437, %sign3A_2440 : i32
    %ne3A_2442 = arith.cmpi ne, %sign3A_2434, %sign3A_2441 : i32
    %rem3A_2443 = arith.remsi %add3A_2425, %jit3A_2426 : i32
    %ne3A_2444 = arith.constant 0 : i32
    %ne3A_2445 = arith.cmpi ne, %rem3A_2443, %ne3A_2444 : i32
    %and3A_2446 = arith.andi %ne3A_2442, %ne3A_2445 : i1
    %sub3A_2447 = arith.constant 1 : i32
    %sub3A_2448 = arith.subi %div3A_2427, %sub3A_2447 : i32
    %select_n3A_2449 = arith.select %and3A_2446, %sub3A_2448, %div3A_2427 : i32
    %jit3A_2450 = arith.constant 32 : i32
    %eq3A_2451 = arith.constant 0 : i32
    %eq3A_2452 = arith.cmpi eq, %jit3A_2450, %eq3A_2451 : i32
    %jit3A_2453 = arith.constant 1 : i32
    %select_n3A_2454 = arith.select %eq3A_2452, %jit3A_2453, %jit3A_2450 : i32
    %rem3A_2455 = arith.remsi %add3A_2425, %select_n3A_2454 : i32
    %ne3A_2456 = arith.constant 0 : i32
    %ne3A_2457 = arith.cmpi ne, %rem3A_2455, %ne3A_2456 : i32
    %lt3A_2458 = arith.constant 0 : i32
    %lt3A_2459 = arith.cmpi slt, %rem3A_2455, %lt3A_2458 : i32
    %lt3A_2460 = arith.constant 0 : i32
    %lt3A_2461 = arith.cmpi slt, %select_n3A_2454, %lt3A_2460 : i32
    %ne3A_2462 = arith.xori %lt3A_2459, %lt3A_2461 : i1
    %and3A_2463 = arith.andi %ne3A_2462, %ne3A_2457 : i1
    %add3A_2464 = arith.addi %rem3A_2455, %select_n3A_2454 : i32
    %select_n3A_2465 = arith.select %and3A_2463, %add3A_2464, %rem3A_2455 : i32
    %mul3A_2466 = arith.constant 128 : i32
    %mul3A_2467 = arith.muli %select_n3A_2449, %mul3A_2466 : i32
    %mul3A_2468 = arith.constant 127 : i32
    %mul3A_2469 = arith.muli %select_n3A_2465, %mul3A_2468 : i32
    %jit3A_2470 = arith.constant 31 : i32
    %div3A_2471 = arith.divsi %mul3A_2469, %jit3A_2470 : i32
    %sign3A_2472 = arith.constant 0 : i32
    %sign3A_2473 = arith.cmpi sgt, %mul3A_2469, %sign3A_2472 : i32
    %sign3A_2474 = arith.extui %sign3A_2473 : i1 to i32
    %sign3A_2475 = arith.constant 0 : i32
    %sign3A_2476 = arith.cmpi slt, %mul3A_2469, %sign3A_2475 : i32
    %sign3A_2477 = arith.extui %sign3A_2476 : i1 to i32
    %sign3A_2478 = arith.subi %sign3A_2474, %sign3A_2477 : i32
    %sign3A_2479 = arith.constant 0 : i32
    %sign3A_2480 = arith.cmpi sgt, %jit3A_2470, %sign3A_2479 : i32
    %sign3A_2481 = arith.extui %sign3A_2480 : i1 to i32
    %sign3A_2482 = arith.constant 0 : i32
    %sign3A_2483 = arith.cmpi slt, %jit3A_2470, %sign3A_2482 : i32
    %sign3A_2484 = arith.extui %sign3A_2483 : i1 to i32
    %sign3A_2485 = arith.subi %sign3A_2481, %sign3A_2484 : i32
    %ne3A_2486 = arith.cmpi ne, %sign3A_2478, %sign3A_2485 : i32
    %rem3A_2487 = arith.remsi %mul3A_2469, %jit3A_2470 : i32
    %ne3A_2488 = arith.constant 0 : i32
    %ne3A_2489 = arith.cmpi ne, %rem3A_2487, %ne3A_2488 : i32
    %and3A_2490 = arith.andi %ne3A_2486, %ne3A_2489 : i1
    %sub3A_2491 = arith.constant 1 : i32
    %sub3A_2492 = arith.subi %div3A_2471, %sub3A_2491 : i32
    %select_n3A_2493 = arith.select %and3A_2490, %sub3A_2492, %div3A_2471 : i32
    %add3A_2494 = arith.addi %mul3A_2467, %select_n3A_2493 : i32
    %dma_start3A_2495 = arith.constant 4 : i32
    %dma_start3A_2496 = arith.constant 4 : i32
    %dma_start3A_2497 = arith.constant 0 : i32
    %dma_start3A_2498 = arith.constant 0 : i32
    %dma_start3A_2499 = tpu.memref_slice %arg4[%dma_start3A_2495, %dma_start3A_2497, %dma_start3A_2498] : memref<7x64x256xf32, #tpu.memory_space<vmem>> -> memref<1x64x256xf32, #tpu.memory_space<vmem>>
    %dma_start3A_2500 = tpu.memref_squeeze %dma_start3A_2499 : memref<1x64x256xf32, #tpu.memory_space<vmem>> -> memref<64x256xf32, #tpu.memory_space<vmem>>
    %dma_start3A_2501 = arith.constant 192 : i32
    %dma_start3A_2502 = arith.constant 0 : i32
    %dma_start3A_2503 = tpu.memref_slice %arg3[%add3A_2425, %dma_start3A_2501, %dma_start3A_2502] : memref<96x256x256xf32, #tpu.memory_space<hbm>> -> memref<1x64x256xf32, #tpu.memory_space<hbm>>
    %dma_start3A_2504 = tpu.memref_squeeze %dma_start3A_2503 : memref<1x64x256xf32, #tpu.memory_space<hbm>> -> memref<64x256xf32, #tpu.memory_space<hbm>>
    %dma_start3A_2505 = tpu.memref_slice %arg6[%dma_start3A_2496] : memref<7x!tpu.dma_semaphore, #tpu.memory_space<semaphore_mem>> -> memref<1x!tpu.dma_semaphore, #tpu.memory_space<semaphore_mem>>
    %dma_start3A_2506 = tpu.memref_squeeze %dma_start3A_2505 : memref<1x!tpu.dma_semaphore, #tpu.memory_space<semaphore_mem>> -> memref<!tpu.dma_semaphore, #tpu.memory_space<semaphore_mem>>
    %dma_start3A_2507 = arith.constant 192 : i32
    %dma_start3A_2508 = arith.constant 0 : i32
    %dma_start3A_2509 = tpu.memref_slice %arg3[%add3A_2425, %dma_start3A_2507, %dma_start3A_2508] : memref<96x256x256xf32, #tpu.memory_space<hbm>> -> memref<1x64x256xf32, #tpu.memory_space<hbm>>
    %dma_start3A_2510 = tpu.memref_squeeze %dma_start3A_2509 : memref<1x64x256xf32, #tpu.memory_space<hbm>> -> memref<64x256xf32, #tpu.memory_space<hbm>>
    %dma_start3A_2511 = arith.constant 0 : i32
    %dma_start3A_2512 = arith.constant 0 : i32
    %dma_start3A_2513 = tpu.memref_slice %arg4[%dma_start3A_2495, %dma_start3A_2511, %dma_start3A_2512] : memref<7x64x256xf32, #tpu.memory_space<vmem>> -> memref<1x64x256xf32, #tpu.memory_space<vmem>>
    %dma_start3A_2514 = tpu.memref_squeeze %dma_start3A_2513 : memref<1x64x256xf32, #tpu.memory_space<vmem>> -> memref<64x256xf32, #tpu.memory_space<vmem>>
    tpu.enqueue_dma source(%dma_start3A_2514 : memref<64x256xf32, #tpu.memory_space<vmem>>) target(%dma_start3A_2510 : memref<64x256xf32, #tpu.memory_space<hbm>>) target_semaphore(%dma_start3A_2506 : memref<!tpu.dma_semaphore, #tpu.memory_space<semaphore_mem>>)
    %dma_wait3A_2515 = arith.constant 5 : i32
    %dma_wait3A_2516 = arith.constant 5 : i32
    %dma_wait3A_2517 = arith.constant 0 : i32
    %dma_wait3A_2518 = arith.constant 0 : i32
    %dma_wait3A_2519 = tpu.memref_slice %arg4[%dma_wait3A_2515, %dma_wait3A_2517, %dma_wait3A_2518] : memref<7x64x256xf32, #tpu.memory_space<vmem>> -> memref<1x64x256xf32, #tpu.memory_space<vmem>>
    %dma_wait3A_2520 = tpu.memref_squeeze %dma_wait3A_2519 : memref<1x64x256xf32, #tpu.memory_space<vmem>> -> memref<64x256xf32, #tpu.memory_space<vmem>>
    %dma_wait3A_2521 = arith.constant 64 : i32
    %dma_wait3A_2522 = arith.constant 0 : i32
    %dma_wait3A_2523 = tpu.memref_slice %arg3[%add3A_1759, %dma_wait3A_2521, %dma_wait3A_2522] : memref<96x256x256xf32, #tpu.memory_space<hbm>> -> memref<1x64x256xf32, #tpu.memory_space<hbm>>
    %dma_wait3A_2524 = tpu.memref_squeeze %dma_wait3A_2523 : memref<1x64x256xf32, #tpu.memory_space<hbm>> -> memref<64x256xf32, #tpu.memory_space<hbm>>
    %dma_wait3A_2525 = tpu.memref_slice %arg6[%dma_wait3A_2516] : memref<7x!tpu.dma_semaphore, #tpu.memory_space<semaphore_mem>> -> memref<1x!tpu.dma_semaphore, #tpu.memory_space<semaphore_mem>>
    %dma_wait3A_2526 = tpu.memref_squeeze %dma_wait3A_2525 : memref<1x!tpu.dma_semaphore, #tpu.memory_space<semaphore_mem>> -> memref<!tpu.dma_semaphore, #tpu.memory_space<semaphore_mem>>
    %dma_wait3A_2527 = arith.constant 64 : i32
    %dma_wait3A_2528 = arith.constant 0 : i32
    %dma_wait3A_2529 = tpu.memref_slice %arg3[%add3A_1759, %dma_wait3A_2527, %dma_wait3A_2528] : memref<96x256x256xf32, #tpu.memory_space<hbm>> -> memref<1x64x256xf32, #tpu.memory_space<hbm>>
    %dma_wait3A_2530 = tpu.memref_squeeze %dma_wait3A_2529 : memref<1x64x256xf32, #tpu.memory_space<hbm>> -> memref<64x256xf32, #tpu.memory_space<hbm>>
    %dma_wait3A_2531 = arith.constant 0 : i32
    %dma_wait3A_2532 = arith.constant 0 : i32
    %dma_wait3A_2533 = tpu.memref_slice %arg4[%dma_wait3A_2515, %dma_wait3A_2531, %dma_wait3A_2532] : memref<7x64x256xf32, #tpu.memory_space<vmem>> -> memref<1x64x256xf32, #tpu.memory_space<vmem>>
    %dma_wait3A_2534 = tpu.memref_squeeze %dma_wait3A_2533 : memref<1x64x256xf32, #tpu.memory_space<vmem>> -> memref<64x256xf32, #tpu.memory_space<vmem>>
    tpu.wait_dma2 semaphore(%dma_wait3A_2526 : memref<!tpu.dma_semaphore, #tpu.memory_space<semaphore_mem>>) src(%dma_wait3A_2534 : memref<64x256xf32, #tpu.memory_space<vmem>>) dst(%dma_wait3A_2530 : memref<64x256xf32, #tpu.memory_space<hbm>>)
    %dma_wait3A_2535 = arith.constant 6 : i32
    %dma_wait3A_2536 = arith.constant 6 : i32
    %dma_wait3A_2537 = arith.constant 0 : i32
    %dma_wait3A_2538 = arith.constant 0 : i32
    %dma_wait3A_2539 = tpu.memref_slice %arg4[%dma_wait3A_2535, %dma_wait3A_2537, %dma_wait3A_2538] : memref<7x64x256xf32, #tpu.memory_space<vmem>> -> memref<1x64x256xf32, #tpu.memory_space<vmem>>
    %dma_wait3A_2540 = tpu.memref_squeeze %dma_wait3A_2539 : memref<1x64x256xf32, #tpu.memory_space<vmem>> -> memref<64x256xf32, #tpu.memory_space<vmem>>
    %dma_wait3A_2541 = arith.constant 128 : i32
    %dma_wait3A_2542 = arith.constant 0 : i32
    %dma_wait3A_2543 = tpu.memref_slice %arg3[%add3A_1870, %dma_wait3A_2541, %dma_wait3A_2542] : memref<96x256x256xf32, #tpu.memory_space<hbm>> -> memref<1x64x256xf32, #tpu.memory_space<hbm>>
    %dma_wait3A_2544 = tpu.memref_squeeze %dma_wait3A_2543 : memref<1x64x256xf32, #tpu.memory_space<hbm>> -> memref<64x256xf32, #tpu.memory_space<hbm>>
    %dma_wait3A_2545 = tpu.memref_slice %arg6[%dma_wait3A_2536] : memref<7x!tpu.dma_semaphore, #tpu.memory_space<semaphore_mem>> -> memref<1x!tpu.dma_semaphore, #tpu.memory_space<semaphore_mem>>
    %dma_wait3A_2546 = tpu.memref_squeeze %dma_wait3A_2545 : memref<1x!tpu.dma_semaphore, #tpu.memory_space<semaphore_mem>> -> memref<!tpu.dma_semaphore, #tpu.memory_space<semaphore_mem>>
    %dma_wait3A_2547 = arith.constant 128 : i32
    %dma_wait3A_2548 = arith.constant 0 : i32
    %dma_wait3A_2549 = tpu.memref_slice %arg3[%add3A_1870, %dma_wait3A_2547, %dma_wait3A_2548] : memref<96x256x256xf32, #tpu.memory_space<hbm>> -> memref<1x64x256xf32, #tpu.memory_space<hbm>>
    %dma_wait3A_2550 = tpu.memref_squeeze %dma_wait3A_2549 : memref<1x64x256xf32, #tpu.memory_space<hbm>> -> memref<64x256xf32, #tpu.memory_space<hbm>>
    %dma_wait3A_2551 = arith.constant 0 : i32
    %dma_wait3A_2552 = arith.constant 0 : i32
    %dma_wait3A_2553 = tpu.memref_slice %arg4[%dma_wait3A_2535, %dma_wait3A_2551, %dma_wait3A_2552] : memref<7x64x256xf32, #tpu.memory_space<vmem>> -> memref<1x64x256xf32, #tpu.memory_space<vmem>>
    %dma_wait3A_2554 = tpu.memref_squeeze %dma_wait3A_2553 : memref<1x64x256xf32, #tpu.memory_space<vmem>> -> memref<64x256xf32, #tpu.memory_space<vmem>>
    tpu.wait_dma2 semaphore(%dma_wait3A_2546 : memref<!tpu.dma_semaphore, #tpu.memory_space<semaphore_mem>>) src(%dma_wait3A_2554 : memref<64x256xf32, #tpu.memory_space<vmem>>) dst(%dma_wait3A_2550 : memref<64x256xf32, #tpu.memory_space<hbm>>)
    %dma_wait3A_2555 = arith.constant 0 : i32
    %dma_wait3A_2556 = arith.constant 0 : i32
    %dma_wait3A_2557 = arith.constant 0 : i32
    %dma_wait3A_2558 = arith.constant 0 : i32
    %dma_wait3A_2559 = tpu.memref_slice %arg4[%dma_wait3A_2555, %dma_wait3A_2557, %dma_wait3A_2558] : memref<7x64x256xf32, #tpu.memory_space<vmem>> -> memref<1x64x256xf32, #tpu.memory_space<vmem>>
    %dma_wait3A_2560 = tpu.memref_squeeze %dma_wait3A_2559 : memref<1x64x256xf32, #tpu.memory_space<vmem>> -> memref<64x256xf32, #tpu.memory_space<vmem>>
    %dma_wait3A_2561 = arith.constant 192 : i32
    %dma_wait3A_2562 = arith.constant 0 : i32
    %dma_wait3A_2563 = tpu.memref_slice %arg3[%add3A_1981, %dma_wait3A_2561, %dma_wait3A_2562] : memref<96x256x256xf32, #tpu.memory_space<hbm>> -> memref<1x64x256xf32, #tpu.memory_space<hbm>>
    %dma_wait3A_2564 = tpu.memref_squeeze %dma_wait3A_2563 : memref<1x64x256xf32, #tpu.memory_space<hbm>> -> memref<64x256xf32, #tpu.memory_space<hbm>>
    %dma_wait3A_2565 = tpu.memref_slice %arg6[%dma_wait3A_2556] : memref<7x!tpu.dma_semaphore, #tpu.memory_space<semaphore_mem>> -> memref<1x!tpu.dma_semaphore, #tpu.memory_space<semaphore_mem>>
    %dma_wait3A_2566 = tpu.memref_squeeze %dma_wait3A_2565 : memref<1x!tpu.dma_semaphore, #tpu.memory_space<semaphore_mem>> -> memref<!tpu.dma_semaphore, #tpu.memory_space<semaphore_mem>>
    %dma_wait3A_2567 = arith.constant 192 : i32
    %dma_wait3A_2568 = arith.constant 0 : i32
    %dma_wait3A_2569 = tpu.memref_slice %arg3[%add3A_1981, %dma_wait3A_2567, %dma_wait3A_2568] : memref<96x256x256xf32, #tpu.memory_space<hbm>> -> memref<1x64x256xf32, #tpu.memory_space<hbm>>
    %dma_wait3A_2570 = tpu.memref_squeeze %dma_wait3A_2569 : memref<1x64x256xf32, #tpu.memory_space<hbm>> -> memref<64x256xf32, #tpu.memory_space<hbm>>
    %dma_wait3A_2571 = arith.constant 0 : i32
    %dma_wait3A_2572 = arith.constant 0 : i32
    %dma_wait3A_2573 = tpu.memref_slice %arg4[%dma_wait3A_2555, %dma_wait3A_2571, %dma_wait3A_2572] : memref<7x64x256xf32, #tpu.memory_space<vmem>> -> memref<1x64x256xf32, #tpu.memory_space<vmem>>
    %dma_wait3A_2574 = tpu.memref_squeeze %dma_wait3A_2573 : memref<1x64x256xf32, #tpu.memory_space<vmem>> -> memref<64x256xf32, #tpu.memory_space<vmem>>
    tpu.wait_dma2 semaphore(%dma_wait3A_2566 : memref<!tpu.dma_semaphore, #tpu.memory_space<semaphore_mem>>) src(%dma_wait3A_2574 : memref<64x256xf32, #tpu.memory_space<vmem>>) dst(%dma_wait3A_2570 : memref<64x256xf32, #tpu.memory_space<hbm>>)
    %dma_wait3A_2575 = arith.constant 1 : i32
    %dma_wait3A_2576 = arith.constant 1 : i32
    %dma_wait3A_2577 = arith.constant 0 : i32
    %dma_wait3A_2578 = arith.constant 0 : i32
    %dma_wait3A_2579 = tpu.memref_slice %arg4[%dma_wait3A_2575, %dma_wait3A_2577, %dma_wait3A_2578] : memref<7x64x256xf32, #tpu.memory_space<vmem>> -> memref<1x64x256xf32, #tpu.memory_space<vmem>>
    %dma_wait3A_2580 = tpu.memref_squeeze %dma_wait3A_2579 : memref<1x64x256xf32, #tpu.memory_space<vmem>> -> memref<64x256xf32, #tpu.memory_space<vmem>>
    %dma_wait3A_2581 = arith.constant 0 : i32
    %dma_wait3A_2582 = arith.constant 0 : i32
    %dma_wait3A_2583 = tpu.memref_slice %arg3[%add3A_2092, %dma_wait3A_2581, %dma_wait3A_2582] : memref<96x256x256xf32, #tpu.memory_space<hbm>> -> memref<1x64x256xf32, #tpu.memory_space<hbm>>
    %dma_wait3A_2584 = tpu.memref_squeeze %dma_wait3A_2583 : memref<1x64x256xf32, #tpu.memory_space<hbm>> -> memref<64x256xf32, #tpu.memory_space<hbm>>
    %dma_wait3A_2585 = tpu.memref_slice %arg6[%dma_wait3A_2576] : memref<7x!tpu.dma_semaphore, #tpu.memory_space<semaphore_mem>> -> memref<1x!tpu.dma_semaphore, #tpu.memory_space<semaphore_mem>>
    %dma_wait3A_2586 = tpu.memref_squeeze %dma_wait3A_2585 : memref<1x!tpu.dma_semaphore, #tpu.memory_space<semaphore_mem>> -> memref<!tpu.dma_semaphore, #tpu.memory_space<semaphore_mem>>
    %dma_wait3A_2587 = arith.constant 0 : i32
    %dma_wait3A_2588 = arith.constant 0 : i32
    %dma_wait3A_2589 = tpu.memref_slice %arg3[%add3A_2092, %dma_wait3A_2587, %dma_wait3A_2588] : memref<96x256x256xf32, #tpu.memory_space<hbm>> -> memref<1x64x256xf32, #tpu.memory_space<hbm>>
    %dma_wait3A_2590 = tpu.memref_squeeze %dma_wait3A_2589 : memref<1x64x256xf32, #tpu.memory_space<hbm>> -> memref<64x256xf32, #tpu.memory_space<hbm>>
    %dma_wait3A_2591 = arith.constant 0 : i32
    %dma_wait3A_2592 = arith.constant 0 : i32
    %dma_wait3A_2593 = tpu.memref_slice %arg4[%dma_wait3A_2575, %dma_wait3A_2591, %dma_wait3A_2592] : memref<7x64x256xf32, #tpu.memory_space<vmem>> -> memref<1x64x256xf32, #tpu.memory_space<vmem>>
    %dma_wait3A_2594 = tpu.memref_squeeze %dma_wait3A_2593 : memref<1x64x256xf32, #tpu.memory_space<vmem>> -> memref<64x256xf32, #tpu.memory_space<vmem>>
    tpu.wait_dma2 semaphore(%dma_wait3A_2586 : memref<!tpu.dma_semaphore, #tpu.memory_space<semaphore_mem>>) src(%dma_wait3A_2594 : memref<64x256xf32, #tpu.memory_space<vmem>>) dst(%dma_wait3A_2590 : memref<64x256xf32, #tpu.memory_space<hbm>>)
    %dma_wait3A_2595 = arith.constant 2 : i32
    %dma_wait3A_2596 = arith.constant 2 : i32
    %dma_wait3A_2597 = arith.constant 0 : i32
    %dma_wait3A_2598 = arith.constant 0 : i32
    %dma_wait3A_2599 = tpu.memref_slice %arg4[%dma_wait3A_2595, %dma_wait3A_2597, %dma_wait3A_2598] : memref<7x64x256xf32, #tpu.memory_space<vmem>> -> memref<1x64x256xf32, #tpu.memory_space<vmem>>
    %dma_wait3A_2600 = tpu.memref_squeeze %dma_wait3A_2599 : memref<1x64x256xf32, #tpu.memory_space<vmem>> -> memref<64x256xf32, #tpu.memory_space<vmem>>
    %dma_wait3A_2601 = arith.constant 64 : i32
    %dma_wait3A_2602 = arith.constant 0 : i32
    %dma_wait3A_2603 = tpu.memref_slice %arg3[%add3A_2203, %dma_wait3A_2601, %dma_wait3A_2602] : memref<96x256x256xf32, #tpu.memory_space<hbm>> -> memref<1x64x256xf32, #tpu.memory_space<hbm>>
    %dma_wait3A_2604 = tpu.memref_squeeze %dma_wait3A_2603 : memref<1x64x256xf32, #tpu.memory_space<hbm>> -> memref<64x256xf32, #tpu.memory_space<hbm>>
    %dma_wait3A_2605 = tpu.memref_slice %arg6[%dma_wait3A_2596] : memref<7x!tpu.dma_semaphore, #tpu.memory_space<semaphore_mem>> -> memref<1x!tpu.dma_semaphore, #tpu.memory_space<semaphore_mem>>
    %dma_wait3A_2606 = tpu.memref_squeeze %dma_wait3A_2605 : memref<1x!tpu.dma_semaphore, #tpu.memory_space<semaphore_mem>> -> memref<!tpu.dma_semaphore, #tpu.memory_space<semaphore_mem>>
    %dma_wait3A_2607 = arith.constant 64 : i32
    %dma_wait3A_2608 = arith.constant 0 : i32
    %dma_wait3A_2609 = tpu.memref_slice %arg3[%add3A_2203, %dma_wait3A_2607, %dma_wait3A_2608] : memref<96x256x256xf32, #tpu.memory_space<hbm>> -> memref<1x64x256xf32, #tpu.memory_space<hbm>>
    %dma_wait3A_2610 = tpu.memref_squeeze %dma_wait3A_2609 : memref<1x64x256xf32, #tpu.memory_space<hbm>> -> memref<64x256xf32, #tpu.memory_space<hbm>>
    %dma_wait3A_2611 = arith.constant 0 : i32
    %dma_wait3A_2612 = arith.constant 0 : i32
    %dma_wait3A_2613 = tpu.memref_slice %arg4[%dma_wait3A_2595, %dma_wait3A_2611, %dma_wait3A_2612] : memref<7x64x256xf32, #tpu.memory_space<vmem>> -> memref<1x64x256xf32, #tpu.memory_space<vmem>>
    %dma_wait3A_2614 = tpu.memref_squeeze %dma_wait3A_2613 : memref<1x64x256xf32, #tpu.memory_space<vmem>> -> memref<64x256xf32, #tpu.memory_space<vmem>>
    tpu.wait_dma2 semaphore(%dma_wait3A_2606 : memref<!tpu.dma_semaphore, #tpu.memory_space<semaphore_mem>>) src(%dma_wait3A_2614 : memref<64x256xf32, #tpu.memory_space<vmem>>) dst(%dma_wait3A_2610 : memref<64x256xf32, #tpu.memory_space<hbm>>)
    %dma_wait3A_2615 = arith.constant 3 : i32
    %dma_wait3A_2616 = arith.constant 3 : i32
    %dma_wait3A_2617 = arith.constant 0 : i32
    %dma_wait3A_2618 = arith.constant 0 : i32
    %dma_wait3A_2619 = tpu.memref_slice %arg4[%dma_wait3A_2615, %dma_wait3A_2617, %dma_wait3A_2618] : memref<7x64x256xf32, #tpu.memory_space<vmem>> -> memref<1x64x256xf32, #tpu.memory_space<vmem>>
    %dma_wait3A_2620 = tpu.memref_squeeze %dma_wait3A_2619 : memref<1x64x256xf32, #tpu.memory_space<vmem>> -> memref<64x256xf32, #tpu.memory_space<vmem>>
    %dma_wait3A_2621 = arith.constant 128 : i32
    %dma_wait3A_2622 = arith.constant 0 : i32
    %dma_wait3A_2623 = tpu.memref_slice %arg3[%add3A_2314, %dma_wait3A_2621, %dma_wait3A_2622] : memref<96x256x256xf32, #tpu.memory_space<hbm>> -> memref<1x64x256xf32, #tpu.memory_space<hbm>>
    %dma_wait3A_2624 = tpu.memref_squeeze %dma_wait3A_2623 : memref<1x64x256xf32, #tpu.memory_space<hbm>> -> memref<64x256xf32, #tpu.memory_space<hbm>>
    %dma_wait3A_2625 = tpu.memref_slice %arg6[%dma_wait3A_2616] : memref<7x!tpu.dma_semaphore, #tpu.memory_space<semaphore_mem>> -> memref<1x!tpu.dma_semaphore, #tpu.memory_space<semaphore_mem>>
    %dma_wait3A_2626 = tpu.memref_squeeze %dma_wait3A_2625 : memref<1x!tpu.dma_semaphore, #tpu.memory_space<semaphore_mem>> -> memref<!tpu.dma_semaphore, #tpu.memory_space<semaphore_mem>>
    %dma_wait3A_2627 = arith.constant 128 : i32
    %dma_wait3A_2628 = arith.constant 0 : i32
    %dma_wait3A_2629 = tpu.memref_slice %arg3[%add3A_2314, %dma_wait3A_2627, %dma_wait3A_2628] : memref<96x256x256xf32, #tpu.memory_space<hbm>> -> memref<1x64x256xf32, #tpu.memory_space<hbm>>
    %dma_wait3A_2630 = tpu.memref_squeeze %dma_wait3A_2629 : memref<1x64x256xf32, #tpu.memory_space<hbm>> -> memref<64x256xf32, #tpu.memory_space<hbm>>
    %dma_wait3A_2631 = arith.constant 0 : i32
    %dma_wait3A_2632 = arith.constant 0 : i32
    %dma_wait3A_2633 = tpu.memref_slice %arg4[%dma_wait3A_2615, %dma_wait3A_2631, %dma_wait3A_2632] : memref<7x64x256xf32, #tpu.memory_space<vmem>> -> memref<1x64x256xf32, #tpu.memory_space<vmem>>
    %dma_wait3A_2634 = tpu.memref_squeeze %dma_wait3A_2633 : memref<1x64x256xf32, #tpu.memory_space<vmem>> -> memref<64x256xf32, #tpu.memory_space<vmem>>
    tpu.wait_dma2 semaphore(%dma_wait3A_2626 : memref<!tpu.dma_semaphore, #tpu.memory_space<semaphore_mem>>) src(%dma_wait3A_2634 : memref<64x256xf32, #tpu.memory_space<vmem>>) dst(%dma_wait3A_2630 : memref<64x256xf32, #tpu.memory_space<hbm>>)
    %dma_wait3A_2635 = arith.constant 4 : i32
    %dma_wait3A_2636 = arith.constant 4 : i32
    %dma_wait3A_2637 = arith.constant 0 : i32
    %dma_wait3A_2638 = arith.constant 0 : i32
    %dma_wait3A_2639 = tpu.memref_slice %arg4[%dma_wait3A_2635, %dma_wait3A_2637, %dma_wait3A_2638] : memref<7x64x256xf32, #tpu.memory_space<vmem>> -> memref<1x64x256xf32, #tpu.memory_space<vmem>>
    %dma_wait3A_2640 = tpu.memref_squeeze %dma_wait3A_2639 : memref<1x64x256xf32, #tpu.memory_space<vmem>> -> memref<64x256xf32, #tpu.memory_space<vmem>>
    %dma_wait3A_2641 = arith.constant 192 : i32
    %dma_wait3A_2642 = arith.constant 0 : i32
    %dma_wait3A_2643 = tpu.memref_slice %arg3[%add3A_2425, %dma_wait3A_2641, %dma_wait3A_2642] : memref<96x256x256xf32, #tpu.memory_space<hbm>> -> memref<1x64x256xf32, #tpu.memory_space<hbm>>
    %dma_wait3A_2644 = tpu.memref_squeeze %dma_wait3A_2643 : memref<1x64x256xf32, #tpu.memory_space<hbm>> -> memref<64x256xf32, #tpu.memory_space<hbm>>
    %dma_wait3A_2645 = tpu.memref_slice %arg6[%dma_wait3A_2636] : memref<7x!tpu.dma_semaphore, #tpu.memory_space<semaphore_mem>> -> memref<1x!tpu.dma_semaphore, #tpu.memory_space<semaphore_mem>>
    %dma_wait3A_2646 = tpu.memref_squeeze %dma_wait3A_2645 : memref<1x!tpu.dma_semaphore, #tpu.memory_space<semaphore_mem>> -> memref<!tpu.dma_semaphore, #tpu.memory_space<semaphore_mem>>
    %dma_wait3A_2647 = arith.constant 192 : i32
    %dma_wait3A_2648 = arith.constant 0 : i32
    %dma_wait3A_2649 = tpu.memref_slice %arg3[%add3A_2425, %dma_wait3A_2647, %dma_wait3A_2648] : memref<96x256x256xf32, #tpu.memory_space<hbm>> -> memref<1x64x256xf32, #tpu.memory_space<hbm>>
    %dma_wait3A_2650 = tpu.memref_squeeze %dma_wait3A_2649 : memref<1x64x256xf32, #tpu.memory_space<hbm>> -> memref<64x256xf32, #tpu.memory_space<hbm>>
    %dma_wait3A_2651 = arith.constant 0 : i32
    %dma_wait3A_2652 = arith.constant 0 : i32
    %dma_wait3A_2653 = tpu.memref_slice %arg4[%dma_wait3A_2635, %dma_wait3A_2651, %dma_wait3A_2652] : memref<7x64x256xf32, #tpu.memory_space<vmem>> -> memref<1x64x256xf32, #tpu.memory_space<vmem>>
    %dma_wait3A_2654 = tpu.memref_squeeze %dma_wait3A_2653 : memref<1x64x256xf32, #tpu.memory_space<vmem>> -> memref<64x256xf32, #tpu.memory_space<vmem>>
    tpu.wait_dma2 semaphore(%dma_wait3A_2646 : memref<!tpu.dma_semaphore, #tpu.memory_space<semaphore_mem>>) src(%dma_wait3A_2654 : memref<64x256xf32, #tpu.memory_space<vmem>>) dst(%dma_wait3A_2650 : memref<64x256xf32, #tpu.memory_space<hbm>>)
    return
  }
}

</mosaic_0001>

<sc_bundles>
// kernel: kernel.3.cloned.1.call-start
scs
__scs_entry_jumppad:
0x0: {  	(pc) =	sbr.rel $0x88, $3  }
0x1: {  	(tag) =	ssettag $0x0;
	lr =	simm.s32 $0x1  }
0x2: {  	[smem:$0x3FA0] =	sst lr;
	_ =	strace $0xD0000000  }
0x3: {  	_ = 	snop  }
0x4: {  	_ = 	snop  }
0x5: {  	_ = 	snop  }
0x6: {  	_ = 	snop  }
0x7: {  	_ = 	snop  }
__scs_overlays_trampoline_lowered:
0x8: {  	[smem:$0x3FAF] =	sst s0  }
0x9: {  	[smem:$0x3FB0] =	sst s1  }
0xa: {  	[smem:$0x3FB1] =	sst s2  }
0xb: {  	[smem:$0x3FB2] =	sst s3  }
0xc: {  	[smem:$0x3FB3] =	sst s4  }
0xd: {  	[smem:$0x3FB4] =	sst s5  }
0xe: {  	[smem:$0x3FB5] =	sst s6  }
0xf: {  	[smem:$0x3FB6] =	sst s7  }
0x10: {  	[smem:$0x3FB7] =	sst s8  }
0x11: {  	[smem:$0x3FB8] =	sst s9;
	s0 =	simm.s32 @!p0 $0x0  }
0x12: {  	s1 =	sld [smem:$0x3F9E];
	s0 =	simm.s32 @p0 $0x1  }
0x13: {  	[smem:$0x3FB9] =	sst s0;
	s0 =	simm.s32 @!p1 $0x0  }
0x14: {  	s2 =	sld [smem:$0x3F9D];
	s0 =	simm.s32 @p1 $0x1  }
0x15: {  	[smem:$0x3FBA] =	sst s0;
	s0 =	simm.s32 @!p2 $0x0  }
0x16: {  	s3 =	sld [smem:$0x3FDB];
	s0 =	simm.s32 @p2 $0x1  }
0x17: {  	s4 =	simm.s32 $0x1BF5;
	[smem:$0x3FBC] =	sst s0  }
0x18: {  	s0 =	sld [smem:$0x3F9F];
	_ =	swait.ge [sflag:s4], $0x0  }
0x19: {  	s7 =	sld [smem:$0x3FA0]  }
0x1a: {  	s8 =	sadd.s32 $0xFFFFE003, lr  }
0x1b: {  	s9 =	sadd.s32 $0xFFFFFEF7, lr;
	s5 =	simm.s32 $0xFFFFFFFF;
	p2 =	slt.u32 s8, $0xFFFFF086  }
0x1c: {  	p1 =	slt.u32 s9, $0xF7A;
	s5 =	simm.s32 @!p2 $0x0  }
0x1d: {  	s5 =	simm.s32 @p1 $0x1;
	p0 =	seq.s32 s7, s2  }
0x1e: {  	s7 =	smul.u32 @!p0 $0xF7A, s2;
	p2 =	seq.s32 @!p0 s5, $0x0  }
0x1f: {  	s9 =	smul.u32 $0xF7A, s1;
	s8 =	simm.s32 @!p0 $0x1BF5;
	p2 =	por !p2, p0  }
0x20: {  	[sflag:s8] =	ssyncset.s32 @!p0 $0xFFFFF086;
	s6 =	sadd.s32 @!p0 s3, s7;
	s7 =	simm.s32 @!p0 $0x108  }
0x21: {  	s3 =	sadd.s32 s3, s9;
	s6 =	sadd.s32 @!p0 $0x88, s6;
	s7 =	simm.s32 @p2 $0x1082  }
0x22: {  	[simem:s7], [sflag:s8] =	dma.local @!p0 [hbm:s6], $0xF7A  }
0x23: {  	s9 =	sor.u32 $0xD0000000, s2;
	s6 =	simm.s32 $0x108;
	_ =	swait.ge @!p0 [sflag:s8], $0x0  }
0x24: {  	s3 =	sadd.s32 $0x88, s3;
	s6 =	simm.s32 @!p1 $0x1082;
	[sflag:s4] =	ssyncset.s32 $0xFFFFF086  }
0x25: {  	[simem:s6], [sflag:s4] =	dma.local [hbm:s3], $0xF7A  }
0x26: {  	[smem:$0x3FA0] =	sst s1;
	(tag) =	ssettag s2;
	_ =	strace s9  }
0x27: {  	s1 =	sld [smem:$0x3FB0]  }
0x28: {  	s2 =	sld [smem:$0x3FB1]  }
0x29: {  	s4 =	sld [smem:$0x3FB3]  }
0x2a: {  	p0 =	seq.s32 s5, $0x0;
	s5 =	sld [smem:$0x3FB4]  }
0x2b: {  	s6 =	sld [smem:$0x3FB5]  }
0x2c: {  	s7 =	sld [smem:$0x3FB6]  }
0x2d: {  	s3 =	simm.s32 $0x108;
	s8 =	sld [smem:$0x3FB7]  }
0x2e: {  	s3 =	simm.s32 @!p0 $0x1082;
	s9 =	sld [smem:$0x3FB8]  }
0x2f: {  	lr =	sadd.s32 s0, s3;
	s0 =	sld [smem:$0x3FAF]  }
0x30: {  	s3 =	sld [smem:$0x3FB2]  }
0x31: {  	[smem:$0x3FBB] =	sst s10  }
0x32: {  	s10 =	sld [smem:$0x3FB9];
	_ =	sdelay $0x3  }
0x33: {  	p0 =	seq.s32 s10, $0x1;
	s10 =	sld [smem:$0x3FBB];
	_ =	sdelay $0x3  }
0x34: {  	[smem:$0x3FBB] =	sst s10  }
0x35: {  	s10 =	sld [smem:$0x3FBA];
	_ =	sdelay $0x3  }
0x36: {  	p1 =	seq.s32 s10, $0x1;
	s10 =	sld [smem:$0x3FBB];
	_ =	sdelay $0x3  }
0x37: {  	[smem:$0x3FBB] =	sst s10  }
0x38: {  	s10 =	sld [smem:$0x3FBC]  }
0x39: {  	_ = 	snop;
	(pc) =	sbr.ind lr, $3  }
0x3a: {  	_ = 	snop  }
0x3b: {  	_ = 	snop  }
0x3c: {  	p2 =	seq.s32 s10, $0x1;
	s10 =	sld [smem:$0x3FBB]  }
0x3d: {  	_ =	shalt  }
0x3e: {  	_ =	shalt  }
0x3f: {  	_ =	shalt  }
0x40: {  	_ =	shalt  }
0x41: {  	_ =	shalt  }
0x42: {  	_ =	shalt  }
0x43: {  	_ =	shalt  }
0x44: {  	_ =	shalt  }
0x45: {  	_ =	shalt  }
0x46: {  	_ =	shalt  }
0x47: {  	_ =	shalt  }
0x48: {  	_ =	shalt  }
0x49: {  	_ =	shalt  }
0x4a: {  	_ =	shalt  }
0x4b: {  	_ =	shalt  }
0x4c: {  	_ =	shalt  }
0x4d: {  	_ =	shalt  }
0x4e: {  	_ =	shalt  }
0x4f: {  	_ =	shalt  }
0x50: {  	_ =	shalt  }
0x51: {  	_ =	shalt  }
0x52: {  	_ =	shalt  }
0x53: {  	_ =	shalt  }
0x54: {  	_ =	shalt  }
0x55: {  	_ =	shalt  }
0x56: {  	_ =	shalt  }
0x57: {  	_ =	shalt  }
0x58: {  	_ =	shalt  }
0x59: {  	_ =	shalt  }
0x5a: {  	_ =	shalt  }
0x5b: {  	_ =	shalt  }
0x5c: {  	_ =	shalt  }
0x5d: {  	_ =	shalt  }
0x5e: {  	_ =	shalt  }
0x5f: {  	_ =	shalt  }
0x60: {  	_ =	shalt  }
0x61: {  	_ =	shalt  }
0x62: {  	_ =	shalt  }
0x63: {  	_ =	shalt  }
0x64: {  	_ =	shalt  }
0x65: {  	_ =	shalt  }
0x66: {  	_ =	shalt  }
0x67: {  	_ =	shalt  }
0x68: {  	_ =	shalt  }
0x69: {  	_ =	shalt  }
0x6a: {  	_ =	shalt  }
0x6b: {  	_ =	shalt  }
0x6c: {  	_ =	shalt  }
0x6d: {  	_ =	shalt  }
0x6e: {  	_ =	shalt  }
0x6f: {  	_ =	shalt  }
0x70: {  	_ =	shalt  }
0x71: {  	_ =	shalt  }
0x72: {  	_ =	shalt  }
0x73: {  	_ =	shalt  }
0x74: {  	_ =	shalt  }
0x75: {  	_ =	shalt  }
0x76: {  	_ =	shalt  }
0x77: {  	_ =	shalt  }
0x78: {  	_ =	shalt  }
0x79: {  	_ =	shalt  }
0x7a: {  	_ =	shalt  }
0x7b: {  	_ =	shalt  }
0x7c: {  	_ =	shalt  }
0x7d: {  	_ =	shalt  }
0x7e: {  	_ =	shalt  }
0x7f: {  	_ =	shalt  }
0x80: {  	_ =	shalt  }
0x81: {  	_ =	shalt  }
0x82: {  	_ =	shalt  }
0x83: {  	_ =	shalt  }
0x84: {  	_ =	shalt  }
0x85: {  	_ =	shalt  }
0x86: {  	_ =	shalt  }
0x87: {  	_ =	shalt  }
.Lfunc_end0:
.L_simem_size_0:
called_computation_lowered:
.L_overlay_start_0:
0x88: {  	s2 =	sld [smem:$0x3FD9]  }
0x89: {  	s3 =	sld [smem:$0x3FFE];
	_ =	sdelay $0x1  }
0x8a: {  	s1 =	srdreg.scid  }
0x8b: {  	s0 =	sand.u32 $0x1, s1  }
0x8c: {  	s18 =	sshll.u32 s0, $0xA;
	s2 =	sadd.s32 s3, s2  }
0x8d: {  	s2 =	sadd.s32 s2, s18  }
0x8e: {  	[smem:$0x3FC7] =	sst s2  }
0x8f: {  	_ = 	snop  }
0x90: {  	s2 =	sld [smem:$0x3FC9]  }
0x91: {  	s19 =	sld [smem:$0x3FD0];
	(tm) =	ssettm $0x1  }
0x92: {  	s4 =	sld [smem:$0x3FFB];
	_ =	sdelay $0x3  }
0x93: {  	_ =	strace s4  }
0x94: {  	s4 =	sld [smem:$0x3FFC];
	_ =	sdelay $0x3  }
0x95: {  	_ =	strace s4  }
0x96: {  	s4 =	sld [smem:$0x3FFD];
	_ =	sdelay $0x3  }
0x97: {  	_ =	strace s4  }
0x98: {  	_ =	strace $0x8FFFFFFF  }
0x99: {  	s20 =	sld [smem:$0x3FDB];
	_ =	sdelay $0x1  }
0x9a: {  	s5 =	simm.s32 $_scs_section_size  }
0x9b: {  	s6 =	simm.s32 $_size__tile_overlayer_lowered;
	s7 =	simm.s32 $_tile_overlayer_lowered  }
0x9c: {  	s23 =	simm.s32 $0x1BFF;
	s22 =	sshll.u32 s7, $0x1;
	s4 =	sadd.s32 s5, s20  }
0x9d: {  	s8 =	simm.s32 $0x0;
	s21 =	sshll.u32 s6, $0x1;
	s6 =	sadd.s32 s22, s4  }
0x9e: {  	[timem:s8], [sflag:s23] =	dma.local [hbm:s6], s21  }
0x9f: {  	_ =	swait.ge [sflag:s23], s21  }
0xa0: {  	s5 =	ssub.s32 $0x0, s21;
	[sflag:s23] =	ssyncset.done $0x0  }
0xa1: {  	[sflag:s23] =	ssyncadd.s32 s5;
	_ =	sdelay $0x1  }
0xa2: {  	s24 =	simm.s32 $0x1B8B  }
0xa3: {  	_ =	swait.ge [sflag:s24], $0x1  }
0xa4: {  	[sflag:s24] =	ssyncset.done $0x0  }
0xa5: {  	s25 =	simm.s32 $0x1B8E;
	[sflag:s24] =	ssyncadd.s32 $0xFFFFFFFF  }
0xa6: {  	s26 =	simm.s32 $execute0_lowered;
	[smem:$0x3FD2] =	sst s25  }
0xa7: {  	s5 =	sshll.u32 s26, $0x1;
	_ =	strace $0x80000046;
	[dreg:$0x1] =	wrdreg $0xFFFFFFFF  }
0xa8: {  	s28 =	simm.s32 $_size_execute0_lowered;
	s4 =	sadd.s32 s4, s5;
	[dreg:$0x0] =	wrdreg $0x0  }
0xa9: {  	s5 =	sshll.u32 s28, $0x1;
	[dreg:$0x2] =	wrdreg s4  }
0xaa: {  	[dreg:$0x3] =	wrdreg s5  }
0xab: {  	[dreg:$0x4] =	wrdreg $0xC0  }
0xac: {  	_ =	task [dreg:s8], $0x5FFFF  }
0xad: {  	[dreg:$0x1] =	wrdreg $0xFFFFFFFF  }
0xae: {  	[dreg:$0x0] =	wrdreg $0x60  }
0xaf: {  	[dreg:$0x2] =	wrdreg s2  }
0xb0: {  	[dreg:$0x3] =	wrdreg s19  }
0xb1: {  	[dreg:$0x4] =	wrdreg $0x9  }
0xb2: {  	_ =	task.clear_ibuf [dreg:s8], $0x5FFFF;
	_ =	strace $0x90000046  }
0xb3: {  	s29 =	simm.s32 $0x9;
	_ =	strace $0x80000048  }
0xb4: {  	_ =	swait.ge [sflag:s29], $0x1  }
0xb5: {  	[sflag:s29] =	ssyncadd.s32 $0xFFFFFFFF  }
0xb6: {  	_ =	strace $0x90000048  }
0xb7: {  	_ =	sfence  }
0xb8: {  	s30 =	sld [smem:$0x0];
	_ =	sdelay $0x2  }
0xb9: {  	s31 =	sshll.u32 s1, $0xD;
	s1 =	sshrl.u32 s1, $0x2  }
0xba: {  	s3 =	sand.u32 $0x4000, s31;
	s1 =	sadd.s32 s1, s30  }
0xbb: {  	s0 =	sor.u32 s3, s0;
	s1 =	sshll.u32 s1, $0x11  }
0xbc: {  	s0 =	sor.u32 s1, s0  }
0xbd: {  	s0 =	sadd.s32 $0x8F2B, s0  }
0xbe: {  	[sflag:s0] =	ssyncadd.remote.s32 $0x1  }
0xbf: {  	_ =	sfence.sel $0xFFFF  }
0xc0: {  	[dreg:$0x0] =	wrdreg $0xFFFFFFFF;
	(pc) =	sbr.abs _section_cstart, $3  }
0xc1: {  	[dreg:$0x1] =	wrdreg $0xFFFFFFFF  }
0xc2: {  	_ =	task.clear_ibuf [dreg:s8], $0x2FFFF;
	_ =	strace $0x9FFFFFFF  }
0xc3: {  	(tm) =	ssettm $0x7FFFFFFF  }
tec
execute0_lowered:
.L_overlay_start_1:
0x0: {  	(tag) =	ssettag $0x1  }
0x1: {  	s0 =	srdreg.scid;
	s1 =	stileid.u32  }
0x2: {  	s5 =	rddreg [dreg:$0x0];
	s3 =	sand.u32 $0x1, s0;
	s12 =	sshll.u32 s1, $0x1  }
0x3: {  	s29 =	simm.s32 $0x14000;
	s28 =	simm.s32 $0x18000;
	s0 =	sor.u32 s3, s12  }
0x4: {  	p0 =	por $0x0, $0x0;
	s31 =	simm.s32 $0x6;
	s4 =	smul.u32 $0x3, s0  }
0x5: {  	s30 =	simm.s32 $0x7;
	s1 =	rddreg [dreg:$0x1];
	s6 =	smul.u32 $0xC0000, s0  }
0x6: {  	s9 =	sadd.s32 $0x800, s5;
	s0 =	smul.u32 $0x6000, s0;
	s13 =	sand.u32 $0x1F, s4  }
0x7: {  	s15 =	sadd.s32 $0x1000, s5;
	s24 =	sadd.s32 $0x800, s1;
	s2 =	smul.u32 $0x831FB, s13  }
0x8: {  	s26 =	sadd.s32 $0x1000, s1;
	s3 =	ssub.s32 $0x2, s3;
	s6 =	sand.u32 $0x1800000, s6  }
0x9: {  	s21 =	sadd.s32 s1, s0;
	s7 =	sshrl.u32 s2, $0x1;
	s2 =	simm.s32 $0x0  }
0xa: {  	s25 =	sadd.s32 s0, s24;
	s16 =	sadd.s32 s0, s26;
	[smem:$0x7FF] =	sst s2  }
0xb: {  	s7 =	sand.u32 $0x7F0000, s7;
	_ =	strace $0x80000047;
	[dreg:$0xa] =	wrdreg s21  }
0xc: {  	s13 =	sadd.s32 $0x1800, s5;
	s6 =	sor.u32 s6, s7;
	[dreg:$0xc] =	wrdreg s25  }
0xd: {  	s7 =	sadd.s32 $0x1, s4;
	s4 =	sadd.s32 $0x2, s4;
	[dreg:$0xe] =	wrdreg s16  }
0xe: {  	s25 =	simm.s32 $0x2;
	s6 =	sshrl.u32 s6, $0x3;
	s10 =	sand.u32 $0x1F, s7  }
0xf: {  	s12 =	sshll.u32 s7, $0xF;
	s20 =	sand.u32 $0x1F, s4;
	s8 =	sadd.s32 s5, s6  }
0x10: {  	s23 =	sshll.u32 s4, $0xF;
	s14 =	sadd.s32 s6, s9;
	[dreg:$0x3] =	wrdreg s8  }
0x11: {  	s10 =	smul.u32 $0x831FB, s10;
	s11 =	sadd.s32 s6, s15;
	[dreg:$0x4] =	wrdreg s14  }
0x12: {  	s12 =	sand.u32 $0x700000, s12;
	s6 =	sadd.s32 s6, s13;
	[dreg:$0x5] =	wrdreg s11  }
0x13: {  	[dreg:$0x6] =	wrdreg s6;
	s11 =	smul.u32 $0x831FB, s20;
	s14 =	sadd.s32 $0x1800, s1  }
0x14: {  	s20 =	sshrl.u32 s3, $0x1;
	s8 =	simm.s32 $0x8;
	s6 =	simm.s32 $0xC  }
0x15: {  	s10 =	sshrl.u32 s10, $0x4;
	s0 =	sadd.s32 s0, s14;
	s3 =	ssub.s32 s3, s20  }
0x16: {  	s20 =	simm.s32 $0x4;
	s10 =	sand.u32 $0xFE000, s10;
	[dreg:$0x10] =	wrdreg s0  }
0x17: {  	s11 =	sshrl.u32 s11, $0x4;
	s0 =	rddreg [dreg:$0x3];
	s10 =	sor.u32 s12, s10  }
0x18: {  	s11 =	sand.u32 $0xFE000, s11;
	s12 =	simm.s32 $0xC000;
	s17 =	sadd.s32 s5, s10  }
0x19: {  	s18 =	sadd.s32 s10, s9;
	s19 =	sadd.s32 s10, s15;
	[dreg:$0x7] =	wrdreg s17  }
0x1a: {  	s22 =	sadd.s32 s10, s13;
	s10 =	sand.u32 $0x700000, s23;
	[dreg:$0x8] =	wrdreg s18  }
0x1b: {  	s23 =	smax.u32 s3, $0x1;
	s3 =	simm.s32 $0xB;
	[dreg:$0x9] =	wrdreg s19  }
0x1c: {  	[dreg:$0xb] =	wrdreg s22;
	s10 =	sor.u32 s10, s11;
	s19 =	sshll.u32 s7, $0xD  }
0x1d: {  	s22 =	sshll.u32 s4, $0xD;
	s4 =	simm.s32 $0xA;
	p1 =	sne.s32 s23, $0x1  }
0x1e: {  	s5 =	sadd.s32 s5, s10;
	s17 =	sadd.s32 s10, s9;
	s18 =	sadd.s32 s10, s15  }
0x1f: {  	s21 =	sadd.s32 s1, s19;
	s16 =	sadd.s32 s19, s26;
	s15 =	sadd.s32 s19, s14  }
0x20: {  	s11 =	sadd.s32 s22, s24;
	s9 =	sadd.s32 s22, s26;
	[dreg:$0xd] =	wrdreg s5  }
0x21: {  	s7 =	sadd.s32 s22, s14;
	s14 =	simm.s32 $0x8000;
	[dreg:$0xf] =	wrdreg s17  }
.Ltmp0:
0x22: {  	s26 =	simm.s32 $0x1;
	[dreg:$0x11] =	wrdreg s18;
	(pc) =	sbr.rel @!p1 .LBB2_3-.Ltmp0, $4  }
0x23: {  	[dreg:$0x12] =	wrdreg s21;
	s21 =	sadd.s32 s10, s13;
	s18 =	sadd.s32 s19, s24  }
0x24: {  	s13 =	sadd.s32 s1, s22;
	s17 =	simm.s32 $0x4000;
	s10 =	simm.s32 $0x10000  }
0x25: {  	s5 =	simm.s32 $0x9;
	s24 =	simm.s32 $0x3;
	s1 =	sadd.s32 $0xFFFFFFFF, s23  }
0x26: {  	s22 =	simm.s32 $0x5;
	s23 =	simm.s32 $0xD;
	s19 =	simm.s32 $0xE  }
0x27: {  	[dreg:$0x13] =	wrdreg s1  }
0x28: {  	[tilespmem:s2], [sflag:$0x1] =	stream.linear.gather [hbm4b:s0+s2], $0x4000, $0x38;
	[tilespmem:$0x1C000] =	vst v63  }
0x29: {  	s1 =	rddreg [dreg:$0x4]  }
0x2a: {  	[tilespmem:s17], [sflag:$0x2] =	stream.linear.gather [hbm4b:s1+s2], $0x4000, $0x38;
	[tilespmem:$0x1C000] =	vst v63  }
0x2b: {  	s0 =	rddreg [dreg:$0x5]  }
0x2c: {  	[tilespmem:s14], [sflag:$0x3] =	stream.linear.gather [hbm4b:s0+s2], $0x4000, $0x38;
	[tilespmem:$0x1C000] =	vst v63  }
0x2d: {  	s1 =	rddreg [dreg:$0x6]  }
0x2e: {  	[tilespmem:s12], [sflag:$0x4] =	stream.linear.gather [hbm4b:s1+s2], $0x4000, $0x38;
	[tilespmem:$0x1C000] =	vst v63  }
0x2f: {  	s0 =	rddreg [dreg:$0x7]  }
0x30: {  	[tilespmem:s10], [sflag:$0x5] =	stream.linear.gather [hbm4b:s0+s2], $0x4000, $0x38;
	[tilespmem:$0x1C000] =	vst v63  }
0x31: {  	s1 =	rddreg [dreg:$0x8]  }
0x32: {  	[tilespmem:s29], [sflag:$0x6] =	stream.linear.gather [hbm4b:s1+s2], $0x4000, $0x38;
	[tilespmem:$0x1C000] =	vst v63  }
0x33: {  	s0 =	rddreg [dreg:$0x9]  }
0x34: {  	[tilespmem:s28], [sflag:$0x7] =	stream.linear.gather [hbm4b:s0+s2], $0x4000, $0x38;
	[tilespmem:$0x1C000] =	vst v63  }
0x35: {  	_ =	swait.ge [sflag:s26], $0x4000  }
0x36: {  	[sflag:s26] =	ssyncset.done $0x0  }
0x37: {  	s1 =	rddreg [dreg:$0xa];
	[sflag:s26] =	ssyncadd.s32 $0xFFFFC000  }
0x38: {  	[hbm4b:s1+s2] =	stream.linear.scatter [tilespmem:s2], [sflag:$0x8], $0x4000, $0x38;
	[tilespmem:$0x1C000] =	vst v63  }
0x39: {  	_ =	swait.ge [sflag:s8], $0x4000  }
0x3a: {  	[sflag:s8] =	ssyncset.done $0x0  }
0x3b: {  	s1 =	rddreg [dreg:$0xb];
	[sflag:s8] =	ssyncadd.s32 $0xFFFFC000  }
0x3c: {  	[tilespmem:s2], [sflag:$0x1] =	stream.linear.gather [hbm4b:s1+s2], $0x4000, $0x38;
	[tilespmem:$0x1C000] =	vst v63  }
0x3d: {  	_ =	swait.ge [sflag:s25], $0x4000  }
0x3e: {  	[sflag:s25] =	ssyncset.done $0x0  }
0x3f: {  	s1 =	rddreg [dreg:$0xc];
	[sflag:s25] =	ssyncadd.s32 $0xFFFFC000  }
0x40: {  	[hbm4b:s1+s2] =	stream.linear.scatter [tilespmem:s17], [sflag:$0x9], $0x4000, $0x38;
	[tilespmem:$0x1C000] =	vst v63  }
0x41: {  	_ =	swait.ge [sflag:s5], $0x4000  }
0x42: {  	[sflag:s5] =	ssyncset.done $0x0  }
0x43: {  	s1 =	rddreg [dreg:$0xd];
	[sflag:s5] =	ssyncadd.s32 $0xFFFFC000  }
0x44: {  	[tilespmem:s17], [sflag:$0x2] =	stream.linear.gather [hbm4b:s1+s2], $0x4000, $0x38;
	[tilespmem:$0x1C000] =	vst v63  }
0x45: {  	_ =	swait.ge [sflag:s24], $0x4000  }
0x46: {  	[sflag:s24] =	ssyncset.done $0x0  }
0x47: {  	s1 =	rddreg [dreg:$0xe];
	[sflag:s24] =	ssyncadd.s32 $0xFFFFC000  }
0x48: {  	[hbm4b:s1+s2] =	stream.linear.scatter [tilespmem:s14], [sflag:$0xA], $0x4000, $0x38;
	[tilespmem:$0x1C000] =	vst v63  }
0x49: {  	_ =	swait.ge [sflag:s4], $0x4000  }
0x4a: {  	[sflag:s4] =	ssyncset.done $0x0  }
0x4b: {  	s1 =	rddreg [dreg:$0xf];
	[sflag:s4] =	ssyncadd.s32 $0xFFFFC000  }
0x4c: {  	[tilespmem:s14], [sflag:$0x3] =	stream.linear.gather [hbm4b:s1+s2], $0x4000, $0x38;
	[tilespmem:$0x1C000] =	vst v63  }
0x4d: {  	_ =	swait.ge [sflag:s20], $0x4000  }
0x4e: {  	[sflag:s20] =	ssyncset.done $0x0  }
0x4f: {  	s1 =	rddreg [dreg:$0x10];
	[sflag:s20] =	ssyncadd.s32 $0xFFFFC000  }
0x50: {  	[hbm4b:s1+s2] =	stream.linear.scatter [tilespmem:s12], [sflag:$0xB], $0x4000, $0x38;
	[tilespmem:$0x1C000] =	vst v63  }
0x51: {  	_ =	swait.ge [sflag:s3], $0x4000  }
0x52: {  	[sflag:s3] =	ssyncset.done $0x0  }
0x53: {  	s1 =	rddreg [dreg:$0x11];
	[sflag:s3] =	ssyncadd.s32 $0xFFFFC000  }
0x54: {  	[tilespmem:s12], [sflag:$0x4] =	stream.linear.gather [hbm4b:s1+s2], $0x4000, $0x38;
	[tilespmem:$0x1C000] =	vst v63  }
0x55: {  	_ =	swait.ge [sflag:s22], $0x4000  }
0x56: {  	[sflag:s22] =	ssyncset.done $0x0  }
0x57: {  	s1 =	rddreg [dreg:$0x12];
	[sflag:s22] =	ssyncadd.s32 $0xFFFFC000  }
0x58: {  	[hbm4b:s1+s2] =	stream.linear.scatter [tilespmem:s10], [sflag:$0xC], $0x4000, $0x38;
	[tilespmem:$0x1C000] =	vst v63  }
0x59: {  	_ =	swait.ge [sflag:s6], $0x4000  }
0x5a: {  	[sflag:s6] =	ssyncset.done $0x0  }
0x5b: {  	[sflag:s6] =	ssyncadd.s32 $0xFFFFC000  }
0x5c: {  	[tilespmem:s10], [sflag:$0x5] =	stream.linear.gather [hbm4b:s21+s2], $0x4000, $0x38;
	[tilespmem:$0x1C000] =	vst v63  }
0x5d: {  	_ =	swait.ge [sflag:s31], $0x4000  }
0x5e: {  	[sflag:s31] =	ssyncset.done $0x0  }
0x5f: {  	[sflag:s31] =	ssyncadd.s32 $0xFFFFC000  }
0x60: {  	[hbm4b:s18+s2] =	stream.linear.scatter [tilespmem:s29], [sflag:$0xD], $0x4000, $0x38;
	[tilespmem:$0x1C000] =	vst v63  }
0x61: {  	_ =	swait.ge [sflag:s30], $0x4000  }
0x62: {  	[sflag:s30] =	ssyncset.done $0x0  }
0x63: {  	[sflag:s30] =	ssyncadd.s32 $0xFFFFC000  }
0x64: {  	[hbm4b:s16+s2] =	stream.linear.scatter [tilespmem:s28], [sflag:$0xE], $0x4000, $0x38;
	[tilespmem:$0x1C000] =	vst v63  }
0x65: {  	_ =	swait.ge [sflag:s26], $0x4000  }
0x66: {  	[sflag:s26] =	ssyncset.done $0x0  }
0x67: {  	[sflag:s26] =	ssyncadd.s32 $0xFFFFC000  }
0x68: {  	[hbm4b:s15+s2] =	stream.linear.scatter [tilespmem:s2], [sflag:$0x8], $0x4000, $0x38;
	[tilespmem:$0x1C000] =	vst v63  }
0x69: {  	_ =	swait.ge [sflag:s25], $0x4000  }
0x6a: {  	[sflag:s25] =	ssyncset.done $0x0  }
0x6b: {  	[sflag:s25] =	ssyncadd.s32 $0xFFFFC000  }
0x6c: {  	[hbm4b:s13+s2] =	stream.linear.scatter [tilespmem:s17], [sflag:$0x9], $0x4000, $0x38;
	[tilespmem:$0x1C000] =	vst v63  }
0x6d: {  	_ =	swait.ge [sflag:s24], $0x4000  }
0x6e: {  	[sflag:s24] =	ssyncset.done $0x0  }
0x6f: {  	[sflag:s24] =	ssyncadd.s32 $0xFFFFC000  }
0x70: {  	[hbm4b:s11+s2] =	stream.linear.scatter [tilespmem:s14], [sflag:$0xA], $0x4000, $0x38;
	[tilespmem:$0x1C000] =	vst v63  }
0x71: {  	_ =	swait.ge [sflag:s20], $0x4000  }
0x72: {  	[sflag:s20] =	ssyncset.done $0x0  }
0x73: {  	[sflag:s20] =	ssyncadd.s32 $0xFFFFC000  }
0x74: {  	[hbm4b:s9+s2] =	stream.linear.scatter [tilespmem:s12], [sflag:$0xB], $0x4000, $0x38;
	[tilespmem:$0x1C000] =	vst v63  }
0x75: {  	_ =	swait.ge [sflag:s22], $0x4000  }
0x76: {  	[sflag:s22] =	ssyncset.done $0x0  }
0x77: {  	[sflag:s22] =	ssyncadd.s32 $0xFFFFC000  }
0x78: {  	[hbm4b:s7+s2] =	stream.linear.scatter [tilespmem:s10], [sflag:$0xC], $0x4000, $0x38;
	[tilespmem:$0x1C000] =	vst v63  }
0x79: {  	_ =	swait.ge [sflag:s23], $0x4000  }
0x7a: {  	[sflag:s23] =	ssyncset.done $0x0  }
0x7b: {  	[sflag:s23] =	ssyncadd.s32 $0xFFFFC000  }
0x7c: {  	_ =	swait.ge [sflag:s19], $0x4000  }
0x7d: {  	[sflag:s19] =	ssyncset.done $0x0  }
0x7e: {  	[sflag:s19] =	ssyncadd.s32 $0xFFFFC000  }
0x7f: {  	_ =	swait.ge [sflag:s8], $0x4000  }
0x80: {  	[sflag:s8] =	ssyncset.done $0x0  }
0x81: {  	[sflag:s8] =	ssyncadd.s32 $0xFFFFC000  }
0x82: {  	_ =	swait.ge [sflag:s5], $0x4000  }
0x83: {  	[sflag:s5] =	ssyncset.done $0x0  }
0x84: {  	[sflag:s5] =	ssyncadd.s32 $0xFFFFC000  }
0x85: {  	_ =	swait.ge [sflag:s4], $0x4000  }
0x86: {  	[sflag:s4] =	ssyncset.done $0x0  }
0x87: {  	[sflag:s4] =	ssyncadd.s32 $0xFFFFC000  }
0x88: {  	_ =	swait.ge [sflag:s3], $0x4000  }
0x89: {  	s1 =	rddreg [dreg:$0x13]  }
0x8a: {  	p1 =	sne.s32 s1, $0x1  }
.Ltmp1:
0x8b: {  	_ = 	snop;
	(pc) =	sbr.rel @!p1 .LBB2_3-.Ltmp1, $4  }
0x8c: {  	[sflag:s3] =	ssyncset.done $0x0  }
0x8d: {  	[sflag:s3] =	ssyncadd.s32 $0xFFFFC000  }
0x8e: {  	p0 =	por $0x1, $0x1;
	_ =	swait.ge [sflag:s6], $0x4000  }
0x8f: {  	s1 =	sadd.s32 $0xFFFFFFFF, s1;
	s0 =	rddreg [dreg:$0x3];
	[sflag:s6] =	ssyncset.done $0x0  }
.LBB2_2:
0x90: {  	[sflag:s6] =	ssyncadd.s32 $0xFFFFC000  }
0x91: {  	s28 =	smov.u32 s21;
	s21 =	smov.u32 s18;
	s18 =	smov.u32 s16  }
0x92: {  	s16 =	smov.u32 s15;
	s15 =	smov.u32 s13;
	s13 =	smov.u32 s11  }
0x93: {  	s11 =	smov.u32 s9;
	s9 =	smov.u32 s7;
	s7 =	rddreg [dreg:$0x4]  }
0x94: {  	[tilespmem:s2], [sflag:$0x1] =	stream.linear.gather [hbm4b:s0+s2], $0x4000, $0x38;
	[tilespmem:$0x1C000] =	vst v63  }
0x95: {  	s0 =	rddreg [dreg:$0x5]  }
0x96: {  	[tilespmem:s17], [sflag:$0x2] =	stream.linear.gather [hbm4b:s7+s2], $0x4000, $0x38;
	[tilespmem:$0x1C000] =	vst v63  }
0x97: {  	s7 =	rddreg [dreg:$0x6]  }
0x98: {  	[tilespmem:s14], [sflag:$0x3] =	stream.linear.gather [hbm4b:s0+s2], $0x4000, $0x38;
	[tilespmem:$0x1C000] =	vst v63  }
0x99: {  	s0 =	rddreg [dreg:$0x7]  }
0x9a: {  	[tilespmem:s12], [sflag:$0x4] =	stream.linear.gather [hbm4b:s7+s2], $0x4000, $0x38;
	[tilespmem:$0x1C000] =	vst v63  }
0x9b: {  	s7 =	rddreg [dreg:$0x8]  }
0x9c: {  	[tilespmem:s10], [sflag:$0x5] =	stream.linear.gather [hbm4b:s0+s2], $0x4000, $0x38;
	[tilespmem:$0x1C000] =	vst v63  }
0x9d: {  	s0 =	rddreg [dreg:$0x9]  }
0x9e: {  	[tilespmem:s29], [sflag:$0x6] =	stream.linear.gather [hbm4b:s7+s2], $0x4000, $0x38;
	[tilespmem:$0x1C000] =	vst v63  }
0x9f: {  	s7 =	smov.u32 s9;
	s9 =	smov.u32 s11;
	s11 =	smov.u32 s13  }
0xa0: {  	s13 =	smov.u32 s15;
	s15 =	smov.u32 s16;
	s16 =	smov.u32 s18  }
0xa1: {  	s18 =	smov.u32 s21;
	s21 =	smov.u32 s28;
	s28 =	simm.s32 $0x18000  }
0xa2: {  	[tilespmem:s28], [sflag:$0x7] =	stream.linear.gather [hbm4b:s0+s2], $0x4000, $0x38;
	[tilespmem:$0x1C000] =	vst v63  }
0xa3: {  	_ =	swait.ge [sflag:s26], $0x4000  }
0xa4: {  	[sflag:s26] =	ssyncset.done $0x0  }
0xa5: {  	s0 =	rddreg [dreg:$0xa];
	[sflag:s26] =	ssyncadd.s32 $0xFFFFC000  }
0xa6: {  	[hbm4b:s0+s2] =	stream.linear.scatter [tilespmem:s2], [sflag:$0x8], $0x4000, $0x38;
	[tilespmem:$0x1C000] =	vst v63  }
0xa7: {  	_ =	swait.ge [sflag:s8], $0x4000  }
0xa8: {  	[sflag:s8] =	ssyncset.done $0x0  }
0xa9: {  	s0 =	rddreg [dreg:$0xb];
	[sflag:s8] =	ssyncadd.s32 $0xFFFFC000  }
0xaa: {  	[tilespmem:s2], [sflag:$0x1] =	stream.linear.gather [hbm4b:s0+s2], $0x4000, $0x38;
	[tilespmem:$0x1C000] =	vst v63  }
0xab: {  	_ =	swait.ge [sflag:s25], $0x4000  }
0xac: {  	[sflag:s25] =	ssyncset.done $0x0  }
0xad: {  	s0 =	rddreg [dreg:$0xc];
	[sflag:s25] =	ssyncadd.s32 $0xFFFFC000  }
0xae: {  	[hbm4b:s0+s2] =	stream.linear.scatter [tilespmem:s17], [sflag:$0x9], $0x4000, $0x38;
	[tilespmem:$0x1C000] =	vst v63  }
0xaf: {  	_ =	swait.ge [sflag:s5], $0x4000  }
0xb0: {  	[sflag:s5] =	ssyncset.done $0x0  }
0xb1: {  	s0 =	rddreg [dreg:$0xd];
	[sflag:s5] =	ssyncadd.s32 $0xFFFFC000  }
0xb2: {  	[tilespmem:s17], [sflag:$0x2] =	stream.linear.gather [hbm4b:s0+s2], $0x4000, $0x38;
	[tilespmem:$0x1C000] =	vst v63  }
0xb3: {  	_ =	swait.ge [sflag:s24], $0x4000  }
0xb4: {  	[sflag:s24] =	ssyncset.done $0x0  }
0xb5: {  	s0 =	rddreg [dreg:$0xe];
	[sflag:s24] =	ssyncadd.s32 $0xFFFFC000  }
0xb6: {  	[hbm4b:s0+s2] =	stream.linear.scatter [tilespmem:s14], [sflag:$0xA], $0x4000, $0x38;
	[tilespmem:$0x1C000] =	vst v63  }
0xb7: {  	_ =	swait.ge [sflag:s4], $0x4000  }
0xb8: {  	[sflag:s4] =	ssyncset.done $0x0  }
0xb9: {  	s0 =	rddreg [dreg:$0xf];
	[sflag:s4] =	ssyncadd.s32 $0xFFFFC000  }
0xba: {  	[tilespmem:s14], [sflag:$0x3] =	stream.linear.gather [hbm4b:s0+s2], $0x4000, $0x38;
	[tilespmem:$0x1C000] =	vst v63  }
0xbb: {  	_ =	swait.ge [sflag:s20], $0x4000  }
0xbc: {  	[sflag:s20] =	ssyncset.done $0x0  }
0xbd: {  	s0 =	rddreg [dreg:$0x10];
	[sflag:s20] =	ssyncadd.s32 $0xFFFFC000  }
0xbe: {  	[hbm4b:s0+s2] =	stream.linear.scatter [tilespmem:s12], [sflag:$0xB], $0x4000, $0x38;
	[tilespmem:$0x1C000] =	vst v63  }
0xbf: {  	_ =	swait.ge [sflag:s3], $0x4000  }
0xc0: {  	[sflag:s3] =	ssyncset.done $0x0  }
0xc1: {  	s0 =	rddreg [dreg:$0x11];
	[sflag:s3] =	ssyncadd.s32 $0xFFFFC000  }
0xc2: {  	[tilespmem:s12], [sflag:$0x4] =	stream.linear.gather [hbm4b:s0+s2], $0x4000, $0x38;
	[tilespmem:$0x1C000] =	vst v63  }
0xc3: {  	_ =	swait.ge [sflag:s22], $0x4000  }
0xc4: {  	[sflag:s22] =	ssyncset.done $0x0  }
0xc5: {  	s0 =	rddreg [dreg:$0x12];
	[sflag:s22] =	ssyncadd.s32 $0xFFFFC000  }
0xc6: {  	[hbm4b:s0+s2] =	stream.linear.scatter [tilespmem:s10], [sflag:$0xC], $0x4000, $0x38;
	[tilespmem:$0x1C000] =	vst v63  }
0xc7: {  	_ =	swait.ge [sflag:s6], $0x4000  }
0xc8: {  	[sflag:s6] =	ssyncset.done $0x0  }
0xc9: {  	[sflag:s6] =	ssyncadd.s32 $0xFFFFC000  }
0xca: {  	[tilespmem:s10], [sflag:$0x5] =	stream.linear.gather [hbm4b:s21+s2], $0x4000, $0x38;
	[tilespmem:$0x1C000] =	vst v63  }
0xcb: {  	_ =	swait.ge [sflag:s31], $0x4000  }
0xcc: {  	[sflag:s31] =	ssyncset.done $0x0  }
0xcd: {  	[sflag:s31] =	ssyncadd.s32 $0xFFFFC000  }
0xce: {  	[hbm4b:s18+s2] =	stream.linear.scatter [tilespmem:s29], [sflag:$0xD], $0x4000, $0x38;
	[tilespmem:$0x1C000] =	vst v63  }
0xcf: {  	_ =	swait.ge [sflag:s30], $0x4000  }
0xd0: {  	[sflag:s30] =	ssyncset.done $0x0  }
0xd1: {  	[sflag:s30] =	ssyncadd.s32 $0xFFFFC000  }
0xd2: {  	[hbm4b:s16+s2] =	stream.linear.scatter [tilespmem:s28], [sflag:$0xE], $0x4000, $0x38;
	[tilespmem:$0x1C000] =	vst v63  }
0xd3: {  	_ =	swait.ge [sflag:s26], $0x4000  }
0xd4: {  	[sflag:s26] =	ssyncset.done $0x0  }
0xd5: {  	[sflag:s26] =	ssyncadd.s32 $0xFFFFC000  }
0xd6: {  	[hbm4b:s15+s2] =	stream.linear.scatter [tilespmem:s2], [sflag:$0x8], $0x4000, $0x38;
	[tilespmem:$0x1C000] =	vst v63  }
0xd7: {  	_ =	swait.ge [sflag:s25], $0x4000  }
0xd8: {  	[sflag:s25] =	ssyncset.done $0x0  }
0xd9: {  	[sflag:s25] =	ssyncadd.s32 $0xFFFFC000  }
0xda: {  	[hbm4b:s13+s2] =	stream.linear.scatter [tilespmem:s17], [sflag:$0x9], $0x4000, $0x38;
	[tilespmem:$0x1C000] =	vst v63  }
0xdb: {  	_ =	swait.ge [sflag:s24], $0x4000  }
0xdc: {  	[sflag:s24] =	ssyncset.done $0x0  }
0xdd: {  	[sflag:s24] =	ssyncadd.s32 $0xFFFFC000  }
0xde: {  	[hbm4b:s11+s2] =	stream.linear.scatter [tilespmem:s14], [sflag:$0xA], $0x4000, $0x38;
	[tilespmem:$0x1C000] =	vst v63  }
0xdf: {  	_ =	swait.ge [sflag:s20], $0x4000  }
0xe0: {  	[sflag:s20] =	ssyncset.done $0x0  }
0xe1: {  	[sflag:s20] =	ssyncadd.s32 $0xFFFFC000  }
0xe2: {  	[hbm4b:s9+s2] =	stream.linear.scatter [tilespmem:s12], [sflag:$0xB], $0x4000, $0x38;
	[tilespmem:$0x1C000] =	vst v63  }
0xe3: {  	_ =	swait.ge [sflag:s22], $0x4000  }
0xe4: {  	[sflag:s22] =	ssyncset.done $0x0  }
0xe5: {  	[sflag:s22] =	ssyncadd.s32 $0xFFFFC000  }
0xe6: {  	[hbm4b:s7+s2] =	stream.linear.scatter [tilespmem:s10], [sflag:$0xC], $0x4000, $0x38;
	[tilespmem:$0x1C000] =	vst v63  }
0xe7: {  	_ =	swait.ge [sflag:s23], $0x4000  }
0xe8: {  	[sflag:s23] =	ssyncset.done $0x0  }
0xe9: {  	[sflag:s23] =	ssyncadd.s32 $0xFFFFC000  }
0xea: {  	_ =	swait.ge [sflag:s19], $0x4000  }
0xeb: {  	[sflag:s19] =	ssyncset.done $0x0  }
0xec: {  	[sflag:s19] =	ssyncadd.s32 $0xFFFFC000  }
0xed: {  	_ =	swait.ge [sflag:s8], $0x4000  }
0xee: {  	[sflag:s8] =	ssyncset.done $0x0  }
0xef: {  	[sflag:s8] =	ssyncadd.s32 $0xFFFFC000  }
0xf0: {  	_ =	swait.ge [sflag:s5], $0x4000  }
0xf1: {  	[sflag:s5] =	ssyncset.done $0x0  }
0xf2: {  	[sflag:s5] =	ssyncadd.s32 $0xFFFFC000  }
0xf3: {  	_ =	swait.ge [sflag:s4], $0x4000  }
0xf4: {  	[sflag:s4] =	ssyncset.done $0x0  }
0xf5: {  	p1 =	sne.s32 s1, $0x1;
	[sflag:s4] =	ssyncadd.s32 $0xFFFFC000  }
.Ltmp2:
0xf6: {  	_ =	swait.ge [sflag:s3], $0x4000;
	(pc) =	sbr.rel @p1 .LBB2_2-.Ltmp2, $4  }
0xf7: {  	[sflag:s3] =	ssyncset.done $0x0  }
0xf8: {  	[sflag:s3] =	ssyncadd.s32 $0xFFFFC000  }
0xf9: {  	_ =	swait.ge [sflag:s6], $0x4000  }
0xfa: {  	s1 =	sadd.s32 $0xFFFFFFFF, s1;
	s0 =	rddreg [dreg:$0x3];
	[sflag:s6] =	ssyncset.done $0x0  }
.LBB2_3:
0xfb: {  	[sflag:s6] =	ssyncadd.s32 @p0 $0xFFFFC000  }
0xfc: {  	[tilespmem:s2], [sflag:$0x1] =	stream.linear.gather [hbm4b:s0+s2], $0x4000, $0x38;
	[tilespmem:$0x1C000] =	vst v63  }
0xfd: {  	s1 =	rddreg [dreg:$0x4]  }
0xfe: {  	[tilespmem:s17], [sflag:$0x2] =	stream.linear.gather [hbm4b:s1+s2], $0x4000, $0x38;
	[tilespmem:$0x1C000] =	vst v63  }
0xff: {  	s0 =	rddreg [dreg:$0x5]  }
0x100: {  	[tilespmem:s14], [sflag:$0x3] =	stream.linear.gather [hbm4b:s0+s2], $0x4000, $0x38;
	[tilespmem:$0x1C000] =	vst v63  }
0x101: {  	s1 =	rddreg [dreg:$0x6]  }
0x102: {  	[tilespmem:s12], [sflag:$0x4] =	stream.linear.gather [hbm4b:s1+s2], $0x4000, $0x38;
	[tilespmem:$0x1C000] =	vst v63  }
0x103: {  	s0 =	rddreg [dreg:$0x7]  }
0x104: {  	[tilespmem:s10], [sflag:$0x5] =	stream.linear.gather [hbm4b:s0+s2], $0x4000, $0x38;
	[tilespmem:$0x1C000] =	vst v63  }
0x105: {  	s1 =	rddreg [dreg:$0x8]  }
0x106: {  	[tilespmem:s29], [sflag:$0x6] =	stream.linear.gather [hbm4b:s1+s2], $0x4000, $0x38;
	[tilespmem:$0x1C000] =	vst v63  }
0x107: {  	s0 =	rddreg [dreg:$0x9]  }
0x108: {  	[tilespmem:s28], [sflag:$0x7] =	stream.linear.gather [hbm4b:s0+s2], $0x4000, $0x38;
	[tilespmem:$0x1C000] =	vst v63  }
0x109: {  	_ =	swait.ge [sflag:s26], $0x4000  }
0x10a: {  	[sflag:s26] =	ssyncset.done $0x0  }
0x10b: {  	s1 =	rddreg [dreg:$0xa];
	[sflag:s26] =	ssyncadd.s32 $0xFFFFC000  }
0x10c: {  	[hbm4b:s1+s2] =	stream.linear.scatter [tilespmem:s2], [sflag:$0x8], $0x4000, $0x38;
	[tilespmem:$0x1C000] =	vst v63  }
0x10d: {  	_ =	swait.ge [sflag:s8], $0x4000  }
0x10e: {  	[sflag:s8] =	ssyncset.done $0x0  }
0x10f: {  	s1 =	rddreg [dreg:$0xb];
	[sflag:s8] =	ssyncadd.s32 $0xFFFFC000  }
0x110: {  	[tilespmem:s2], [sflag:$0x1] =	stream.linear.gather [hbm4b:s1+s2], $0x4000, $0x38;
	[tilespmem:$0x1C000] =	vst v63  }
0x111: {  	_ =	swait.ge [sflag:s25], $0x4000  }
0x112: {  	[sflag:s25] =	ssyncset.done $0x0  }
0x113: {  	s1 =	rddreg [dreg:$0xc];
	[sflag:s25] =	ssyncadd.s32 $0xFFFFC000  }
0x114: {  	[hbm4b:s1+s2] =	stream.linear.scatter [tilespmem:s17], [sflag:$0x9], $0x4000, $0x38;
	[tilespmem:$0x1C000] =	vst v63  }
0x115: {  	_ =	swait.ge [sflag:s5], $0x4000  }
0x116: {  	[sflag:s5] =	ssyncset.done $0x0  }
0x117: {  	s1 =	rddreg [dreg:$0xd];
	[sflag:s5] =	ssyncadd.s32 $0xFFFFC000  }
0x118: {  	[tilespmem:s17], [sflag:$0x2] =	stream.linear.gather [hbm4b:s1+s2], $0x4000, $0x38;
	[tilespmem:$0x1C000] =	vst v63  }
0x119: {  	_ =	swait.ge [sflag:s24], $0x4000  }
0x11a: {  	[sflag:s24] =	ssyncset.done $0x0  }
0x11b: {  	s1 =	rddreg [dreg:$0xe];
	[sflag:s24] =	ssyncadd.s32 $0xFFFFC000  }
0x11c: {  	[hbm4b:s1+s2] =	stream.linear.scatter [tilespmem:s14], [sflag:$0xA], $0x4000, $0x38;
	[tilespmem:$0x1C000] =	vst v63  }
0x11d: {  	_ =	swait.ge [sflag:s4], $0x4000  }
0x11e: {  	[sflag:s4] =	ssyncset.done $0x0  }
0x11f: {  	s1 =	rddreg [dreg:$0xf];
	[sflag:s4] =	ssyncadd.s32 $0xFFFFC000  }
0x120: {  	[tilespmem:s14], [sflag:$0x3] =	stream.linear.gather [hbm4b:s1+s2], $0x4000, $0x38;
	[tilespmem:$0x1C000] =	vst v63  }
0x121: {  	_ =	swait.ge [sflag:s20], $0x4000  }
0x122: {  	[sflag:s20] =	ssyncset.done $0x0  }
0x123: {  	s1 =	rddreg [dreg:$0x10];
	[sflag:s20] =	ssyncadd.s32 $0xFFFFC000  }
0x124: {  	[hbm4b:s1+s2] =	stream.linear.scatter [tilespmem:s12], [sflag:$0xB], $0x4000, $0x38;
	[tilespmem:$0x1C000] =	vst v63  }
0x125: {  	_ =	swait.ge [sflag:s3], $0x4000  }
0x126: {  	[sflag:s3] =	ssyncset.done $0x0  }
0x127: {  	s1 =	rddreg [dreg:$0x11];
	[sflag:s3] =	ssyncadd.s32 $0xFFFFC000  }
0x128: {  	[tilespmem:s12], [sflag:$0x4] =	stream.linear.gather [hbm4b:s1+s2], $0x4000, $0x38;
	[tilespmem:$0x1C000] =	vst v63  }
0x129: {  	_ =	swait.ge [sflag:s22], $0x4000  }
0x12a: {  	[sflag:s22] =	ssyncset.done $0x0  }
0x12b: {  	s1 =	rddreg [dreg:$0x12];
	[sflag:s22] =	ssyncadd.s32 $0xFFFFC000  }
0x12c: {  	[hbm4b:s1+s2] =	stream.linear.scatter [tilespmem:s10], [sflag:$0xC], $0x4000, $0x38;
	[tilespmem:$0x1C000] =	vst v63  }
0x12d: {  	_ =	swait.ge [sflag:s6], $0x4000  }
0x12e: {  	[sflag:s6] =	ssyncset.done $0x0  }
0x12f: {  	[sflag:s6] =	ssyncadd.s32 $0xFFFFC000  }
0x130: {  	[tilespmem:s10], [sflag:$0x5] =	stream.linear.gather [hbm4b:s21+s2], $0x4000, $0x38;
	[tilespmem:$0x1C000] =	vst v63  }
0x131: {  	_ =	swait.ge [sflag:s31], $0x4000  }
0x132: {  	[sflag:s31] =	ssyncset.done $0x0  }
0x133: {  	[sflag:s31] =	ssyncadd.s32 $0xFFFFC000  }
0x134: {  	[hbm4b:s18+s2] =	stream.linear.scatter [tilespmem:s29], [sflag:$0xD], $0x4000, $0x38;
	[tilespmem:$0x1C000] =	vst v63  }
0x135: {  	_ =	swait.ge [sflag:s30], $0x4000  }
0x136: {  	[sflag:s30] =	ssyncset.done $0x0  }
0x137: {  	[sflag:s30] =	ssyncadd.s32 $0xFFFFC000  }
0x138: {  	[hbm4b:s16+s2] =	stream.linear.scatter [tilespmem:s28], [sflag:$0xE], $0x4000, $0x38;
	[tilespmem:$0x1C000] =	vst v63  }
0x139: {  	_ =	swait.ge [sflag:s26], $0x4000  }
0x13a: {  	[sflag:s26] =	ssyncset.done $0x0  }
0x13b: {  	[sflag:s26] =	ssyncadd.s32 $0xFFFFC000  }
0x13c: {  	[hbm4b:s15+s2] =	stream.linear.scatter [tilespmem:s2], [sflag:$0x8], $0x4000, $0x38;
	[tilespmem:$0x1C000] =	vst v63  }
0x13d: {  	_ =	swait.ge [sflag:s25], $0x4000  }
0x13e: {  	[sflag:s25] =	ssyncset.done $0x0  }
0x13f: {  	[sflag:s25] =	ssyncadd.s32 $0xFFFFC000  }
0x140: {  	[hbm4b:s13+s2] =	stream.linear.scatter [tilespmem:s17], [sflag:$0x9], $0x4000, $0x38;
	[tilespmem:$0x1C000] =	vst v63  }
0x141: {  	_ =	swait.ge [sflag:s24], $0x4000  }
0x142: {  	[sflag:s24] =	ssyncset.done $0x0  }
0x143: {  	[sflag:s24] =	ssyncadd.s32 $0xFFFFC000  }
0x144: {  	[hbm4b:s11+s2] =	stream.linear.scatter [tilespmem:s14], [sflag:$0xA], $0x4000, $0x38;
	[tilespmem:$0x1C000] =	vst v63  }
0x145: {  	_ =	swait.ge [sflag:s20], $0x4000  }
0x146: {  	[sflag:s20] =	ssyncset.done $0x0  }
0x147: {  	[sflag:s20] =	ssyncadd.s32 $0xFFFFC000  }
0x148: {  	[hbm4b:s9+s2] =	stream.linear.scatter [tilespmem:s12], [sflag:$0xB], $0x4000, $0x38;
	[tilespmem:$0x1C000] =	vst v63  }
0x149: {  	_ =	swait.ge [sflag:s22], $0x4000  }
0x14a: {  	[sflag:s22] =	ssyncset.done $0x0  }
0x14b: {  	[sflag:s22] =	ssyncadd.s32 $0xFFFFC000  }
0x14c: {  	[hbm4b:s7+s2] =	stream.linear.scatter [tilespmem:s10], [sflag:$0xC], $0x4000, $0x38;
	[tilespmem:$0x1C000] =	vst v63  }
0x14d: {  	_ =	swait.ge [sflag:s23], $0x4000  }
0x14e: {  	[sflag:s23] =	ssyncset.done $0x0  }
0x14f: {  	[sflag:s23] =	ssyncadd.s32 $0xFFFFC000  }
0x150: {  	_ =	swait.ge [sflag:s19], $0x4000  }
0x151: {  	[sflag:s19] =	ssyncset.done $0x0  }
0x152: {  	[sflag:s19] =	ssyncadd.s32 $0xFFFFC000  }
0x153: {  	_ =	swait.ge [sflag:s8], $0x4000  }
0x154: {  	[sflag:s8] =	ssyncset.done $0x0  }
0x155: {  	[sflag:s8] =	ssyncadd.s32 $0xFFFFC000  }
0x156: {  	_ =	swait.ge [sflag:s5], $0x4000  }
0x157: {  	[sflag:s5] =	ssyncset.done $0x0  }
0x158: {  	[sflag:s5] =	ssyncadd.s32 $0xFFFFC000  }
0x159: {  	_ =	swait.ge [sflag:s4], $0x4000  }
0x15a: {  	[sflag:s4] =	ssyncset.done $0x0  }
0x15b: {  	[sflag:s4] =	ssyncadd.s32 $0xFFFFC000  }
0x15c: {  	_ =	swait.ge [sflag:s3], $0x4000  }
0x15d: {  	[sflag:s3] =	ssyncset.done $0x0  }
0x15e: {  	[sflag:s3] =	ssyncadd.s32 $0xFFFFC000  }
0x15f: {  	_ =	swait.ge [sflag:s6], $0x4000  }
0x160: {  	[sflag:s6] =	ssyncset.done $0x0  }
0x161: {  	[sflag:s6] =	ssyncadd.s32 $0xFFFFC000  }
0x162: {  	_ =	sfence.sel $0x180000  }
0x163: {  	[bflag:$0x0] =	sbarrier.arrive $0xFFFF  }
0x164: {  	_ =	strace $0x90000047  }
0x165: {  	s31 =	stileid.u32;
	[bflag:$0x2] =	sbarrier.arrive $0xFFFF  }
0x166: {  	p0 =	sne.s32 s31, $0x0;
	s0 =	rddreg [dreg:$0x2]  }
0x167: {  	s0 =	sadd.s32 @!p0 $0x100000, s0  }
0x168: {  	[sflag:s0] =	ssyncadd.tile.s32 @!p0 $0x1;
	_ =	shalt  }
.Lfunc_end2:
_tile_overlayer_lowered:
.L_overlay_start_2:
0x169: {  	(tag) =	ssettag $0x2  }
0x16a: {  	s0 =	rddreg [dreg:$0x0];
	s2 =	stileid.u32  }
0x16b: {  	s1 =	rddreg [dreg:$0x1];
	p0 =	sne.s32 s2, $0x0  }
0x16c: {  	s3 =	rddreg [dreg:$0x2];
	[bflag:$0x3] =	sbarrier.arrive $0xFFFF;
	s2 =	simm.s32 @!p0 $0x1C0F  }
0x16d: {  	[timem:s3], [sflag:s2] =	dma.local @!p0 [hbm:s0], s1  }
0x16e: {  	s0 =	simm.s32 @!p0 $0xF  }
0x16f: {  	_ =	swait.ge @!p0 [sflag:s0], s1  }
0x170: {  	s1 =	ssub.s32 @!p0 $0x0, s1;
	[sflag:s0] =	ssyncset.done @!p0 $0x0  }
0x171: {  	[sflag:s0] =	ssyncadd.s32 @!p0 s1  }
0x172: {  	[bflag:$0x3] =	sbarrier.arrive $0xFFFF  }
0x173: {  	_ =	shalt  }

</sc_bundles>
